<compile_context>
chip_gen: v7x
topology: tpu7x:2x2x1
jax: 0.10.2.dev20260603
libtpu: 0.0.44.dev20260713+nightly
codegen_flags: <defaults>
</compile_context>

<pallas_src>
import functools

import jax
import jax.numpy as jnp
from jax import lax
from jax.experimental import pallas as pl
from jax.experimental.pallas import tpu as pltpu
from jax.experimental.pallas import tpu_sc as plsc

N = 10000
F = 16
P = 4
OUT = 256
HID = 128
ODIM = 12
E = 640000

NP_ = 10240
NROW = NP_ // 16
FB = 4
NC = 2
NS = 16
CH = 2000
MAGIC = 0x5F3759DF


def _fast_rsqrt(d):
    y = plsc.bitcast(MAGIC - (plsc.bitcast(d, jnp.int32) >> 1), jnp.float32)
    for _ in range(3):
        y = y * (1.5 - 0.5 * d * y * y)
    return y


def _sc_body(rowh, colh, ew, xt, out_hbm, dis_hbm, norm_hbm,
             deg_v, dis_v, tmp_v, x_blk, out_blk,
             ra, ca, wa, rb, cb, wb, sema, semb,
             shared_part, shared_sum):
    cid = lax.axis_index("c")
    tid = lax.axis_index("s")
    zero16 = jnp.zeros((16,), jnp.float32)
    nslice = NP_ // NS
    sbase = tid * nslice

    @plsc.parallel_loop(0, NP_ // 16, 1, unroll=8)
    def _(i):
        deg_v[pl.ds(i * 16, 16)] = zero16

    e1base = tid * (E // NS)

    def p1_chunk(k, _):
        pltpu.sync_copy(colh.at[pl.ds(e1base + k * CH, CH)], cb)
        pltpu.sync_copy(ew.at[pl.ds(e1base + k * CH, CH)], wb)

        @plsc.parallel_loop(0, CH // 16, 1, unroll=5)
        def _(g):
            c16 = cb[pl.ds(g * 16, 16)]
            w16 = wb[pl.ds(g * 16, 16)]
            plsc.addupdate_scatter(deg_v, [c16], w16)
        return 0
    lax.fori_loop(0, (E // NS) // CH, p1_chunk, 0)

    pltpu.sync_copy(deg_v, shared_part.at[tid])
    plsc.subcore_barrier()

    def zero_acc(i, _):
        deg_v[pl.ds(sbase + i * 16, 16)] = zero16
        return 0
    lax.fori_loop(0, nslice // 16, zero_acc, 0)
    for k in range(NS):
        pltpu.sync_copy(shared_part.at[k, pl.ds(sbase, nslice)], tmp_v)

        def acc_add(i, _):
            a = deg_v[pl.ds(sbase + i * 16, 16)]
            deg_v[pl.ds(sbase + i * 16, 16)] = a + tmp_v[pl.ds(i * 16, 16)]
            return 0
        lax.fori_loop(0, nslice // 16, acc_add, 0)
    pltpu.sync_copy(deg_v.at[pl.ds(sbase, nslice)],
                    shared_sum.at[pl.ds(sbase, nslice)])
    plsc.subcore_barrier()
    pltpu.sync_copy(shared_sum, deg_v)

    def mk_dis(i, _):
        dis_v[pl.ds(i * 16, 16)] = _fast_rsqrt(deg_v[pl.ds(i * 16, 16)] + 1.0)
        return 0
    lax.fori_loop(0, NP_ // 16, mk_dis, 0)

    @pl.when((tid == 0) & (cid == 0))
    def _():
        pltpu.sync_copy(dis_v, dis_hbm)

    nbase = cid * (E // NC) + tid * (E // (NC * NS))

    def p15_chunk(k, _):
        off = nbase + k * CH
        pltpu.sync_copy(rowh.at[pl.ds(off, CH)], ra)
        pltpu.sync_copy(colh.at[pl.ds(off, CH)], ca)
        pltpu.sync_copy(ew.at[pl.ds(off, CH)], wa)

        @plsc.parallel_loop(0, CH // 16, 1, unroll=5)
        def _(g):
            r16 = ra[pl.ds(g * 16, 16)]
            c16 = ca[pl.ds(g * 16, 16)]
            w16 = wa[pl.ds(g * 16, 16)]
            dr = plsc.load_gather(dis_v, [r16])
            dc = plsc.load_gather(dis_v, [c16])
            wb[pl.ds(g * 16, 16)] = w16 * dr * dc
        pltpu.sync_copy(wb, norm_hbm.at[pl.ds(off, CH)])
        return 0
    lax.fori_loop(0, (E // (NC * NS)) // CH, p15_chunk, 0)
    plsc.subcore_barrier()

    pltpu.sync_copy(xt.at[tid], x_blk)

    @plsc.parallel_loop(0, (NP_ * FB) // 16, 1, unroll=8)
    def _(i):
        out_blk[pl.ds(i * 16, 16)] = zero16

    e2base = cid * (E // NC)
    nch2 = (E // NC) // CH

    def _start(bufs, sem, cidx):
        off = e2base + cidx * CH
        pltpu.async_copy(rowh.at[pl.ds(off, CH)], bufs[0], sem)
        pltpu.async_copy(colh.at[pl.ds(off, CH)], bufs[1], sem)
        pltpu.async_copy(norm_hbm.at[pl.ds(off, CH)], bufs[2], sem)

    def _drain(bufs, sem):
        pltpu.make_async_copy(rowh.at[pl.ds(e2base, CH)], bufs[0], sem).wait()
        pltpu.make_async_copy(colh.at[pl.ds(e2base, CH)], bufs[1], sem).wait()
        pltpu.make_async_copy(ew.at[pl.ds(e2base, CH)], bufs[2], sem).wait()

    def _process(bufs):
        @plsc.parallel_loop(0, CH // 16, 1, unroll=5)
        def _(g):
            r16 = bufs[0][pl.ds(g * 16, 16)]
            c16 = bufs[1][pl.ds(g * 16, 16)]
            nrm = bufs[2][pl.ds(g * 16, 16)]
            for j in range(FB):
                xv = plsc.load_gather(x_blk, [r16 + j * NP_])
                plsc.addupdate_scatter(out_blk, [c16 + j * NP_], xv * nrm)

    bufs_a = (ra, ca, wa)
    bufs_b = (rb, cb, wb)
    _start(bufs_a, sema, 0)

    def p2_pair(k, _):
        c0 = 2 * k
        _start(bufs_b, semb, c0 + 1)
        _drain(bufs_a, sema)
        _process(bufs_a)

        @pl.when(c0 + 2 < nch2)
        def _():
            _start(bufs_a, sema, c0 + 2)
        _drain(bufs_b, semb)
        _process(bufs_b)
        return 0
    lax.fori_loop(0, nch2 // 2, p2_pair, 0)

    pltpu.sync_copy(out_blk, out_hbm.at[cid, tid])


def _sc_spmm(edge_index, edge_attr, xt):
    mesh = plsc.VectorSubcoreMesh(core_axis_name="c", subcore_axis_name="s",
                                  num_cores=NC, num_subcores=NS)
    fn = pl.kernel(
        _sc_body,
        out_type=[
            jax.ShapeDtypeStruct((NC, NS, NP_ * FB), jnp.float32),
            jax.ShapeDtypeStruct((NP_,), jnp.float32),
            jax.ShapeDtypeStruct((E,), jnp.float32),
        ],
        mesh=mesh,
        scratch_types=[
            pltpu.VMEM((NP_,), jnp.float32),
            pltpu.VMEM((NP_,), jnp.float32),
            pltpu.VMEM((NP_ // NS,), jnp.float32),
            pltpu.VMEM((NP_ * FB,), jnp.float32),
            pltpu.VMEM((NP_ * FB,), jnp.float32),
            pltpu.VMEM((CH,), jnp.int32),
            pltpu.VMEM((CH,), jnp.int32),
            pltpu.VMEM((CH,), jnp.float32),
            pltpu.VMEM((CH,), jnp.int32),
            pltpu.VMEM((CH,), jnp.int32),
            pltpu.VMEM((CH,), jnp.float32),
            pltpu.SemaphoreType.DMA,
            pltpu.SemaphoreType.DMA,
            pltpu.MemorySpace.VMEM_SHARED((NS, NP_), jnp.float32),
            pltpu.MemorySpace.VMEM_SHARED((NP_,), jnp.float32),
        ],
        compiler_params=pltpu.CompilerParams(needs_layout_passes=False),
    )
    return fn(edge_index[0], edge_index[1], edge_attr, xt)


def _tc_body(ax_ref, x_ref, dis_ref, wzc, wzl, bzc, bzl, whc, whl, bhc, bhl,
             att_ref, w1, b1, w2, b2, out_ref, hid_ref):
    parts = ax_ref[...]
    dis = dis_ref[...]
    ax = parts[0] + parts[1] + x_ref[...] * (dis * dis)

    mz = jnp.dot(wzc[...], wzl[...], preferred_element_type=jnp.float32)
    cz = jnp.dot(bzc[...], wzl[...], preferred_element_type=jnp.float32) + bzl[...]
    mh = jnp.dot(whc[...], whl[...], preferred_element_type=jnp.float32)
    ch = jnp.dot(bhc[...], whl[...], preferred_element_type=jnp.float32) + bhl[...]

    a = att_ref[...]
    e = jnp.exp(a - jnp.max(a))
    pr = e / jnp.sum(e)

    hacc = jnp.zeros(hid_ref.shape, jnp.float32)
    for p in range(P):
        axp = ax[:, p * F:(p + 1) * F]
        az = jnp.dot(axp, mz, preferred_element_type=jnp.float32) + cz
        ah = jnp.dot(axp, mh, preferred_element_type=jnp.float32) + ch
        hacc = hacc + pr[0, p] * (1.0 - jax.nn.sigmoid(az)) * jnp.tanh(ah)
    hid_ref[...] = hacc
    h = jax.nn.relu(hacc)
    h = jax.nn.relu(jnp.dot(h, w1[...], preferred_element_type=jnp.float32)
                    + b1[...])
    out_ref[...] = jnp.dot(h, w2[...], preferred_element_type=jnp.float32) \
        + b2[...]


def _tc_dense(axparts, x64, dis, Wz_c, Wz_lt, bz_c, bz_l, Wh_c, Wh_lt,
              bh_c, bh_l, att, W1, b1, W2, b2):
    BN = 1024
    grid = (NP_ // BN,)
    full = lambda shape: pl.BlockSpec(shape, lambda i: (0,) * len(shape))
    return pl.pallas_call(
        _tc_body,
        grid=grid,
        in_specs=[
            pl.BlockSpec((NC, BN, F * P), lambda i: (0, i, 0)),
            pl.BlockSpec((BN, F * P), lambda i: (i, 0)),
            pl.BlockSpec((BN, 1), lambda i: (i, 0)),
            full((F, OUT)), full((OUT, OUT)), full((1, OUT)), full((1, OUT)),
            full((F, OUT)), full((OUT, OUT)), full((1, OUT)), full((1, OUT)),
            full((1, P)),
            full((OUT, HID)), full((1, HID)), full((HID, ODIM)),
            full((1, ODIM)),
        ],
        out_specs=[
            pl.BlockSpec((BN, ODIM), lambda i: (i, 0)),
            pl.BlockSpec((BN, OUT), lambda i: (i, 0)),
        ],
        out_shape=[
            jax.ShapeDtypeStruct((NP_, ODIM), jnp.float32),
            jax.ShapeDtypeStruct((NP_, OUT), jnp.float32),
        ],
    )(axparts, x64, dis, Wz_c, Wz_lt, bz_c, bz_l, Wh_c, Wh_lt, bh_c, bh_l,
      att, W1, b1, W2, b2)


def kernel(x, edge_index, edge_attr, Wz_c, bz_c, Wr_c, br_c, Wh_c, bh_c,
           Wz_l, bz_l, Wr_l, br_l, Wh_l, bh_l, att, W1, b1, W2, b2):
    x64 = jnp.transpose(x, (0, 2, 1)).reshape(N, P * F)
    x64 = jnp.pad(x64, ((0, NP_ - N), (0, 0)))
    xt = x64.reshape(NP_, NS, FB).transpose(1, 2, 0).reshape(NS, NP_ * FB)

    parts, dis, _ = _sc_spmm(edge_index, edge_attr, xt)

    axparts = parts.reshape(NC, NS, FB, NP_).transpose(0, 3, 1, 2) \
        .reshape(NC, NP_, F * P)
    out, hid = _tc_dense(
        axparts, x64, dis.reshape(NP_, 1),
        Wz_c, Wz_l[:OUT], bz_c.reshape(1, OUT), bz_l.reshape(1, OUT),
        Wh_c, Wh_l[:OUT], bh_c.reshape(1, OUT), bh_l.reshape(1, OUT),

        att.reshape(1, P), W1, b1.reshape(1, HID), W2, b2.reshape(1, ODIM))
    return (out[:N], hid[:N])

# --- scband reference (transcript-rebuilt; emitter-appended) ---
"""Pipeline reference for scband-temporal-gnn-31722628448359 (READ-ONLY COPY).

The authoritative reference and input builder live on the scoring server;
editing this copy changes nothing except your own understanding.
"""

import jax, jax.numpy as jnp
import numpy as np

N = 10000
F = 16
P = 4
OUT = 256
HID = 128
ODIM = 12
E = 640000


def setup_inputs(seed: int = 0):
    key = jax.random.key(seed)
    ks = jax.random.split(key, 24)

    def nrm(k, shape, scale):
        return jax.random.normal(k, shape, jnp.float32) * scale

    inp = {}
    inp["x"] = nrm(ks[0], (N, F, P), 1.0)
    inp["edge_index"] = jax.random.randint(ks[1], (2, E), 0, N, dtype=jnp.int32)
    inp["edge_attr"] = jax.random.uniform(ks[2], (E,), jnp.float32)
    # GCNConv weights (in_channels=F, out_channels=256) for z, r, h gates
    inp["Wz_c"] = nrm(ks[3], (F, OUT), 1.0 / np.sqrt(F))
    inp["bz_c"] = jnp.zeros((OUT,), jnp.float32)
    inp["Wr_c"] = nrm(ks[4], (F, OUT), 1.0 / np.sqrt(F))
    inp["br_c"] = jnp.zeros((OUT,), jnp.float32)
    inp["Wh_c"] = nrm(ks[5], (F, OUT), 1.0 / np.sqrt(F))
    inp["bh_c"] = jnp.zeros((OUT,), jnp.float32)
    # TGCN gate linear layers: Linear(2*256 -> 256)
    inp["Wz_l"] = nrm(ks[6], (2 * OUT, OUT), 1.0 / np.sqrt(2 * OUT))
    inp["bz_l"] = jnp.zeros((OUT,), jnp.float32)
    inp["Wr_l"] = nrm(ks[7], (2 * OUT, OUT), 1.0 / np.sqrt(2 * OUT))
    inp["br_l"] = jnp.zeros((OUT,), jnp.float32)
    inp["Wh_l"] = nrm(ks[8], (2 * OUT, OUT), 1.0 / np.sqrt(2 * OUT))
    inp["bh_l"] = jnp.zeros((OUT,), jnp.float32)
    # A3TGCN temporal attention parameter (uniform init like torch.nn.init.uniform_)
    inp["att"] = jax.random.uniform(ks[9], (P,), jnp.float32)
    # head: Linear(256 -> 128), Linear(128 -> output_dim)
    inp["W1"] = nrm(ks[10], (OUT, HID), 1.0 / np.sqrt(OUT))
    inp["b1"] = jnp.zeros((HID,), jnp.float32)
    inp["W2"] = nrm(ks[11], (HID, ODIM), 1.0 / np.sqrt(HID))
    inp["b2"] = jnp.zeros((ODIM,), jnp.float32)
    return inp


def reference(x, edge_index, edge_attr, Wz_c, bz_c, Wr_c, br_c, Wh_c, bh_c,
              Wz_l, bz_l, Wr_l, br_l, Wh_l, bh_l, att, W1, b1, W2, b2):
    row = edge_index[0]
    col = edge_index[1]
    loop = jnp.arange(N, dtype=row.dtype)
    row_f = jnp.concatenate([row, loop])
    col_f = jnp.concatenate([col, loop])
    ew = jnp.concatenate([edge_attr, jnp.ones((N,), jnp.float32)])
    # gcn_norm: deg = scatter_add(edge_weight at col); D^-1/2 A_hat D^-1/2
    deg = jnp.zeros((N,), jnp.float32).at[col_f].add(ew)
    dis = jnp.where(deg > 0, jax.lax.rsqrt(deg), 0.0)
    norm = dis[row_f] * ew * dis[col_f]

    def gcn(xp, W, b):
        xw = xp @ W
        msg = norm[:, None] * jnp.take(xw, row_f, axis=0)
        agg = jnp.zeros((N, OUT), jnp.float32).at[col_f].add(msg)
        return agg + b

    H0 = jnp.zeros((N, OUT), jnp.float32)

    def tgcn_step(xp):
        Z = jax.nn.sigmoid(jnp.concatenate([gcn(xp, Wz_c, bz_c), H0], axis=1) @ Wz_l + bz_l)
        R = jax.nn.sigmoid(jnp.concatenate([gcn(xp, Wr_c, br_c), H0], axis=1) @ Wr_l + br_l)
        Ht = jnp.tanh(jnp.concatenate([gcn(xp, Wh_c, bh_c), H0 * R], axis=1) @ Wh_l + bh_l)
        return Z * H0 + (1.0 - Z) * Ht

    probs = jax.nn.softmax(att, axis=0)
    Hacc = jnp.zeros((N, OUT), jnp.float32)
    for p in range(P):
        Hacc = Hacc + probs[p] * tgcn_step(x[:, :, p])
    out_hidden = Hacc
    h = jax.nn.relu(Hacc)
    h = jax.nn.relu(h @ W1 + b1)
    h = h @ W2 + b2
    return (h, out_hidden)

if __name__ == "__main__":
    import jax
    _d = setup_inputs()
    print(jax.jit(kernel)(*tuple(_d.values())))

</pallas_src>

<mosaic_0001>
#map = affine_map<(d0, d1) -> (0)>
#map1 = affine_map<(d0, d1) -> (0, 0)>
#map2 = affine_map<(d0, d1) -> (0, 0, 0)>
module attributes {stable_mosaic.version = 14 : i64} {
  func.func @_sc_body(%arg0: i32, %arg1: i32, %arg2: memref<640000xi32, #tpu.memory_space<hbm>>, %arg3: memref<640000xi32, #tpu.memory_space<hbm>>, %arg4: memref<640000xf32, #tpu.memory_space<hbm>>, %arg5: memref<16x40960xf32, #tpu.memory_space<hbm>>, %arg6: memref<2x16x40960xf32, #tpu.memory_space<hbm>>, %arg7: memref<10240xf32, #tpu.memory_space<hbm>>, %arg8: memref<640000xf32, #tpu.memory_space<hbm>>, %arg9: memref<10240xf32, #tpu.memory_space<vmem>>, %arg10: memref<10240xf32, #tpu.memory_space<vmem>>, %arg11: memref<640xf32, #tpu.memory_space<vmem>>, %arg12: memref<40960xf32, #tpu.memory_space<vmem>>, %arg13: memref<40960xf32, #tpu.memory_space<vmem>>, %arg14: memref<2000xi32, #tpu.memory_space<vmem>>, %arg15: memref<2000xi32, #tpu.memory_space<vmem>>, %arg16: memref<2000xf32, #tpu.memory_space<vmem>>, %arg17: memref<2000xi32, #tpu.memory_space<vmem>>, %arg18: memref<2000xi32, #tpu.memory_space<vmem>>, %arg19: memref<2000xf32, #tpu.memory_space<vmem>>, %arg20: memref<!tpu.dma_semaphore, #tpu.memory_space<semaphore_mem>>, %arg21: memref<!tpu.dma_semaphore, #tpu.memory_space<semaphore_mem>>, %arg22: memref<16x10240xf32, #tpu.memory_space<vmem_shared>>, %arg23: memref<10240xf32, #tpu.memory_space<vmem_shared>>) attributes {dimension_semantics = [#tpu.dimension_semantics<core_parallel>, #tpu.dimension_semantics<subcore_parallel>], iteration_bounds = array<i64: 2, 16>, scalar_prefetch = 0 : i64, scratch_operands = 15 : i64, tpu.core_type = #tpu.core_type<sc_vector_subcore>, window_params = [{transform_indices = #map}, {transform_indices = #map}, {transform_indices = #map}, {transform_indices = #map1}, {transform_indices = #map2}, {transform_indices = #map}, {transform_indices = #map}]} {
    %broadcast_in_dim3A = arith.constant 0.000000e+00 : f32
    %broadcast_in_dim3A_0 = vector.broadcast %broadcast_in_dim3A : f32 to vector<16xf32>
    %mul3A = arith.constant 640 : i32
    %mul3A_1 = arith.muli %arg1, %mul3A : i32
    %parallel_loop3A = arith.constant 0 : i32
    %parallel_loop3A_2 = arith.constant 640 : i32
    %parallel_loop3A_3 = arith.constant 1 : i32
    scf.for %parallel_loop3A_189 = %parallel_loop3A to %parallel_loop3A_2 step %parallel_loop3A_3  : i32 {
      %parallel_loop3A_190 = arith.constant 16 : i32
      %parallel_loop3A_191 = arith.muli %parallel_loop3A_189, %parallel_loop3A_190 : i32
      %parallel_loop3A_192 = arith.index_cast %parallel_loop3A_191 : i32 to index
      %parallel_loop3A_193 = tpu.vector_load %arg9[%parallel_loop3A_192] {strides = array<i32>} : memref<10240xf32, #tpu.memory_space<vmem>>, vector<16xf32>,
      tpu.vector_store %arg9[%parallel_loop3A_192], %broadcast_in_dim3A_0 {strides = array<i32>} : memref<10240xf32, #tpu.memory_space<vmem>>, vector<16xf32>,
    } {sc.loop_unroll_factor = 8 : i64, sc.parallel_access}
    %mul3A_4 = arith.constant 40000 : i32
    %mul3A_5 = arith.muli %arg1, %mul3A_4 : i32
    %scan3A = arith.constant 0 : i32
    %scan3A_6 = arith.constant 0 : i32
    %scan3A_7 = arith.constant 20 : i32
    %scan3A_8 = arith.addi %scan3A_6, %scan3A_7 : i32
    %scan3A_9 = arith.constant 1 : i32
    %scan3A_10 = scf.for %scan3A_189 = %scan3A_6 to %scan3A_8 step %scan3A_9 iter_args(%scan3A_190 = %scan3A) -> (i32)  : i32 {
      %mul3A_191 = arith.constant 2000 : i32
      %mul3A_192 = arith.muli %scan3A_189, %mul3A_191 : i32
      %add3A_193 = arith.addi %mul3A_5, %mul3A_192 : i32
      "tpu.region"() ({
        %run_scoped3A_201 = tpu.sem_alloc : memref<!tpu.dma_semaphore, #tpu.memory_space<semaphore_mem>>
        %dma_start3A_202 = tpu.memref_slice %arg3[%add3A_193] : memref<640000xi32, #tpu.memory_space<hbm>> -> memref<2000xi32, #tpu.memory_space<hbm>>
        %dma_start3A_203 = tpu.memref_slice %arg3[%add3A_193] : memref<640000xi32, #tpu.memory_space<hbm>> -> memref<2000xi32, #tpu.memory_space<hbm>>
        tpu.enqueue_dma source(%dma_start3A_203 : memref<2000xi32, #tpu.memory_space<hbm>>) target(%arg18 : memref<2000xi32, #tpu.memory_space<vmem>>) target_semaphore(%run_scoped3A_201 : memref<!tpu.dma_semaphore, #tpu.memory_space<semaphore_mem>>)
        %dma_wait3A = tpu.memref_slice %arg3[%add3A_193] : memref<640000xi32, #tpu.memory_space<hbm>> -> memref<2000xi32, #tpu.memory_space<hbm>>
        %dma_wait3A_204 = tpu.memref_slice %arg3[%add3A_193] : memref<640000xi32, #tpu.memory_space<hbm>> -> memref<2000xi32, #tpu.memory_space<hbm>>
        tpu.wait_dma2 semaphore(%run_scoped3A_201 : memref<!tpu.dma_semaphore, #tpu.memory_space<semaphore_mem>>) src(%dma_wait3A_204 : memref<2000xi32, #tpu.memory_space<hbm>>) dst(%arg18 : memref<2000xi32, #tpu.memory_space<vmem>>)
        tpu.yield
      }) : () -> ()
      %mul3A_194 = arith.constant 2000 : i32
      %mul3A_195 = arith.muli %scan3A_189, %mul3A_194 : i32
      %add3A_196 = arith.addi %mul3A_5, %mul3A_195 : i32
      "tpu.region"() ({
        %run_scoped3A_201 = tpu.sem_alloc : memref<!tpu.dma_semaphore, #tpu.memory_space<semaphore_mem>>
        %dma_start3A_202 = tpu.memref_slice %arg4[%add3A_196] : memref<640000xf32, #tpu.memory_space<hbm>> -> memref<2000xf32, #tpu.memory_space<hbm>>
        %dma_start3A_203 = tpu.memref_slice %arg4[%add3A_196] : memref<640000xf32, #tpu.memory_space<hbm>> -> memref<2000xf32, #tpu.memory_space<hbm>>
        tpu.enqueue_dma source(%dma_start3A_203 : memref<2000xf32, #tpu.memory_space<hbm>>) target(%arg19 : memref<2000xf32, #tpu.memory_space<vmem>>) target_semaphore(%run_scoped3A_201 : memref<!tpu.dma_semaphore, #tpu.memory_space<semaphore_mem>>)
        %dma_wait3A = tpu.memref_slice %arg4[%add3A_196] : memref<640000xf32, #tpu.memory_space<hbm>> -> memref<2000xf32, #tpu.memory_space<hbm>>
        %dma_wait3A_204 = tpu.memref_slice %arg4[%add3A_196] : memref<640000xf32, #tpu.memory_space<hbm>> -> memref<2000xf32, #tpu.memory_space<hbm>>
        tpu.wait_dma2 semaphore(%run_scoped3A_201 : memref<!tpu.dma_semaphore, #tpu.memory_space<semaphore_mem>>) src(%dma_wait3A_204 : memref<2000xf32, #tpu.memory_space<hbm>>) dst(%arg19 : memref<2000xf32, #tpu.memory_space<vmem>>)
        tpu.yield
      }) : () -> ()
      %parallel_loop3A_197 = arith.constant 0 : i32
      %parallel_loop3A_198 = arith.constant 125 : i32
      %parallel_loop3A_199 = arith.constant 1 : i32
      scf.for %parallel_loop3A_201 = %parallel_loop3A_197 to %parallel_loop3A_198 step %parallel_loop3A_199  : i32 {
        %parallel_loop3A_202 = arith.constant 16 : i32
        %parallel_loop3A_203 = arith.muli %parallel_loop3A_201, %parallel_loop3A_202 : i32
        %parallel_loop3A_204 = arith.index_cast %parallel_loop3A_203 : i32 to index
        %parallel_loop3A_205 = tpu.vector_load %arg18[%parallel_loop3A_204] {strides = array<i32>} : memref<2000xi32, #tpu.memory_space<vmem>>, vector<16xi32>,
        %parallel_loop3A_206 = arith.constant 16 : i32
        %parallel_loop3A_207 = arith.muli %parallel_loop3A_201, %parallel_loop3A_206 : i32
        %parallel_loop3A_208 = arith.index_cast %parallel_loop3A_207 : i32 to index
        %parallel_loop3A_209 = tpu.vector_load %arg19[%parallel_loop3A_208] {strides = array<i32>} : memref<2000xf32, #tpu.memory_space<vmem>>, vector<16xf32>,
        tpu.vector_store_idx %arg9[%parallel_loop3A_205], %parallel_loop3A_209 {add = true} : memref<10240xf32, #tpu.memory_space<vmem>>[vector<16xi32>], vector<16xf32>,
      } {sc.loop_unroll_factor = 5 : i64, sc.parallel_access}
      %scan3A_200 = arith.constant 0 : i32
      scf.yield %scan3A_200 : i32
    }
    %scan3A_11 = arith.constant 20 : i32
    "tpu.region"() ({
      %run_scoped3A_189 = tpu.sem_alloc : memref<!tpu.dma_semaphore, #tpu.memory_space<semaphore_mem>>
      %dma_start3A_190 = arith.constant 0 : i32
      %dma_start3A_191 = tpu.memref_slice %arg22[%arg1, %dma_start3A_190] : memref<16x10240xf32, #tpu.memory_space<vmem_shared>> -> memref<1x10240xf32, #tpu.memory_space<vmem_shared>>
      %dma_start3A_192 = tpu.memref_squeeze %dma_start3A_191 : memref<1x10240xf32, #tpu.memory_space<vmem_shared>> -> memref<10240xf32, #tpu.memory_space<vmem_shared>>
      %dma_start3A_193 = arith.constant 0 : i32
      %dma_start3A_194 = tpu.memref_slice %arg22[%arg1, %dma_start3A_193] : memref<16x10240xf32, #tpu.memory_space<vmem_shared>> -> memref<1x10240xf32, #tpu.memory_space<vmem_shared>>
      %dma_start3A_195 = tpu.memref_squeeze %dma_start3A_194 : memref<1x10240xf32, #tpu.memory_space<vmem_shared>> -> memref<10240xf32, #tpu.memory_space<vmem_shared>>
      tpu.enqueue_dma source(%arg9 : memref<10240xf32, #tpu.memory_space<vmem>>) target(%dma_start3A_195 : memref<10240xf32, #tpu.memory_space<vmem_shared>>) target_semaphore(%run_scoped3A_189 : memref<!tpu.dma_semaphore, #tpu.memory_space<semaphore_mem>>)
      %dma_wait3A = arith.constant 0 : i32
      %dma_wait3A_196 = tpu.memref_slice %arg22[%arg1, %dma_wait3A] : memref<16x10240xf32, #tpu.memory_space<vmem_shared>> -> memref<1x10240xf32, #tpu.memory_space<vmem_shared>>
      %dma_wait3A_197 = tpu.memref_squeeze %dma_wait3A_196 : memref<1x10240xf32, #tpu.memory_space<vmem_shared>> -> memref<10240xf32, #tpu.memory_space<vmem_shared>>
      %dma_wait3A_198 = arith.constant 0 : i32
      %dma_wait3A_199 = tpu.memref_slice %arg22[%arg1, %dma_wait3A_198] : memref<16x10240xf32, #tpu.memory_space<vmem_shared>> -> memref<1x10240xf32, #tpu.memory_space<vmem_shared>>
      %dma_wait3A_200 = tpu.memref_squeeze %dma_wait3A_199 : memref<1x10240xf32, #tpu.memory_space<vmem_shared>> -> memref<10240xf32, #tpu.memory_space<vmem_shared>>
      tpu.wait_dma2 semaphore(%run_scoped3A_189 : memref<!tpu.dma_semaphore, #tpu.memory_space<semaphore_mem>>) src(%arg9 : memref<10240xf32, #tpu.memory_space<vmem>>) dst(%dma_wait3A_200 : memref<10240xf32, #tpu.memory_space<vmem_shared>>)
      tpu.yield
    }) : () -> ()
    %barrier3A = arith.constant 0 : index
    tpu.barrier barrier_id(%barrier3A)
    %scan3A_12 = arith.constant 0 : i32
    %scan3A_13 = arith.constant 0 : i32
    %scan3A_14 = arith.constant 40 : i32
    %scan3A_15 = arith.addi %scan3A_13, %scan3A_14 : i32
    %scan3A_16 = arith.constant 1 : i32
    %scan3A_17 = scf.for %scan3A_189 = %scan3A_13 to %scan3A_15 step %scan3A_16 iter_args(%scan3A_190 = %scan3A_12) -> (i32)  : i32 {
      %mul3A_191 = arith.constant 16 : i32
      %mul3A_192 = arith.muli %scan3A_189, %mul3A_191 : i32
      %add3A_193 = arith.addi %mul3A_1, %mul3A_192 : i32
      %swap3A = arith.index_cast %add3A_193 : i32 to index
      %swap3A_194 = tpu.vector_load %arg9[%swap3A] {strides = array<i32>} : memref<10240xf32, #tpu.memory_space<vmem>>, vector<16xf32>,
      tpu.vector_store %arg9[%swap3A], %broadcast_in_dim3A_0 {strides = array<i32>} : memref<10240xf32, #tpu.memory_space<vmem>>, vector<16xf32>,
      %scan3A_195 = arith.constant 0 : i32
      scf.yield %scan3A_195 : i32
    }
    %scan3A_18 = arith.constant 40 : i32
    %run_scoped3A = arith.constant 0 : i32
    "tpu.region"() ({
      %run_scoped3A_189 = tpu.sem_alloc : memref<!tpu.dma_semaphore, #tpu.memory_space<semaphore_mem>>
      %dma_start3A_190 = tpu.memref_slice %arg22[%run_scoped3A, %mul3A_1] : memref<16x10240xf32, #tpu.memory_space<vmem_shared>> -> memref<1x640xf32, #tpu.memory_space<vmem_shared>>
      %dma_start3A_191 = tpu.memref_squeeze %dma_start3A_190 : memref<1x640xf32, #tpu.memory_space<vmem_shared>> -> memref<640xf32, #tpu.memory_space<vmem_shared>>
      %dma_start3A_192 = tpu.memref_slice %arg22[%run_scoped3A, %mul3A_1] : memref<16x10240xf32, #tpu.memory_space<vmem_shared>> -> memref<1x640xf32, #tpu.memory_space<vmem_shared>>
      %dma_start3A_193 = tpu.memref_squeeze %dma_start3A_192 : memref<1x640xf32, #tpu.memory_space<vmem_shared>> -> memref<640xf32, #tpu.memory_space<vmem_shared>>
      tpu.enqueue_dma source(%dma_start3A_193 : memref<640xf32, #tpu.memory_space<vmem_shared>>) target(%arg11 : memref<640xf32, #tpu.memory_space<vmem>>) target_semaphore(%run_scoped3A_189 : memref<!tpu.dma_semaphore, #tpu.memory_space<semaphore_mem>>)
      %dma_wait3A = tpu.memref_slice %arg22[%run_scoped3A, %mul3A_1] : memref<16x10240xf32, #tpu.memory_space<vmem_shared>> -> memref<1x640xf32, #tpu.memory_space<vmem_shared>>
      %dma_wait3A_194 = tpu.memref_squeeze %dma_wait3A : memref<1x640xf32, #tpu.memory_space<vmem_shared>> -> memref<640xf32, #tpu.memory_space<vmem_shared>>
      %dma_wait3A_195 = tpu.memref_slice %arg22[%run_scoped3A, %mul3A_1] : memref<16x10240xf32, #tpu.memory_space<vmem_shared>> -> memref<1x640xf32, #tpu.memory_space<vmem_shared>>
      %dma_wait3A_196 = tpu.memref_squeeze %dma_wait3A_195 : memref<1x640xf32, #tpu.memory_space<vmem_shared>> -> memref<640xf32, #tpu.memory_space<vmem_shared>>
      tpu.wait_dma2 semaphore(%run_scoped3A_189 : memref<!tpu.dma_semaphore, #tpu.memory_space<semaphore_mem>>) src(%dma_wait3A_196 : memref<640xf32, #tpu.memory_space<vmem_shared>>) dst(%arg11 : memref<640xf32, #tpu.memory_space<vmem>>)
      tpu.yield
    }) : () -> ()
    %scan3A_19 = arith.constant 0 : i32
    %scan3A_20 = arith.constant 0 : i32
    %scan3A_21 = arith.constant 40 : i32
    %scan3A_22 = arith.addi %scan3A_20, %scan3A_21 : i32
    %scan3A_23 = arith.constant 1 : i32
    %scan3A_24 = scf.for %scan3A_189 = %scan3A_20 to %scan3A_22 step %scan3A_23 iter_args(%scan3A_190 = %scan3A_19) -> (i32)  : i32 {
      %mul3A_191 = arith.constant 16 : i32
      %mul3A_192 = arith.muli %scan3A_189, %mul3A_191 : i32
      %add3A_193 = arith.addi %mul3A_1, %mul3A_192 : i32
      %get3A = arith.index_cast %add3A_193 : i32 to index
      %get3A_194 = tpu.vector_load %arg9[%get3A] {strides = array<i32>} : memref<10240xf32, #tpu.memory_space<vmem>>, vector<16xf32>,
      %mul3A_195 = arith.constant 16 : i32
      %mul3A_196 = arith.muli %scan3A_189, %mul3A_195 : i32
      %get3A_197 = arith.index_cast %mul3A_196 : i32 to index
      %get3A_198 = tpu.vector_load %arg11[%get3A_197] {strides = array<i32>} : memref<640xf32, #tpu.memory_space<vmem>>, vector<16xf32>,
      %add3A_199 = arith.addf %get3A_194, %get3A_198 : vector<16xf32>
      %mul3A_200 = arith.constant 16 : i32
      %mul3A_201 = arith.muli %scan3A_189, %mul3A_200 : i32
      %add3A_202 = arith.addi %mul3A_1, %mul3A_201 : i32
      %swap3A = arith.index_cast %add3A_202 : i32 to index
      %swap3A_203 = tpu.vector_load %arg9[%swap3A] {strides = array<i32>} : memref<10240xf32, #tpu.memory_space<vmem>>, vector<16xf32>,
      tpu.vector_store %arg9[%swap3A], %add3A_199 {strides = array<i32>} : memref<10240xf32, #tpu.memory_space<vmem>>, vector<16xf32>,
      %scan3A_204 = arith.constant 0 : i32
      scf.yield %scan3A_204 : i32
    }
    %scan3A_25 = arith.constant 40 : i32
    %run_scoped3A_26 = arith.constant 1 : i32
    "tpu.region"() ({
      %run_scoped3A_189 = tpu.sem_alloc : memref<!tpu.dma_semaphore, #tpu.memory_space<semaphore_mem>>
      %dma_start3A_190 = tpu.memref_slice %arg22[%run_scoped3A_26, %mul3A_1] : memref<16x10240xf32, #tpu.memory_space<vmem_shared>> -> memref<1x640xf32, #tpu.memory_space<vmem_shared>>
      %dma_start3A_191 = tpu.memref_squeeze %dma_start3A_190 : memref<1x640xf32, #tpu.memory_space<vmem_shared>> -> memref<640xf32, #tpu.memory_space<vmem_shared>>
      %dma_start3A_192 = tpu.memref_slice %arg22[%run_scoped3A_26, %mul3A_1] : memref<16x10240xf32, #tpu.memory_space<vmem_shared>> -> memref<1x640xf32, #tpu.memory_space<vmem_shared>>
      %dma_start3A_193 = tpu.memref_squeeze %dma_start3A_192 : memref<1x640xf32, #tpu.memory_space<vmem_shared>> -> memref<640xf32, #tpu.memory_space<vmem_shared>>
      tpu.enqueue_dma source(%dma_start3A_193 : memref<640xf32, #tpu.memory_space<vmem_shared>>) target(%arg11 : memref<640xf32, #tpu.memory_space<vmem>>) target_semaphore(%run_scoped3A_189 : memref<!tpu.dma_semaphore, #tpu.memory_space<semaphore_mem>>)
      %dma_wait3A = tpu.memref_slice %arg22[%run_scoped3A_26, %mul3A_1] : memref<16x10240xf32, #tpu.memory_space<vmem_shared>> -> memref<1x640xf32, #tpu.memory_space<vmem_shared>>
      %dma_wait3A_194 = tpu.memref_squeeze %dma_wait3A : memref<1x640xf32, #tpu.memory_space<vmem_shared>> -> memref<640xf32, #tpu.memory_space<vmem_shared>>
      %dma_wait3A_195 = tpu.memref_slice %arg22[%run_scoped3A_26, %mul3A_1] : memref<16x10240xf32, #tpu.memory_space<vmem_shared>> -> memref<1x640xf32, #tpu.memory_space<vmem_shared>>
      %dma_wait3A_196 = tpu.memref_squeeze %dma_wait3A_195 : memref<1x640xf32, #tpu.memory_space<vmem_shared>> -> memref<640xf32, #tpu.memory_space<vmem_shared>>
      tpu.wait_dma2 semaphore(%run_scoped3A_189 : memref<!tpu.dma_semaphore, #tpu.memory_space<semaphore_mem>>) src(%dma_wait3A_196 : memref<640xf32, #tpu.memory_space<vmem_shared>>) dst(%arg11 : memref<640xf32, #tpu.memory_space<vmem>>)
      tpu.yield
    }) : () -> ()
    %scan3A_27 = arith.constant 0 : i32
    %scan3A_28 = arith.constant 0 : i32
    %scan3A_29 = arith.constant 40 : i32
    %scan3A_30 = arith.addi %scan3A_28, %scan3A_29 : i32
    %scan3A_31 = arith.constant 1 : i32
    %scan3A_32 = scf.for %scan3A_189 = %scan3A_28 to %scan3A_30 step %scan3A_31 iter_args(%scan3A_190 = %scan3A_27) -> (i32)  : i32 {
      %mul3A_191 = arith.constant 16 : i32
      %mul3A_192 = arith.muli %scan3A_189, %mul3A_191 : i32
      %add3A_193 = arith.addi %mul3A_1, %mul3A_192 : i32
      %get3A = arith.index_cast %add3A_193 : i32 to index
      %get3A_194 = tpu.vector_load %arg9[%get3A] {strides = array<i32>} : memref<10240xf32, #tpu.memory_space<vmem>>, vector<16xf32>,
      %mul3A_195 = arith.constant 16 : i32
      %mul3A_196 = arith.muli %scan3A_189, %mul3A_195 : i32
      %get3A_197 = arith.index_cast %mul3A_196 : i32 to index
      %get3A_198 = tpu.vector_load %arg11[%get3A_197] {strides = array<i32>} : memref<640xf32, #tpu.memory_space<vmem>>, vector<16xf32>,
      %add3A_199 = arith.addf %get3A_194, %get3A_198 : vector<16xf32>
      %mul3A_200 = arith.constant 16 : i32
      %mul3A_201 = arith.muli %scan3A_189, %mul3A_200 : i32
      %add3A_202 = arith.addi %mul3A_1, %mul3A_201 : i32
      %swap3A = arith.index_cast %add3A_202 : i32 to index
      %swap3A_203 = tpu.vector_load %arg9[%swap3A] {strides = array<i32>} : memref<10240xf32, #tpu.memory_space<vmem>>, vector<16xf32>,
      tpu.vector_store %arg9[%swap3A], %add3A_199 {strides = array<i32>} : memref<10240xf32, #tpu.memory_space<vmem>>, vector<16xf32>,
      %scan3A_204 = arith.constant 0 : i32
      scf.yield %scan3A_204 : i32
    }
    %scan3A_33 = arith.constant 40 : i32
    %run_scoped3A_34 = arith.constant 2 : i32
    "tpu.region"() ({
      %run_scoped3A_189 = tpu.sem_alloc : memref<!tpu.dma_semaphore, #tpu.memory_space<semaphore_mem>>
      %dma_start3A_190 = tpu.memref_slice %arg22[%run_scoped3A_34, %mul3A_1] : memref<16x10240xf32, #tpu.memory_space<vmem_shared>> -> memref<1x640xf32, #tpu.memory_space<vmem_shared>>
      %dma_start3A_191 = tpu.memref_squeeze %dma_start3A_190 : memref<1x640xf32, #tpu.memory_space<vmem_shared>> -> memref<640xf32, #tpu.memory_space<vmem_shared>>
      %dma_start3A_192 = tpu.memref_slice %arg22[%run_scoped3A_34, %mul3A_1] : memref<16x10240xf32, #tpu.memory_space<vmem_shared>> -> memref<1x640xf32, #tpu.memory_space<vmem_shared>>
      %dma_start3A_193 = tpu.memref_squeeze %dma_start3A_192 : memref<1x640xf32, #tpu.memory_space<vmem_shared>> -> memref<640xf32, #tpu.memory_space<vmem_shared>>
      tpu.enqueue_dma source(%dma_start3A_193 : memref<640xf32, #tpu.memory_space<vmem_shared>>) target(%arg11 : memref<640xf32, #tpu.memory_space<vmem>>) target_semaphore(%run_scoped3A_189 : memref<!tpu.dma_semaphore, #tpu.memory_space<semaphore_mem>>)
      %dma_wait3A = tpu.memref_slice %arg22[%run_scoped3A_34, %mul3A_1] : memref<16x10240xf32, #tpu.memory_space<vmem_shared>> -> memref<1x640xf32, #tpu.memory_space<vmem_shared>>
      %dma_wait3A_194 = tpu.memref_squeeze %dma_wait3A : memref<1x640xf32, #tpu.memory_space<vmem_shared>> -> memref<640xf32, #tpu.memory_space<vmem_shared>>
      %dma_wait3A_195 = tpu.memref_slice %arg22[%run_scoped3A_34, %mul3A_1] : memref<16x10240xf32, #tpu.memory_space<vmem_shared>> -> memref<1x640xf32, #tpu.memory_space<vmem_shared>>
      %dma_wait3A_196 = tpu.memref_squeeze %dma_wait3A_195 : memref<1x640xf32, #tpu.memory_space<vmem_shared>> -> memref<640xf32, #tpu.memory_space<vmem_shared>>
      tpu.wait_dma2 semaphore(%run_scoped3A_189 : memref<!tpu.dma_semaphore, #tpu.memory_space<semaphore_mem>>) src(%dma_wait3A_196 : memref<640xf32, #tpu.memory_space<vmem_shared>>) dst(%arg11 : memref<640xf32, #tpu.memory_space<vmem>>)
      tpu.yield
    }) : () -> ()
    %scan3A_35 = arith.constant 0 : i32
    %scan3A_36 = arith.constant 0 : i32
    %scan3A_37 = arith.constant 40 : i32
    %scan3A_38 = arith.addi %scan3A_36, %scan3A_37 : i32
    %scan3A_39 = arith.constant 1 : i32
    %scan3A_40 = scf.for %scan3A_189 = %scan3A_36 to %scan3A_38 step %scan3A_39 iter_args(%scan3A_190 = %scan3A_35) -> (i32)  : i32 {
      %mul3A_191 = arith.constant 16 : i32
      %mul3A_192 = arith.muli %scan3A_189, %mul3A_191 : i32
      %add3A_193 = arith.addi %mul3A_1, %mul3A_192 : i32
      %get3A = arith.index_cast %add3A_193 : i32 to index
      %get3A_194 = tpu.vector_load %arg9[%get3A] {strides = array<i32>} : memref<10240xf32, #tpu.memory_space<vmem>>, vector<16xf32>,
      %mul3A_195 = arith.constant 16 : i32
      %mul3A_196 = arith.muli %scan3A_189, %mul3A_195 : i32
      %get3A_197 = arith.index_cast %mul3A_196 : i32 to index
      %get3A_198 = tpu.vector_load %arg11[%get3A_197] {strides = array<i32>} : memref<640xf32, #tpu.memory_space<vmem>>, vector<16xf32>,
      %add3A_199 = arith.addf %get3A_194, %get3A_198 : vector<16xf32>
      %mul3A_200 = arith.constant 16 : i32
      %mul3A_201 = arith.muli %scan3A_189, %mul3A_200 : i32
      %add3A_202 = arith.addi %mul3A_1, %mul3A_201 : i32
      %swap3A = arith.index_cast %add3A_202 : i32 to index
      %swap3A_203 = tpu.vector_load %arg9[%swap3A] {strides = array<i32>} : memref<10240xf32, #tpu.memory_space<vmem>>, vector<16xf32>,
      tpu.vector_store %arg9[%swap3A], %add3A_199 {strides = array<i32>} : memref<10240xf32, #tpu.memory_space<vmem>>, vector<16xf32>,
      %scan3A_204 = arith.constant 0 : i32
      scf.yield %scan3A_204 : i32
    }
    %scan3A_41 = arith.constant 40 : i32
    %run_scoped3A_42 = arith.constant 3 : i32
    "tpu.region"() ({
      %run_scoped3A_189 = tpu.sem_alloc : memref<!tpu.dma_semaphore, #tpu.memory_space<semaphore_mem>>
      %dma_start3A_190 = tpu.memref_slice %arg22[%run_scoped3A_42, %mul3A_1] : memref<16x10240xf32, #tpu.memory_space<vmem_shared>> -> memref<1x640xf32, #tpu.memory_space<vmem_shared>>
      %dma_start3A_191 = tpu.memref_squeeze %dma_start3A_190 : memref<1x640xf32, #tpu.memory_space<vmem_shared>> -> memref<640xf32, #tpu.memory_space<vmem_shared>>
      %dma_start3A_192 = tpu.memref_slice %arg22[%run_scoped3A_42, %mul3A_1] : memref<16x10240xf32, #tpu.memory_space<vmem_shared>> -> memref<1x640xf32, #tpu.memory_space<vmem_shared>>
      %dma_start3A_193 = tpu.memref_squeeze %dma_start3A_192 : memref<1x640xf32, #tpu.memory_space<vmem_shared>> -> memref<640xf32, #tpu.memory_space<vmem_shared>>
      tpu.enqueue_dma source(%dma_start3A_193 : memref<640xf32, #tpu.memory_space<vmem_shared>>) target(%arg11 : memref<640xf32, #tpu.memory_space<vmem>>) target_semaphore(%run_scoped3A_189 : memref<!tpu.dma_semaphore, #tpu.memory_space<semaphore_mem>>)
      %dma_wait3A = tpu.memref_slice %arg22[%run_scoped3A_42, %mul3A_1] : memref<16x10240xf32, #tpu.memory_space<vmem_shared>> -> memref<1x640xf32, #tpu.memory_space<vmem_shared>>
      %dma_wait3A_194 = tpu.memref_squeeze %dma_wait3A : memref<1x640xf32, #tpu.memory_space<vmem_shared>> -> memref<640xf32, #tpu.memory_space<vmem_shared>>
      %dma_wait3A_195 = tpu.memref_slice %arg22[%run_scoped3A_42, %mul3A_1] : memref<16x10240xf32, #tpu.memory_space<vmem_shared>> -> memref<1x640xf32, #tpu.memory_space<vmem_shared>>
      %dma_wait3A_196 = tpu.memref_squeeze %dma_wait3A_195 : memref<1x640xf32, #tpu.memory_space<vmem_shared>> -> memref<640xf32, #tpu.memory_space<vmem_shared>>
      tpu.wait_dma2 semaphore(%run_scoped3A_189 : memref<!tpu.dma_semaphore, #tpu.memory_space<semaphore_mem>>) src(%dma_wait3A_196 : memref<640xf32, #tpu.memory_space<vmem_shared>>) dst(%arg11 : memref<640xf32, #tpu.memory_space<vmem>>)
      tpu.yield
    }) : () -> ()
    %scan3A_43 = arith.constant 0 : i32
    %scan3A_44 = arith.constant 0 : i32
    %scan3A_45 = arith.constant 40 : i32
    %scan3A_46 = arith.addi %scan3A_44, %scan3A_45 : i32
    %scan3A_47 = arith.constant 1 : i32
    %scan3A_48 = scf.for %scan3A_189 = %scan3A_44 to %scan3A_46 step %scan3A_47 iter_args(%scan3A_190 = %scan3A_43) -> (i32)  : i32 {
      %mul3A_191 = arith.constant 16 : i32
      %mul3A_192 = arith.muli %scan3A_189, %mul3A_191 : i32
      %add3A_193 = arith.addi %mul3A_1, %mul3A_192 : i32
      %get3A = arith.index_cast %add3A_193 : i32 to index
      %get3A_194 = tpu.vector_load %arg9[%get3A] {strides = array<i32>} : memref<10240xf32, #tpu.memory_space<vmem>>, vector<16xf32>,
      %mul3A_195 = arith.constant 16 : i32
      %mul3A_196 = arith.muli %scan3A_189, %mul3A_195 : i32
      %get3A_197 = arith.index_cast %mul3A_196 : i32 to index
      %get3A_198 = tpu.vector_load %arg11[%get3A_197] {strides = array<i32>} : memref<640xf32, #tpu.memory_space<vmem>>, vector<16xf32>,
      %add3A_199 = arith.addf %get3A_194, %get3A_198 : vector<16xf32>
      %mul3A_200 = arith.constant 16 : i32
      %mul3A_201 = arith.muli %scan3A_189, %mul3A_200 : i32
      %add3A_202 = arith.addi %mul3A_1, %mul3A_201 : i32
      %swap3A = arith.index_cast %add3A_202 : i32 to index
      %swap3A_203 = tpu.vector_load %arg9[%swap3A] {strides = array<i32>} : memref<10240xf32, #tpu.memory_space<vmem>>, vector<16xf32>,
      tpu.vector_store %arg9[%swap3A], %add3A_199 {strides = array<i32>} : memref<10240xf32, #tpu.memory_space<vmem>>, vector<16xf32>,
      %scan3A_204 = arith.constant 0 : i32
      scf.yield %scan3A_204 : i32
    }
    %scan3A_49 = arith.constant 40 : i32
    %run_scoped3A_50 = arith.constant 4 : i32
    "tpu.region"() ({
      %run_scoped3A_189 = tpu.sem_alloc : memref<!tpu.dma_semaphore, #tpu.memory_space<semaphore_mem>>
      %dma_start3A_190 = tpu.memref_slice %arg22[%run_scoped3A_50, %mul3A_1] : memref<16x10240xf32, #tpu.memory_space<vmem_shared>> -> memref<1x640xf32, #tpu.memory_space<vmem_shared>>
      %dma_start3A_191 = tpu.memref_squeeze %dma_start3A_190 : memref<1x640xf32, #tpu.memory_space<vmem_shared>> -> memref<640xf32, #tpu.memory_space<vmem_shared>>
      %dma_start3A_192 = tpu.memref_slice %arg22[%run_scoped3A_50, %mul3A_1] : memref<16x10240xf32, #tpu.memory_space<vmem_shared>> -> memref<1x640xf32, #tpu.memory_space<vmem_shared>>
      %dma_start3A_193 = tpu.memref_squeeze %dma_start3A_192 : memref<1x640xf32, #tpu.memory_space<vmem_shared>> -> memref<640xf32, #tpu.memory_space<vmem_shared>>
      tpu.enqueue_dma source(%dma_start3A_193 : memref<640xf32, #tpu.memory_space<vmem_shared>>) target(%arg11 : memref<640xf32, #tpu.memory_space<vmem>>) target_semaphore(%run_scoped3A_189 : memref<!tpu.dma_semaphore, #tpu.memory_space<semaphore_mem>>)
      %dma_wait3A = tpu.memref_slice %arg22[%run_scoped3A_50, %mul3A_1] : memref<16x10240xf32, #tpu.memory_space<vmem_shared>> -> memref<1x640xf32, #tpu.memory_space<vmem_shared>>
      %dma_wait3A_194 = tpu.memref_squeeze %dma_wait3A : memref<1x640xf32, #tpu.memory_space<vmem_shared>> -> memref<640xf32, #tpu.memory_space<vmem_shared>>
      %dma_wait3A_195 = tpu.memref_slice %arg22[%run_scoped3A_50, %mul3A_1] : memref<16x10240xf32, #tpu.memory_space<vmem_shared>> -> memref<1x640xf32, #tpu.memory_space<vmem_shared>>
      %dma_wait3A_196 = tpu.memref_squeeze %dma_wait3A_195 : memref<1x640xf32, #tpu.memory_space<vmem_shared>> -> memref<640xf32, #tpu.memory_space<vmem_shared>>
      tpu.wait_dma2 semaphore(%run_scoped3A_189 : memref<!tpu.dma_semaphore, #tpu.memory_space<semaphore_mem>>) src(%dma_wait3A_196 : memref<640xf32, #tpu.memory_space<vmem_shared>>) dst(%arg11 : memref<640xf32, #tpu.memory_space<vmem>>)
      tpu.yield
    }) : () -> ()
    %scan3A_51 = arith.constant 0 : i32
    %scan3A_52 = arith.constant 0 : i32
    %scan3A_53 = arith.constant 40 : i32
    %scan3A_54 = arith.addi %scan3A_52, %scan3A_53 : i32
    %scan3A_55 = arith.constant 1 : i32
    %scan3A_56 = scf.for %scan3A_189 = %scan3A_52 to %scan3A_54 step %scan3A_55 iter_args(%scan3A_190 = %scan3A_51) -> (i32)  : i32 {
      %mul3A_191 = arith.constant 16 : i32
      %mul3A_192 = arith.muli %scan3A_189, %mul3A_191 : i32
      %add3A_193 = arith.addi %mul3A_1, %mul3A_192 : i32
      %get3A = arith.index_cast %add3A_193 : i32 to index
      %get3A_194 = tpu.vector_load %arg9[%get3A] {strides = array<i32>} : memref<10240xf32, #tpu.memory_space<vmem>>, vector<16xf32>,
      %mul3A_195 = arith.constant 16 : i32
      %mul3A_196 = arith.muli %scan3A_189, %mul3A_195 : i32
      %get3A_197 = arith.index_cast %mul3A_196 : i32 to index
      %get3A_198 = tpu.vector_load %arg11[%get3A_197] {strides = array<i32>} : memref<640xf32, #tpu.memory_space<vmem>>, vector<16xf32>,
      %add3A_199 = arith.addf %get3A_194, %get3A_198 : vector<16xf32>
      %mul3A_200 = arith.constant 16 : i32
      %mul3A_201 = arith.muli %scan3A_189, %mul3A_200 : i32
      %add3A_202 = arith.addi %mul3A_1, %mul3A_201 : i32
      %swap3A = arith.index_cast %add3A_202 : i32 to index
      %swap3A_203 = tpu.vector_load %arg9[%swap3A] {strides = array<i32>} : memref<10240xf32, #tpu.memory_space<vmem>>, vector<16xf32>,
      tpu.vector_store %arg9[%swap3A], %add3A_199 {strides = array<i32>} : memref<10240xf32, #tpu.memory_space<vmem>>, vector<16xf32>,
      %scan3A_204 = arith.constant 0 : i32
      scf.yield %scan3A_204 : i32
    }
    %scan3A_57 = arith.constant 40 : i32
    %run_scoped3A_58 = arith.constant 5 : i32
    "tpu.region"() ({
      %run_scoped3A_189 = tpu.sem_alloc : memref<!tpu.dma_semaphore, #tpu.memory_space<semaphore_mem>>
      %dma_start3A_190 = tpu.memref_slice %arg22[%run_scoped3A_58, %mul3A_1] : memref<16x10240xf32, #tpu.memory_space<vmem_shared>> -> memref<1x640xf32, #tpu.memory_space<vmem_shared>>
      %dma_start3A_191 = tpu.memref_squeeze %dma_start3A_190 : memref<1x640xf32, #tpu.memory_space<vmem_shared>> -> memref<640xf32, #tpu.memory_space<vmem_shared>>
      %dma_start3A_192 = tpu.memref_slice %arg22[%run_scoped3A_58, %mul3A_1] : memref<16x10240xf32, #tpu.memory_space<vmem_shared>> -> memref<1x640xf32, #tpu.memory_space<vmem_shared>>
      %dma_start3A_193 = tpu.memref_squeeze %dma_start3A_192 : memref<1x640xf32, #tpu.memory_space<vmem_shared>> -> memref<640xf32, #tpu.memory_space<vmem_shared>>
      tpu.enqueue_dma source(%dma_start3A_193 : memref<640xf32, #tpu.memory_space<vmem_shared>>) target(%arg11 : memref<640xf32, #tpu.memory_space<vmem>>) target_semaphore(%run_scoped3A_189 : memref<!tpu.dma_semaphore, #tpu.memory_space<semaphore_mem>>)
      %dma_wait3A = tpu.memref_slice %arg22[%run_scoped3A_58, %mul3A_1] : memref<16x10240xf32, #tpu.memory_space<vmem_shared>> -> memref<1x640xf32, #tpu.memory_space<vmem_shared>>
      %dma_wait3A_194 = tpu.memref_squeeze %dma_wait3A : memref<1x640xf32, #tpu.memory_space<vmem_shared>> -> memref<640xf32, #tpu.memory_space<vmem_shared>>
      %dma_wait3A_195 = tpu.memref_slice %arg22[%run_scoped3A_58, %mul3A_1] : memref<16x10240xf32, #tpu.memory_space<vmem_shared>> -> memref<1x640xf32, #tpu.memory_space<vmem_shared>>
      %dma_wait3A_196 = tpu.memref_squeeze %dma_wait3A_195 : memref<1x640xf32, #tpu.memory_space<vmem_shared>> -> memref<640xf32, #tpu.memory_space<vmem_shared>>
      tpu.wait_dma2 semaphore(%run_scoped3A_189 : memref<!tpu.dma_semaphore, #tpu.memory_space<semaphore_mem>>) src(%dma_wait3A_196 : memref<640xf32, #tpu.memory_space<vmem_shared>>) dst(%arg11 : memref<640xf32, #tpu.memory_space<vmem>>)
      tpu.yield
    }) : () -> ()
    %scan3A_59 = arith.constant 0 : i32
    %scan3A_60 = arith.constant 0 : i32
    %scan3A_61 = arith.constant 40 : i32
    %scan3A_62 = arith.addi %scan3A_60, %scan3A_61 : i32
    %scan3A_63 = arith.constant 1 : i32
    %scan3A_64 = scf.for %scan3A_189 = %scan3A_60 to %scan3A_62 step %scan3A_63 iter_args(%scan3A_190 = %scan3A_59) -> (i32)  : i32 {
      %mul3A_191 = arith.constant 16 : i32
      %mul3A_192 = arith.muli %scan3A_189, %mul3A_191 : i32
      %add3A_193 = arith.addi %mul3A_1, %mul3A_192 : i32
      %get3A = arith.index_cast %add3A_193 : i32 to index
      %get3A_194 = tpu.vector_load %arg9[%get3A] {strides = array<i32>} : memref<10240xf32, #tpu.memory_space<vmem>>, vector<16xf32>,
      %mul3A_195 = arith.constant 16 : i32
      %mul3A_196 = arith.muli %scan3A_189, %mul3A_195 : i32
      %get3A_197 = arith.index_cast %mul3A_196 : i32 to index
      %get3A_198 = tpu.vector_load %arg11[%get3A_197] {strides = array<i32>} : memref<640xf32, #tpu.memory_space<vmem>>, vector<16xf32>,
      %add3A_199 = arith.addf %get3A_194, %get3A_198 : vector<16xf32>
      %mul3A_200 = arith.constant 16 : i32
      %mul3A_201 = arith.muli %scan3A_189, %mul3A_200 : i32
      %add3A_202 = arith.addi %mul3A_1, %mul3A_201 : i32
      %swap3A = arith.index_cast %add3A_202 : i32 to index
      %swap3A_203 = tpu.vector_load %arg9[%swap3A] {strides = array<i32>} : memref<10240xf32, #tpu.memory_space<vmem>>, vector<16xf32>,
      tpu.vector_store %arg9[%swap3A], %add3A_199 {strides = array<i32>} : memref<10240xf32, #tpu.memory_space<vmem>>, vector<16xf32>,
      %scan3A_204 = arith.constant 0 : i32
      scf.yield %scan3A_204 : i32
    }
    %scan3A_65 = arith.constant 40 : i32
    %run_scoped3A_66 = arith.constant 6 : i32
    "tpu.region"() ({
      %run_scoped3A_189 = tpu.sem_alloc : memref<!tpu.dma_semaphore, #tpu.memory_space<semaphore_mem>>
      %dma_start3A_190 = tpu.memref_slice %arg22[%run_scoped3A_66, %mul3A_1] : memref<16x10240xf32, #tpu.memory_space<vmem_shared>> -> memref<1x640xf32, #tpu.memory_space<vmem_shared>>
      %dma_start3A_191 = tpu.memref_squeeze %dma_start3A_190 : memref<1x640xf32, #tpu.memory_space<vmem_shared>> -> memref<640xf32, #tpu.memory_space<vmem_shared>>
      %dma_start3A_192 = tpu.memref_slice %arg22[%run_scoped3A_66, %mul3A_1] : memref<16x10240xf32, #tpu.memory_space<vmem_shared>> -> memref<1x640xf32, #tpu.memory_space<vmem_shared>>
      %dma_start3A_193 = tpu.memref_squeeze %dma_start3A_192 : memref<1x640xf32, #tpu.memory_space<vmem_shared>> -> memref<640xf32, #tpu.memory_space<vmem_shared>>
      tpu.enqueue_dma source(%dma_start3A_193 : memref<640xf32, #tpu.memory_space<vmem_shared>>) target(%arg11 : memref<640xf32, #tpu.memory_space<vmem>>) target_semaphore(%run_scoped3A_189 : memref<!tpu.dma_semaphore, #tpu.memory_space<semaphore_mem>>)
      %dma_wait3A = tpu.memref_slice %arg22[%run_scoped3A_66, %mul3A_1] : memref<16x10240xf32, #tpu.memory_space<vmem_shared>> -> memref<1x640xf32, #tpu.memory_space<vmem_shared>>
      %dma_wait3A_194 = tpu.memref_squeeze %dma_wait3A : memref<1x640xf32, #tpu.memory_space<vmem_shared>> -> memref<640xf32, #tpu.memory_space<vmem_shared>>
      %dma_wait3A_195 = tpu.memref_slice %arg22[%run_scoped3A_66, %mul3A_1] : memref<16x10240xf32, #tpu.memory_space<vmem_shared>> -> memref<1x640xf32, #tpu.memory_space<vmem_shared>>
      %dma_wait3A_196 = tpu.memref_squeeze %dma_wait3A_195 : memref<1x640xf32, #tpu.memory_space<vmem_shared>> -> memref<640xf32, #tpu.memory_space<vmem_shared>>
      tpu.wait_dma2 semaphore(%run_scoped3A_189 : memref<!tpu.dma_semaphore, #tpu.memory_space<semaphore_mem>>) src(%dma_wait3A_196 : memref<640xf32, #tpu.memory_space<vmem_shared>>) dst(%arg11 : memref<640xf32, #tpu.memory_space<vmem>>)
      tpu.yield
    }) : () -> ()
    %scan3A_67 = arith.constant 0 : i32
    %scan3A_68 = arith.constant 0 : i32
    %scan3A_69 = arith.constant 40 : i32
    %scan3A_70 = arith.addi %scan3A_68, %scan3A_69 : i32
    %scan3A_71 = arith.constant 1 : i32
    %scan3A_72 = scf.for %scan3A_189 = %scan3A_68 to %scan3A_70 step %scan3A_71 iter_args(%scan3A_190 = %scan3A_67) -> (i32)  : i32 {
      %mul3A_191 = arith.constant 16 : i32
      %mul3A_192 = arith.muli %scan3A_189, %mul3A_191 : i32
      %add3A_193 = arith.addi %mul3A_1, %mul3A_192 : i32
      %get3A = arith.index_cast %add3A_193 : i32 to index
      %get3A_194 = tpu.vector_load %arg9[%get3A] {strides = array<i32>} : memref<10240xf32, #tpu.memory_space<vmem>>, vector<16xf32>,
      %mul3A_195 = arith.constant 16 : i32
      %mul3A_196 = arith.muli %scan3A_189, %mul3A_195 : i32
      %get3A_197 = arith.index_cast %mul3A_196 : i32 to index
      %get3A_198 = tpu.vector_load %arg11[%get3A_197] {strides = array<i32>} : memref<640xf32, #tpu.memory_space<vmem>>, vector<16xf32>,
      %add3A_199 = arith.addf %get3A_194, %get3A_198 : vector<16xf32>
      %mul3A_200 = arith.constant 16 : i32
      %mul3A_201 = arith.muli %scan3A_189, %mul3A_200 : i32
      %add3A_202 = arith.addi %mul3A_1, %mul3A_201 : i32
      %swap3A = arith.index_cast %add3A_202 : i32 to index
      %swap3A_203 = tpu.vector_load %arg9[%swap3A] {strides = array<i32>} : memref<10240xf32, #tpu.memory_space<vmem>>, vector<16xf32>,
      tpu.vector_store %arg9[%swap3A], %add3A_199 {strides = array<i32>} : memref<10240xf32, #tpu.memory_space<vmem>>, vector<16xf32>,
      %scan3A_204 = arith.constant 0 : i32
      scf.yield %scan3A_204 : i32
    }
    %scan3A_73 = arith.constant 40 : i32
    %run_scoped3A_74 = arith.constant 7 : i32
    "tpu.region"() ({
      %run_scoped3A_189 = tpu.sem_alloc : memref<!tpu.dma_semaphore, #tpu.memory_space<semaphore_mem>>
      %dma_start3A_190 = tpu.memref_slice %arg22[%run_scoped3A_74, %mul3A_1] : memref<16x10240xf32, #tpu.memory_space<vmem_shared>> -> memref<1x640xf32, #tpu.memory_space<vmem_shared>>
      %dma_start3A_191 = tpu.memref_squeeze %dma_start3A_190 : memref<1x640xf32, #tpu.memory_space<vmem_shared>> -> memref<640xf32, #tpu.memory_space<vmem_shared>>
      %dma_start3A_192 = tpu.memref_slice %arg22[%run_scoped3A_74, %mul3A_1] : memref<16x10240xf32, #tpu.memory_space<vmem_shared>> -> memref<1x640xf32, #tpu.memory_space<vmem_shared>>
      %dma_start3A_193 = tpu.memref_squeeze %dma_start3A_192 : memref<1x640xf32, #tpu.memory_space<vmem_shared>> -> memref<640xf32, #tpu.memory_space<vmem_shared>>
      tpu.enqueue_dma source(%dma_start3A_193 : memref<640xf32, #tpu.memory_space<vmem_shared>>) target(%arg11 : memref<640xf32, #tpu.memory_space<vmem>>) target_semaphore(%run_scoped3A_189 : memref<!tpu.dma_semaphore, #tpu.memory_space<semaphore_mem>>)
      %dma_wait3A = tpu.memref_slice %arg22[%run_scoped3A_74, %mul3A_1] : memref<16x10240xf32, #tpu.memory_space<vmem_shared>> -> memref<1x640xf32, #tpu.memory_space<vmem_shared>>
      %dma_wait3A_194 = tpu.memref_squeeze %dma_wait3A : memref<1x640xf32, #tpu.memory_space<vmem_shared>> -> memref<640xf32, #tpu.memory_space<vmem_shared>>
      %dma_wait3A_195 = tpu.memref_slice %arg22[%run_scoped3A_74, %mul3A_1] : memref<16x10240xf32, #tpu.memory_space<vmem_shared>> -> memref<1x640xf32, #tpu.memory_space<vmem_shared>>
      %dma_wait3A_196 = tpu.memref_squeeze %dma_wait3A_195 : memref<1x640xf32, #tpu.memory_space<vmem_shared>> -> memref<640xf32, #tpu.memory_space<vmem_shared>>
      tpu.wait_dma2 semaphore(%run_scoped3A_189 : memref<!tpu.dma_semaphore, #tpu.memory_space<semaphore_mem>>) src(%dma_wait3A_196 : memref<640xf32, #tpu.memory_space<vmem_shared>>) dst(%arg11 : memref<640xf32, #tpu.memory_space<vmem>>)
      tpu.yield
    }) : () -> ()
    %scan3A_75 = arith.constant 0 : i32
    %scan3A_76 = arith.constant 0 : i32
    %scan3A_77 = arith.constant 40 : i32
    %scan3A_78 = arith.addi %scan3A_76, %scan3A_77 : i32
    %scan3A_79 = arith.constant 1 : i32
    %scan3A_80 = scf.for %scan3A_189 = %scan3A_76 to %scan3A_78 step %scan3A_79 iter_args(%scan3A_190 = %scan3A_75) -> (i32)  : i32 {
      %mul3A_191 = arith.constant 16 : i32
      %mul3A_192 = arith.muli %scan3A_189, %mul3A_191 : i32
      %add3A_193 = arith.addi %mul3A_1, %mul3A_192 : i32
      %get3A = arith.index_cast %add3A_193 : i32 to index
      %get3A_194 = tpu.vector_load %arg9[%get3A] {strides = array<i32>} : memref<10240xf32, #tpu.memory_space<vmem>>, vector<16xf32>,
      %mul3A_195 = arith.constant 16 : i32
      %mul3A_196 = arith.muli %scan3A_189, %mul3A_195 : i32
      %get3A_197 = arith.index_cast %mul3A_196 : i32 to index
      %get3A_198 = tpu.vector_load %arg11[%get3A_197] {strides = array<i32>} : memref<640xf32, #tpu.memory_space<vmem>>, vector<16xf32>,
      %add3A_199 = arith.addf %get3A_194, %get3A_198 : vector<16xf32>
      %mul3A_200 = arith.constant 16 : i32
      %mul3A_201 = arith.muli %scan3A_189, %mul3A_200 : i32
      %add3A_202 = arith.addi %mul3A_1, %mul3A_201 : i32
      %swap3A = arith.index_cast %add3A_202 : i32 to index
      %swap3A_203 = tpu.vector_load %arg9[%swap3A] {strides = array<i32>} : memref<10240xf32, #tpu.memory_space<vmem>>, vector<16xf32>,
      tpu.vector_store %arg9[%swap3A], %add3A_199 {strides = array<i32>} : memref<10240xf32, #tpu.memory_space<vmem>>, vector<16xf32>,
      %scan3A_204 = arith.constant 0 : i32
      scf.yield %scan3A_204 : i32
    }
    %scan3A_81 = arith.constant 40 : i32
    %run_scoped3A_82 = arith.constant 8 : i32
    "tpu.region"() ({
      %run_scoped3A_189 = tpu.sem_alloc : memref<!tpu.dma_semaphore, #tpu.memory_space<semaphore_mem>>
      %dma_start3A_190 = tpu.memref_slice %arg22[%run_scoped3A_82, %mul3A_1] : memref<16x10240xf32, #tpu.memory_space<vmem_shared>> -> memref<1x640xf32, #tpu.memory_space<vmem_shared>>
      %dma_start3A_191 = tpu.memref_squeeze %dma_start3A_190 : memref<1x640xf32, #tpu.memory_space<vmem_shared>> -> memref<640xf32, #tpu.memory_space<vmem_shared>>
      %dma_start3A_192 = tpu.memref_slice %arg22[%run_scoped3A_82, %mul3A_1] : memref<16x10240xf32, #tpu.memory_space<vmem_shared>> -> memref<1x640xf32, #tpu.memory_space<vmem_shared>>
      %dma_start3A_193 = tpu.memref_squeeze %dma_start3A_192 : memref<1x640xf32, #tpu.memory_space<vmem_shared>> -> memref<640xf32, #tpu.memory_space<vmem_shared>>
      tpu.enqueue_dma source(%dma_start3A_193 : memref<640xf32, #tpu.memory_space<vmem_shared>>) target(%arg11 : memref<640xf32, #tpu.memory_space<vmem>>) target_semaphore(%run_scoped3A_189 : memref<!tpu.dma_semaphore, #tpu.memory_space<semaphore_mem>>)
      %dma_wait3A = tpu.memref_slice %arg22[%run_scoped3A_82, %mul3A_1] : memref<16x10240xf32, #tpu.memory_space<vmem_shared>> -> memref<1x640xf32, #tpu.memory_space<vmem_shared>>
      %dma_wait3A_194 = tpu.memref_squeeze %dma_wait3A : memref<1x640xf32, #tpu.memory_space<vmem_shared>> -> memref<640xf32, #tpu.memory_space<vmem_shared>>
      %dma_wait3A_195 = tpu.memref_slice %arg22[%run_scoped3A_82, %mul3A_1] : memref<16x10240xf32, #tpu.memory_space<vmem_shared>> -> memref<1x640xf32, #tpu.memory_space<vmem_shared>>
      %dma_wait3A_196 = tpu.memref_squeeze %dma_wait3A_195 : memref<1x640xf32, #tpu.memory_space<vmem_shared>> -> memref<640xf32, #tpu.memory_space<vmem_shared>>
      tpu.wait_dma2 semaphore(%run_scoped3A_189 : memref<!tpu.dma_semaphore, #tpu.memory_space<semaphore_mem>>) src(%dma_wait3A_196 : memref<640xf32, #tpu.memory_space<vmem_shared>>) dst(%arg11 : memref<640xf32, #tpu.memory_space<vmem>>)
      tpu.yield
    }) : () -> ()
    %scan3A_83 = arith.constant 0 : i32
    %scan3A_84 = arith.constant 0 : i32
    %scan3A_85 = arith.constant 40 : i32
    %scan3A_86 = arith.addi %scan3A_84, %scan3A_85 : i32
    %scan3A_87 = arith.constant 1 : i32
    %scan3A_88 = scf.for %scan3A_189 = %scan3A_84 to %scan3A_86 step %scan3A_87 iter_args(%scan3A_190 = %scan3A_83) -> (i32)  : i32 {
      %mul3A_191 = arith.constant 16 : i32
      %mul3A_192 = arith.muli %scan3A_189, %mul3A_191 : i32
      %add3A_193 = arith.addi %mul3A_1, %mul3A_192 : i32
      %get3A = arith.index_cast %add3A_193 : i32 to index
      %get3A_194 = tpu.vector_load %arg9[%get3A] {strides = array<i32>} : memref<10240xf32, #tpu.memory_space<vmem>>, vector<16xf32>,
      %mul3A_195 = arith.constant 16 : i32
      %mul3A_196 = arith.muli %scan3A_189, %mul3A_195 : i32
      %get3A_197 = arith.index_cast %mul3A_196 : i32 to index
      %get3A_198 = tpu.vector_load %arg11[%get3A_197] {strides = array<i32>} : memref<640xf32, #tpu.memory_space<vmem>>, vector<16xf32>,
      %add3A_199 = arith.addf %get3A_194, %get3A_198 : vector<16xf32>
      %mul3A_200 = arith.constant 16 : i32
      %mul3A_201 = arith.muli %scan3A_189, %mul3A_200 : i32
      %add3A_202 = arith.addi %mul3A_1, %mul3A_201 : i32
      %swap3A = arith.index_cast %add3A_202 : i32 to index
      %swap3A_203 = tpu.vector_load %arg9[%swap3A] {strides = array<i32>} : memref<10240xf32, #tpu.memory_space<vmem>>, vector<16xf32>,
      tpu.vector_store %arg9[%swap3A], %add3A_199 {strides = array<i32>} : memref<10240xf32, #tpu.memory_space<vmem>>, vector<16xf32>,
      %scan3A_204 = arith.constant 0 : i32
      scf.yield %scan3A_204 : i32
    }
    %scan3A_89 = arith.constant 40 : i32
    %run_scoped3A_90 = arith.constant 9 : i32
    "tpu.region"() ({
      %run_scoped3A_189 = tpu.sem_alloc : memref<!tpu.dma_semaphore, #tpu.memory_space<semaphore_mem>>
      %dma_start3A_190 = tpu.memref_slice %arg22[%run_scoped3A_90, %mul3A_1] : memref<16x10240xf32, #tpu.memory_space<vmem_shared>> -> memref<1x640xf32, #tpu.memory_space<vmem_shared>>
      %dma_start3A_191 = tpu.memref_squeeze %dma_start3A_190 : memref<1x640xf32, #tpu.memory_space<vmem_shared>> -> memref<640xf32, #tpu.memory_space<vmem_shared>>
      %dma_start3A_192 = tpu.memref_slice %arg22[%run_scoped3A_90, %mul3A_1] : memref<16x10240xf32, #tpu.memory_space<vmem_shared>> -> memref<1x640xf32, #tpu.memory_space<vmem_shared>>
      %dma_start3A_193 = tpu.memref_squeeze %dma_start3A_192 : memref<1x640xf32, #tpu.memory_space<vmem_shared>> -> memref<640xf32, #tpu.memory_space<vmem_shared>>
      tpu.enqueue_dma source(%dma_start3A_193 : memref<640xf32, #tpu.memory_space<vmem_shared>>) target(%arg11 : memref<640xf32, #tpu.memory_space<vmem>>) target_semaphore(%run_scoped3A_189 : memref<!tpu.dma_semaphore, #tpu.memory_space<semaphore_mem>>)
      %dma_wait3A = tpu.memref_slice %arg22[%run_scoped3A_90, %mul3A_1] : memref<16x10240xf32, #tpu.memory_space<vmem_shared>> -> memref<1x640xf32, #tpu.memory_space<vmem_shared>>
      %dma_wait3A_194 = tpu.memref_squeeze %dma_wait3A : memref<1x640xf32, #tpu.memory_space<vmem_shared>> -> memref<640xf32, #tpu.memory_space<vmem_shared>>
      %dma_wait3A_195 = tpu.memref_slice %arg22[%run_scoped3A_90, %mul3A_1] : memref<16x10240xf32, #tpu.memory_space<vmem_shared>> -> memref<1x640xf32, #tpu.memory_space<vmem_shared>>
      %dma_wait3A_196 = tpu.memref_squeeze %dma_wait3A_195 : memref<1x640xf32, #tpu.memory_space<vmem_shared>> -> memref<640xf32, #tpu.memory_space<vmem_shared>>
      tpu.wait_dma2 semaphore(%run_scoped3A_189 : memref<!tpu.dma_semaphore, #tpu.memory_space<semaphore_mem>>) src(%dma_wait3A_196 : memref<640xf32, #tpu.memory_space<vmem_shared>>) dst(%arg11 : memref<640xf32, #tpu.memory_space<vmem>>)
      tpu.yield
    }) : () -> ()
    %scan3A_91 = arith.constant 0 : i32
    %scan3A_92 = arith.constant 0 : i32
    %scan3A_93 = arith.constant 40 : i32
    %scan3A_94 = arith.addi %scan3A_92, %scan3A_93 : i32
    %scan3A_95 = arith.constant 1 : i32
    %scan3A_96 = scf.for %scan3A_189 = %scan3A_92 to %scan3A_94 step %scan3A_95 iter_args(%scan3A_190 = %scan3A_91) -> (i32)  : i32 {
      %mul3A_191 = arith.constant 16 : i32
      %mul3A_192 = arith.muli %scan3A_189, %mul3A_191 : i32
      %add3A_193 = arith.addi %mul3A_1, %mul3A_192 : i32
      %get3A = arith.index_cast %add3A_193 : i32 to index
      %get3A_194 = tpu.vector_load %arg9[%get3A] {strides = array<i32>} : memref<10240xf32, #tpu.memory_space<vmem>>, vector<16xf32>,
      %mul3A_195 = arith.constant 16 : i32
      %mul3A_196 = arith.muli %scan3A_189, %mul3A_195 : i32
      %get3A_197 = arith.index_cast %mul3A_196 : i32 to index
      %get3A_198 = tpu.vector_load %arg11[%get3A_197] {strides = array<i32>} : memref<640xf32, #tpu.memory_space<vmem>>, vector<16xf32>,
      %add3A_199 = arith.addf %get3A_194, %get3A_198 : vector<16xf32>
      %mul3A_200 = arith.constant 16 : i32
      %mul3A_201 = arith.muli %scan3A_189, %mul3A_200 : i32
      %add3A_202 = arith.addi %mul3A_1, %mul3A_201 : i32
      %swap3A = arith.index_cast %add3A_202 : i32 to index
      %swap3A_203 = tpu.vector_load %arg9[%swap3A] {strides = array<i32>} : memref<10240xf32, #tpu.memory_space<vmem>>, vector<16xf32>,
      tpu.vector_store %arg9[%swap3A], %add3A_199 {strides = array<i32>} : memref<10240xf32, #tpu.memory_space<vmem>>, vector<16xf32>,
      %scan3A_204 = arith.constant 0 : i32
      scf.yield %scan3A_204 : i32
    }
    %scan3A_97 = arith.constant 40 : i32
    %run_scoped3A_98 = arith.constant 10 : i32
    "tpu.region"() ({
      %run_scoped3A_189 = tpu.sem_alloc : memref<!tpu.dma_semaphore, #tpu.memory_space<semaphore_mem>>
      %dma_start3A_190 = tpu.memref_slice %arg22[%run_scoped3A_98, %mul3A_1] : memref<16x10240xf32, #tpu.memory_space<vmem_shared>> -> memref<1x640xf32, #tpu.memory_space<vmem_shared>>
      %dma_start3A_191 = tpu.memref_squeeze %dma_start3A_190 : memref<1x640xf32, #tpu.memory_space<vmem_shared>> -> memref<640xf32, #tpu.memory_space<vmem_shared>>
      %dma_start3A_192 = tpu.memref_slice %arg22[%run_scoped3A_98, %mul3A_1] : memref<16x10240xf32, #tpu.memory_space<vmem_shared>> -> memref<1x640xf32, #tpu.memory_space<vmem_shared>>
      %dma_start3A_193 = tpu.memref_squeeze %dma_start3A_192 : memref<1x640xf32, #tpu.memory_space<vmem_shared>> -> memref<640xf32, #tpu.memory_space<vmem_shared>>
      tpu.enqueue_dma source(%dma_start3A_193 : memref<640xf32, #tpu.memory_space<vmem_shared>>) target(%arg11 : memref<640xf32, #tpu.memory_space<vmem>>) target_semaphore(%run_scoped3A_189 : memref<!tpu.dma_semaphore, #tpu.memory_space<semaphore_mem>>)
      %dma_wait3A = tpu.memref_slice %arg22[%run_scoped3A_98, %mul3A_1] : memref<16x10240xf32, #tpu.memory_space<vmem_shared>> -> memref<1x640xf32, #tpu.memory_space<vmem_shared>>
      %dma_wait3A_194 = tpu.memref_squeeze %dma_wait3A : memref<1x640xf32, #tpu.memory_space<vmem_shared>> -> memref<640xf32, #tpu.memory_space<vmem_shared>>
      %dma_wait3A_195 = tpu.memref_slice %arg22[%run_scoped3A_98, %mul3A_1] : memref<16x10240xf32, #tpu.memory_space<vmem_shared>> -> memref<1x640xf32, #tpu.memory_space<vmem_shared>>
      %dma_wait3A_196 = tpu.memref_squeeze %dma_wait3A_195 : memref<1x640xf32, #tpu.memory_space<vmem_shared>> -> memref<640xf32, #tpu.memory_space<vmem_shared>>
      tpu.wait_dma2 semaphore(%run_scoped3A_189 : memref<!tpu.dma_semaphore, #tpu.memory_space<semaphore_mem>>) src(%dma_wait3A_196 : memref<640xf32, #tpu.memory_space<vmem_shared>>) dst(%arg11 : memref<640xf32, #tpu.memory_space<vmem>>)
      tpu.yield
    }) : () -> ()
    %scan3A_99 = arith.constant 0 : i32
    %scan3A_100 = arith.constant 0 : i32
    %scan3A_101 = arith.constant 40 : i32
    %scan3A_102 = arith.addi %scan3A_100, %scan3A_101 : i32
    %scan3A_103 = arith.constant 1 : i32
    %scan3A_104 = scf.for %scan3A_189 = %scan3A_100 to %scan3A_102 step %scan3A_103 iter_args(%scan3A_190 = %scan3A_99) -> (i32)  : i32 {
      %mul3A_191 = arith.constant 16 : i32
      %mul3A_192 = arith.muli %scan3A_189, %mul3A_191 : i32
      %add3A_193 = arith.addi %mul3A_1, %mul3A_192 : i32
      %get3A = arith.index_cast %add3A_193 : i32 to index
      %get3A_194 = tpu.vector_load %arg9[%get3A] {strides = array<i32>} : memref<10240xf32, #tpu.memory_space<vmem>>, vector<16xf32>,
      %mul3A_195 = arith.constant 16 : i32
      %mul3A_196 = arith.muli %scan3A_189, %mul3A_195 : i32
      %get3A_197 = arith.index_cast %mul3A_196 : i32 to index
      %get3A_198 = tpu.vector_load %arg11[%get3A_197] {strides = array<i32>} : memref<640xf32, #tpu.memory_space<vmem>>, vector<16xf32>,
      %add3A_199 = arith.addf %get3A_194, %get3A_198 : vector<16xf32>
      %mul3A_200 = arith.constant 16 : i32
      %mul3A_201 = arith.muli %scan3A_189, %mul3A_200 : i32
      %add3A_202 = arith.addi %mul3A_1, %mul3A_201 : i32
      %swap3A = arith.index_cast %add3A_202 : i32 to index
      %swap3A_203 = tpu.vector_load %arg9[%swap3A] {strides = array<i32>} : memref<10240xf32, #tpu.memory_space<vmem>>, vector<16xf32>,
      tpu.vector_store %arg9[%swap3A], %add3A_199 {strides = array<i32>} : memref<10240xf32, #tpu.memory_space<vmem>>, vector<16xf32>,
      %scan3A_204 = arith.constant 0 : i32
      scf.yield %scan3A_204 : i32
    }
    %scan3A_105 = arith.constant 40 : i32
    %run_scoped3A_106 = arith.constant 11 : i32
    "tpu.region"() ({
      %run_scoped3A_189 = tpu.sem_alloc : memref<!tpu.dma_semaphore, #tpu.memory_space<semaphore_mem>>
      %dma_start3A_190 = tpu.memref_slice %arg22[%run_scoped3A_106, %mul3A_1] : memref<16x10240xf32, #tpu.memory_space<vmem_shared>> -> memref<1x640xf32, #tpu.memory_space<vmem_shared>>
      %dma_start3A_191 = tpu.memref_squeeze %dma_start3A_190 : memref<1x640xf32, #tpu.memory_space<vmem_shared>> -> memref<640xf32, #tpu.memory_space<vmem_shared>>
      %dma_start3A_192 = tpu.memref_slice %arg22[%run_scoped3A_106, %mul3A_1] : memref<16x10240xf32, #tpu.memory_space<vmem_shared>> -> memref<1x640xf32, #tpu.memory_space<vmem_shared>>
      %dma_start3A_193 = tpu.memref_squeeze %dma_start3A_192 : memref<1x640xf32, #tpu.memory_space<vmem_shared>> -> memref<640xf32, #tpu.memory_space<vmem_shared>>
      tpu.enqueue_dma source(%dma_start3A_193 : memref<640xf32, #tpu.memory_space<vmem_shared>>) target(%arg11 : memref<640xf32, #tpu.memory_space<vmem>>) target_semaphore(%run_scoped3A_189 : memref<!tpu.dma_semaphore, #tpu.memory_space<semaphore_mem>>)
      %dma_wait3A = tpu.memref_slice %arg22[%run_scoped3A_106, %mul3A_1] : memref<16x10240xf32, #tpu.memory_space<vmem_shared>> -> memref<1x640xf32, #tpu.memory_space<vmem_shared>>
      %dma_wait3A_194 = tpu.memref_squeeze %dma_wait3A : memref<1x640xf32, #tpu.memory_space<vmem_shared>> -> memref<640xf32, #tpu.memory_space<vmem_shared>>
      %dma_wait3A_195 = tpu.memref_slice %arg22[%run_scoped3A_106, %mul3A_1] : memref<16x10240xf32, #tpu.memory_space<vmem_shared>> -> memref<1x640xf32, #tpu.memory_space<vmem_shared>>
      %dma_wait3A_196 = tpu.memref_squeeze %dma_wait3A_195 : memref<1x640xf32, #tpu.memory_space<vmem_shared>> -> memref<640xf32, #tpu.memory_space<vmem_shared>>
      tpu.wait_dma2 semaphore(%run_scoped3A_189 : memref<!tpu.dma_semaphore, #tpu.memory_space<semaphore_mem>>) src(%dma_wait3A_196 : memref<640xf32, #tpu.memory_space<vmem_shared>>) dst(%arg11 : memref<640xf32, #tpu.memory_space<vmem>>)
      tpu.yield
    }) : () -> ()
    %scan3A_107 = arith.constant 0 : i32
    %scan3A_108 = arith.constant 0 : i32
    %scan3A_109 = arith.constant 40 : i32
    %scan3A_110 = arith.addi %scan3A_108, %scan3A_109 : i32
    %scan3A_111 = arith.constant 1 : i32
    %scan3A_112 = scf.for %scan3A_189 = %scan3A_108 to %scan3A_110 step %scan3A_111 iter_args(%scan3A_190 = %scan3A_107) -> (i32)  : i32 {
      %mul3A_191 = arith.constant 16 : i32
      %mul3A_192 = arith.muli %scan3A_189, %mul3A_191 : i32
      %add3A_193 = arith.addi %mul3A_1, %mul3A_192 : i32
      %get3A = arith.index_cast %add3A_193 : i32 to index
      %get3A_194 = tpu.vector_load %arg9[%get3A] {strides = array<i32>} : memref<10240xf32, #tpu.memory_space<vmem>>, vector<16xf32>,
      %mul3A_195 = arith.constant 16 : i32
      %mul3A_196 = arith.muli %scan3A_189, %mul3A_195 : i32
      %get3A_197 = arith.index_cast %mul3A_196 : i32 to index
      %get3A_198 = tpu.vector_load %arg11[%get3A_197] {strides = array<i32>} : memref<640xf32, #tpu.memory_space<vmem>>, vector<16xf32>,
      %add3A_199 = arith.addf %get3A_194, %get3A_198 : vector<16xf32>
      %mul3A_200 = arith.constant 16 : i32
      %mul3A_201 = arith.muli %scan3A_189, %mul3A_200 : i32
      %add3A_202 = arith.addi %mul3A_1, %mul3A_201 : i32
      %swap3A = arith.index_cast %add3A_202 : i32 to index
      %swap3A_203 = tpu.vector_load %arg9[%swap3A] {strides = array<i32>} : memref<10240xf32, #tpu.memory_space<vmem>>, vector<16xf32>,
      tpu.vector_store %arg9[%swap3A], %add3A_199 {strides = array<i32>} : memref<10240xf32, #tpu.memory_space<vmem>>, vector<16xf32>,
      %scan3A_204 = arith.constant 0 : i32
      scf.yield %scan3A_204 : i32
    }
    %scan3A_113 = arith.constant 40 : i32
    %run_scoped3A_114 = arith.constant 12 : i32
    "tpu.region"() ({
      %run_scoped3A_189 = tpu.sem_alloc : memref<!tpu.dma_semaphore, #tpu.memory_space<semaphore_mem>>
      %dma_start3A_190 = tpu.memref_slice %arg22[%run_scoped3A_114, %mul3A_1] : memref<16x10240xf32, #tpu.memory_space<vmem_shared>> -> memref<1x640xf32, #tpu.memory_space<vmem_shared>>
      %dma_start3A_191 = tpu.memref_squeeze %dma_start3A_190 : memref<1x640xf32, #tpu.memory_space<vmem_shared>> -> memref<640xf32, #tpu.memory_space<vmem_shared>>
      %dma_start3A_192 = tpu.memref_slice %arg22[%run_scoped3A_114, %mul3A_1] : memref<16x10240xf32, #tpu.memory_space<vmem_shared>> -> memref<1x640xf32, #tpu.memory_space<vmem_shared>>
      %dma_start3A_193 = tpu.memref_squeeze %dma_start3A_192 : memref<1x640xf32, #tpu.memory_space<vmem_shared>> -> memref<640xf32, #tpu.memory_space<vmem_shared>>
      tpu.enqueue_dma source(%dma_start3A_193 : memref<640xf32, #tpu.memory_space<vmem_shared>>) target(%arg11 : memref<640xf32, #tpu.memory_space<vmem>>) target_semaphore(%run_scoped3A_189 : memref<!tpu.dma_semaphore, #tpu.memory_space<semaphore_mem>>)
      %dma_wait3A = tpu.memref_slice %arg22[%run_scoped3A_114, %mul3A_1] : memref<16x10240xf32, #tpu.memory_space<vmem_shared>> -> memref<1x640xf32, #tpu.memory_space<vmem_shared>>
      %dma_wait3A_194 = tpu.memref_squeeze %dma_wait3A : memref<1x640xf32, #tpu.memory_space<vmem_shared>> -> memref<640xf32, #tpu.memory_space<vmem_shared>>
      %dma_wait3A_195 = tpu.memref_slice %arg22[%run_scoped3A_114, %mul3A_1] : memref<16x10240xf32, #tpu.memory_space<vmem_shared>> -> memref<1x640xf32, #tpu.memory_space<vmem_shared>>
      %dma_wait3A_196 = tpu.memref_squeeze %dma_wait3A_195 : memref<1x640xf32, #tpu.memory_space<vmem_shared>> -> memref<640xf32, #tpu.memory_space<vmem_shared>>
      tpu.wait_dma2 semaphore(%run_scoped3A_189 : memref<!tpu.dma_semaphore, #tpu.memory_space<semaphore_mem>>) src(%dma_wait3A_196 : memref<640xf32, #tpu.memory_space<vmem_shared>>) dst(%arg11 : memref<640xf32, #tpu.memory_space<vmem>>)
      tpu.yield
    }) : () -> ()
    %scan3A_115 = arith.constant 0 : i32
    %scan3A_116 = arith.constant 0 : i32
    %scan3A_117 = arith.constant 40 : i32
    %scan3A_118 = arith.addi %scan3A_116, %scan3A_117 : i32
    %scan3A_119 = arith.constant 1 : i32
    %scan3A_120 = scf.for %scan3A_189 = %scan3A_116 to %scan3A_118 step %scan3A_119 iter_args(%scan3A_190 = %scan3A_115) -> (i32)  : i32 {
      %mul3A_191 = arith.constant 16 : i32
      %mul3A_192 = arith.muli %scan3A_189, %mul3A_191 : i32
      %add3A_193 = arith.addi %mul3A_1, %mul3A_192 : i32
      %get3A = arith.index_cast %add3A_193 : i32 to index
      %get3A_194 = tpu.vector_load %arg9[%get3A] {strides = array<i32>} : memref<10240xf32, #tpu.memory_space<vmem>>, vector<16xf32>,
      %mul3A_195 = arith.constant 16 : i32
      %mul3A_196 = arith.muli %scan3A_189, %mul3A_195 : i32
      %get3A_197 = arith.index_cast %mul3A_196 : i32 to index
      %get3A_198 = tpu.vector_load %arg11[%get3A_197] {strides = array<i32>} : memref<640xf32, #tpu.memory_space<vmem>>, vector<16xf32>,
      %add3A_199 = arith.addf %get3A_194, %get3A_198 : vector<16xf32>
      %mul3A_200 = arith.constant 16 : i32
      %mul3A_201 = arith.muli %scan3A_189, %mul3A_200 : i32
      %add3A_202 = arith.addi %mul3A_1, %mul3A_201 : i32
      %swap3A = arith.index_cast %add3A_202 : i32 to index
      %swap3A_203 = tpu.vector_load %arg9[%swap3A] {strides = array<i32>} : memref<10240xf32, #tpu.memory_space<vmem>>, vector<16xf32>,
      tpu.vector_store %arg9[%swap3A], %add3A_199 {strides = array<i32>} : memref<10240xf32, #tpu.memory_space<vmem>>, vector<16xf32>,
      %scan3A_204 = arith.constant 0 : i32
      scf.yield %scan3A_204 : i32
    }
    %scan3A_121 = arith.constant 40 : i32
    %run_scoped3A_122 = arith.constant 13 : i32
    "tpu.region"() ({
      %run_scoped3A_189 = tpu.sem_alloc : memref<!tpu.dma_semaphore, #tpu.memory_space<semaphore_mem>>
      %dma_start3A_190 = tpu.memref_slice %arg22[%run_scoped3A_122, %mul3A_1] : memref<16x10240xf32, #tpu.memory_space<vmem_shared>> -> memref<1x640xf32, #tpu.memory_space<vmem_shared>>
      %dma_start3A_191 = tpu.memref_squeeze %dma_start3A_190 : memref<1x640xf32, #tpu.memory_space<vmem_shared>> -> memref<640xf32, #tpu.memory_space<vmem_shared>>
      %dma_start3A_192 = tpu.memref_slice %arg22[%run_scoped3A_122, %mul3A_1] : memref<16x10240xf32, #tpu.memory_space<vmem_shared>> -> memref<1x640xf32, #tpu.memory_space<vmem_shared>>
      %dma_start3A_193 = tpu.memref_squeeze %dma_start3A_192 : memref<1x640xf32, #tpu.memory_space<vmem_shared>> -> memref<640xf32, #tpu.memory_space<vmem_shared>>
      tpu.enqueue_dma source(%dma_start3A_193 : memref<640xf32, #tpu.memory_space<vmem_shared>>) target(%arg11 : memref<640xf32, #tpu.memory_space<vmem>>) target_semaphore(%run_scoped3A_189 : memref<!tpu.dma_semaphore, #tpu.memory_space<semaphore_mem>>)
      %dma_wait3A = tpu.memref_slice %arg22[%run_scoped3A_122, %mul3A_1] : memref<16x10240xf32, #tpu.memory_space<vmem_shared>> -> memref<1x640xf32, #tpu.memory_space<vmem_shared>>
      %dma_wait3A_194 = tpu.memref_squeeze %dma_wait3A : memref<1x640xf32, #tpu.memory_space<vmem_shared>> -> memref<640xf32, #tpu.memory_space<vmem_shared>>
      %dma_wait3A_195 = tpu.memref_slice %arg22[%run_scoped3A_122, %mul3A_1] : memref<16x10240xf32, #tpu.memory_space<vmem_shared>> -> memref<1x640xf32, #tpu.memory_space<vmem_shared>>
      %dma_wait3A_196 = tpu.memref_squeeze %dma_wait3A_195 : memref<1x640xf32, #tpu.memory_space<vmem_shared>> -> memref<640xf32, #tpu.memory_space<vmem_shared>>
      tpu.wait_dma2 semaphore(%run_scoped3A_189 : memref<!tpu.dma_semaphore, #tpu.memory_space<semaphore_mem>>) src(%dma_wait3A_196 : memref<640xf32, #tpu.memory_space<vmem_shared>>) dst(%arg11 : memref<640xf32, #tpu.memory_space<vmem>>)
      tpu.yield
    }) : () -> ()
    %scan3A_123 = arith.constant 0 : i32
    %scan3A_124 = arith.constant 0 : i32
    %scan3A_125 = arith.constant 40 : i32
    %scan3A_126 = arith.addi %scan3A_124, %scan3A_125 : i32
    %scan3A_127 = arith.constant 1 : i32
    %scan3A_128 = scf.for %scan3A_189 = %scan3A_124 to %scan3A_126 step %scan3A_127 iter_args(%scan3A_190 = %scan3A_123) -> (i32)  : i32 {
      %mul3A_191 = arith.constant 16 : i32
      %mul3A_192 = arith.muli %scan3A_189, %mul3A_191 : i32
      %add3A_193 = arith.addi %mul3A_1, %mul3A_192 : i32
      %get3A = arith.index_cast %add3A_193 : i32 to index
      %get3A_194 = tpu.vector_load %arg9[%get3A] {strides = array<i32>} : memref<10240xf32, #tpu.memory_space<vmem>>, vector<16xf32>,
      %mul3A_195 = arith.constant 16 : i32
      %mul3A_196 = arith.muli %scan3A_189, %mul3A_195 : i32
      %get3A_197 = arith.index_cast %mul3A_196 : i32 to index
      %get3A_198 = tpu.vector_load %arg11[%get3A_197] {strides = array<i32>} : memref<640xf32, #tpu.memory_space<vmem>>, vector<16xf32>,
      %add3A_199 = arith.addf %get3A_194, %get3A_198 : vector<16xf32>
      %mul3A_200 = arith.constant 16 : i32
      %mul3A_201 = arith.muli %scan3A_189, %mul3A_200 : i32
      %add3A_202 = arith.addi %mul3A_1, %mul3A_201 : i32
      %swap3A = arith.index_cast %add3A_202 : i32 to index
      %swap3A_203 = tpu.vector_load %arg9[%swap3A] {strides = array<i32>} : memref<10240xf32, #tpu.memory_space<vmem>>, vector<16xf32>,
      tpu.vector_store %arg9[%swap3A], %add3A_199 {strides = array<i32>} : memref<10240xf32, #tpu.memory_space<vmem>>, vector<16xf32>,
      %scan3A_204 = arith.constant 0 : i32
      scf.yield %scan3A_204 : i32
    }
    %scan3A_129 = arith.constant 40 : i32
    %run_scoped3A_130 = arith.constant 14 : i32
    "tpu.region"() ({
      %run_scoped3A_189 = tpu.sem_alloc : memref<!tpu.dma_semaphore, #tpu.memory_space<semaphore_mem>>
      %dma_start3A_190 = tpu.memref_slice %arg22[%run_scoped3A_130, %mul3A_1] : memref<16x10240xf32, #tpu.memory_space<vmem_shared>> -> memref<1x640xf32, #tpu.memory_space<vmem_shared>>
      %dma_start3A_191 = tpu.memref_squeeze %dma_start3A_190 : memref<1x640xf32, #tpu.memory_space<vmem_shared>> -> memref<640xf32, #tpu.memory_space<vmem_shared>>
      %dma_start3A_192 = tpu.memref_slice %arg22[%run_scoped3A_130, %mul3A_1] : memref<16x10240xf32, #tpu.memory_space<vmem_shared>> -> memref<1x640xf32, #tpu.memory_space<vmem_shared>>
      %dma_start3A_193 = tpu.memref_squeeze %dma_start3A_192 : memref<1x640xf32, #tpu.memory_space<vmem_shared>> -> memref<640xf32, #tpu.memory_space<vmem_shared>>
      tpu.enqueue_dma source(%dma_start3A_193 : memref<640xf32, #tpu.memory_space<vmem_shared>>) target(%arg11 : memref<640xf32, #tpu.memory_space<vmem>>) target_semaphore(%run_scoped3A_189 : memref<!tpu.dma_semaphore, #tpu.memory_space<semaphore_mem>>)
      %dma_wait3A = tpu.memref_slice %arg22[%run_scoped3A_130, %mul3A_1] : memref<16x10240xf32, #tpu.memory_space<vmem_shared>> -> memref<1x640xf32, #tpu.memory_space<vmem_shared>>
      %dma_wait3A_194 = tpu.memref_squeeze %dma_wait3A : memref<1x640xf32, #tpu.memory_space<vmem_shared>> -> memref<640xf32, #tpu.memory_space<vmem_shared>>
      %dma_wait3A_195 = tpu.memref_slice %arg22[%run_scoped3A_130, %mul3A_1] : memref<16x10240xf32, #tpu.memory_space<vmem_shared>> -> memref<1x640xf32, #tpu.memory_space<vmem_shared>>
      %dma_wait3A_196 = tpu.memref_squeeze %dma_wait3A_195 : memref<1x640xf32, #tpu.memory_space<vmem_shared>> -> memref<640xf32, #tpu.memory_space<vmem_shared>>
      tpu.wait_dma2 semaphore(%run_scoped3A_189 : memref<!tpu.dma_semaphore, #tpu.memory_space<semaphore_mem>>) src(%dma_wait3A_196 : memref<640xf32, #tpu.memory_space<vmem_shared>>) dst(%arg11 : memref<640xf32, #tpu.memory_space<vmem>>)
      tpu.yield
    }) : () -> ()
    %scan3A_131 = arith.constant 0 : i32
    %scan3A_132 = arith.constant 0 : i32
    %scan3A_133 = arith.constant 40 : i32
    %scan3A_134 = arith.addi %scan3A_132, %scan3A_133 : i32
    %scan3A_135 = arith.constant 1 : i32
    %scan3A_136 = scf.for %scan3A_189 = %scan3A_132 to %scan3A_134 step %scan3A_135 iter_args(%scan3A_190 = %scan3A_131) -> (i32)  : i32 {
      %mul3A_191 = arith.constant 16 : i32
      %mul3A_192 = arith.muli %scan3A_189, %mul3A_191 : i32
      %add3A_193 = arith.addi %mul3A_1, %mul3A_192 : i32
      %get3A = arith.index_cast %add3A_193 : i32 to index
      %get3A_194 = tpu.vector_load %arg9[%get3A] {strides = array<i32>} : memref<10240xf32, #tpu.memory_space<vmem>>, vector<16xf32>,
      %mul3A_195 = arith.constant 16 : i32
      %mul3A_196 = arith.muli %scan3A_189, %mul3A_195 : i32
      %get3A_197 = arith.index_cast %mul3A_196 : i32 to index
      %get3A_198 = tpu.vector_load %arg11[%get3A_197] {strides = array<i32>} : memref<640xf32, #tpu.memory_space<vmem>>, vector<16xf32>,
      %add3A_199 = arith.addf %get3A_194, %get3A_198 : vector<16xf32>
      %mul3A_200 = arith.constant 16 : i32
      %mul3A_201 = arith.muli %scan3A_189, %mul3A_200 : i32
      %add3A_202 = arith.addi %mul3A_1, %mul3A_201 : i32
      %swap3A = arith.index_cast %add3A_202 : i32 to index
      %swap3A_203 = tpu.vector_load %arg9[%swap3A] {strides = array<i32>} : memref<10240xf32, #tpu.memory_space<vmem>>, vector<16xf32>,
      tpu.vector_store %arg9[%swap3A], %add3A_199 {strides = array<i32>} : memref<10240xf32, #tpu.memory_space<vmem>>, vector<16xf32>,
      %scan3A_204 = arith.constant 0 : i32
      scf.yield %scan3A_204 : i32
    }
    %scan3A_137 = arith.constant 40 : i32
    %run_scoped3A_138 = arith.constant 15 : i32
    "tpu.region"() ({
      %run_scoped3A_189 = tpu.sem_alloc : memref<!tpu.dma_semaphore, #tpu.memory_space<semaphore_mem>>
      %dma_start3A_190 = tpu.memref_slice %arg22[%run_scoped3A_138, %mul3A_1] : memref<16x10240xf32, #tpu.memory_space<vmem_shared>> -> memref<1x640xf32, #tpu.memory_space<vmem_shared>>
      %dma_start3A_191 = tpu.memref_squeeze %dma_start3A_190 : memref<1x640xf32, #tpu.memory_space<vmem_shared>> -> memref<640xf32, #tpu.memory_space<vmem_shared>>
      %dma_start3A_192 = tpu.memref_slice %arg22[%run_scoped3A_138, %mul3A_1] : memref<16x10240xf32, #tpu.memory_space<vmem_shared>> -> memref<1x640xf32, #tpu.memory_space<vmem_shared>>
      %dma_start3A_193 = tpu.memref_squeeze %dma_start3A_192 : memref<1x640xf32, #tpu.memory_space<vmem_shared>> -> memref<640xf32, #tpu.memory_space<vmem_shared>>
      tpu.enqueue_dma source(%dma_start3A_193 : memref<640xf32, #tpu.memory_space<vmem_shared>>) target(%arg11 : memref<640xf32, #tpu.memory_space<vmem>>) target_semaphore(%run_scoped3A_189 : memref<!tpu.dma_semaphore, #tpu.memory_space<semaphore_mem>>)
      %dma_wait3A = tpu.memref_slice %arg22[%run_scoped3A_138, %mul3A_1] : memref<16x10240xf32, #tpu.memory_space<vmem_shared>> -> memref<1x640xf32, #tpu.memory_space<vmem_shared>>
      %dma_wait3A_194 = tpu.memref_squeeze %dma_wait3A : memref<1x640xf32, #tpu.memory_space<vmem_shared>> -> memref<640xf32, #tpu.memory_space<vmem_shared>>
      %dma_wait3A_195 = tpu.memref_slice %arg22[%run_scoped3A_138, %mul3A_1] : memref<16x10240xf32, #tpu.memory_space<vmem_shared>> -> memref<1x640xf32, #tpu.memory_space<vmem_shared>>
      %dma_wait3A_196 = tpu.memref_squeeze %dma_wait3A_195 : memref<1x640xf32, #tpu.memory_space<vmem_shared>> -> memref<640xf32, #tpu.memory_space<vmem_shared>>
      tpu.wait_dma2 semaphore(%run_scoped3A_189 : memref<!tpu.dma_semaphore, #tpu.memory_space<semaphore_mem>>) src(%dma_wait3A_196 : memref<640xf32, #tpu.memory_space<vmem_shared>>) dst(%arg11 : memref<640xf32, #tpu.memory_space<vmem>>)
      tpu.yield
    }) : () -> ()
    %scan3A_139 = arith.constant 0 : i32
    %scan3A_140 = arith.constant 0 : i32
    %scan3A_141 = arith.constant 40 : i32
    %scan3A_142 = arith.addi %scan3A_140, %scan3A_141 : i32
    %scan3A_143 = arith.constant 1 : i32
    %scan3A_144 = scf.for %scan3A_189 = %scan3A_140 to %scan3A_142 step %scan3A_143 iter_args(%scan3A_190 = %scan3A_139) -> (i32)  : i32 {
      %mul3A_191 = arith.constant 16 : i32
      %mul3A_192 = arith.muli %scan3A_189, %mul3A_191 : i32
      %add3A_193 = arith.addi %mul3A_1, %mul3A_192 : i32
      %get3A = arith.index_cast %add3A_193 : i32 to index
      %get3A_194 = tpu.vector_load %arg9[%get3A] {strides = array<i32>} : memref<10240xf32, #tpu.memory_space<vmem>>, vector<16xf32>,
      %mul3A_195 = arith.constant 16 : i32
      %mul3A_196 = arith.muli %scan3A_189, %mul3A_195 : i32
      %get3A_197 = arith.index_cast %mul3A_196 : i32 to index
      %get3A_198 = tpu.vector_load %arg11[%get3A_197] {strides = array<i32>} : memref<640xf32, #tpu.memory_space<vmem>>, vector<16xf32>,
      %add3A_199 = arith.addf %get3A_194, %get3A_198 : vector<16xf32>
      %mul3A_200 = arith.constant 16 : i32
      %mul3A_201 = arith.muli %scan3A_189, %mul3A_200 : i32
      %add3A_202 = arith.addi %mul3A_1, %mul3A_201 : i32
      %swap3A = arith.index_cast %add3A_202 : i32 to index
      %swap3A_203 = tpu.vector_load %arg9[%swap3A] {strides = array<i32>} : memref<10240xf32, #tpu.memory_space<vmem>>, vector<16xf32>,
      tpu.vector_store %arg9[%swap3A], %add3A_199 {strides = array<i32>} : memref<10240xf32, #tpu.memory_space<vmem>>, vector<16xf32>,
      %scan3A_204 = arith.constant 0 : i32
      scf.yield %scan3A_204 : i32
    }
    %scan3A_145 = arith.constant 40 : i32
    "tpu.region"() ({
      %run_scoped3A_189 = tpu.sem_alloc : memref<!tpu.dma_semaphore, #tpu.memory_space<semaphore_mem>>
      %dma_start3A_190 = tpu.memref_slice %arg9[%mul3A_1] : memref<10240xf32, #tpu.memory_space<vmem>> -> memref<640xf32, #tpu.memory_space<vmem>>
      %dma_start3A_191 = tpu.memref_slice %arg23[%mul3A_1] : memref<10240xf32, #tpu.memory_space<vmem_shared>> -> memref<640xf32, #tpu.memory_space<vmem_shared>>
      %dma_start3A_192 = tpu.memref_slice %arg23[%mul3A_1] : memref<10240xf32, #tpu.memory_space<vmem_shared>> -> memref<640xf32, #tpu.memory_space<vmem_shared>>
      %dma_start3A_193 = tpu.memref_slice %arg9[%mul3A_1] : memref<10240xf32, #tpu.memory_space<vmem>> -> memref<640xf32, #tpu.memory_space<vmem>>
      tpu.enqueue_dma source(%dma_start3A_193 : memref<640xf32, #tpu.memory_space<vmem>>) target(%dma_start3A_192 : memref<640xf32, #tpu.memory_space<vmem_shared>>) target_semaphore(%run_scoped3A_189 : memref<!tpu.dma_semaphore, #tpu.memory_space<semaphore_mem>>)
      %dma_wait3A = tpu.memref_slice %arg9[%mul3A_1] : memref<10240xf32, #tpu.memory_space<vmem>> -> memref<640xf32, #tpu.memory_space<vmem>>
      %dma_wait3A_194 = tpu.memref_slice %arg23[%mul3A_1] : memref<10240xf32, #tpu.memory_space<vmem_shared>> -> memref<640xf32, #tpu.memory_space<vmem_shared>>
      %dma_wait3A_195 = tpu.memref_slice %arg23[%mul3A_1] : memref<10240xf32, #tpu.memory_space<vmem_shared>> -> memref<640xf32, #tpu.memory_space<vmem_shared>>
      %dma_wait3A_196 = tpu.memref_slice %arg9[%mul3A_1] : memref<10240xf32, #tpu.memory_space<vmem>> -> memref<640xf32, #tpu.memory_space<vmem>>
      tpu.wait_dma2 semaphore(%run_scoped3A_189 : memref<!tpu.dma_semaphore, #tpu.memory_space<semaphore_mem>>) src(%dma_wait3A_196 : memref<640xf32, #tpu.memory_space<vmem>>) dst(%dma_wait3A_195 : memref<640xf32, #tpu.memory_space<vmem_shared>>)
      tpu.yield
    }) : () -> ()
    %barrier3A_146 = arith.constant 0 : index
    tpu.barrier barrier_id(%barrier3A_146)
    "tpu.region"() ({
      %run_scoped3A_189 = tpu.sem_alloc : memref<!tpu.dma_semaphore, #tpu.memory_space<semaphore_mem>>
      tpu.enqueue_dma source(%arg23 : memref<10240xf32, #tpu.memory_space<vmem_shared>>) target(%arg9 : memref<10240xf32, #tpu.memory_space<vmem>>) target_semaphore(%run_scoped3A_189 : memref<!tpu.dma_semaphore, #tpu.memory_space<semaphore_mem>>)
      tpu.wait_dma2 semaphore(%run_scoped3A_189 : memref<!tpu.dma_semaphore, #tpu.memory_space<semaphore_mem>>) src(%arg23 : memref<10240xf32, #tpu.memory_space<vmem_shared>>) dst(%arg9 : memref<10240xf32, #tpu.memory_space<vmem>>)
      tpu.yield
    }) : () -> ()
    %scan3A_147 = arith.constant 0 : i32
    %scan3A_148 = arith.constant 0 : i32
    %scan3A_149 = arith.constant 640 : i32
    %scan3A_150 = arith.addi %scan3A_148, %scan3A_149 : i32
    %scan3A_151 = arith.constant 1 : i32
    %scan3A_152 = scf.for %scan3A_189 = %scan3A_148 to %scan3A_150 step %scan3A_151 iter_args(%scan3A_190 = %scan3A_147) -> (i32)  : i32 {
      %mul3A_191 = arith.constant 16 : i32
      %mul3A_192 = arith.muli %scan3A_189, %mul3A_191 : i32
      %get3A = arith.index_cast %mul3A_192 : i32 to index
      %get3A_193 = tpu.vector_load %arg9[%get3A] {strides = array<i32>} : memref<10240xf32, #tpu.memory_space<vmem>>, vector<16xf32>,
      %add3A_194 = arith.constant 1.000000e+00 : f32
      %add3A_195 = vector.broadcast %add3A_194 : f32 to vector<16xf32>
      %add3A_196 = arith.addf %get3A_193, %add3A_195 : vector<16xf32>
      %bitcast3A = vector.bitcast %add3A_196 : vector<16xf32> to vector<16xi32>
      %shift_right_arithmetic3A = arith.constant 1 : i32
      %shift_right_arithmetic3A_197 = vector.broadcast %shift_right_arithmetic3A : i32 to vector<16xi32>
      %shift_right_arithmetic3A_198 = arith.shrsi %bitcast3A, %shift_right_arithmetic3A_197 : vector<16xi32>
      %sub3A = arith.constant 1597463007 : i32
      %sub3A_199 = vector.broadcast %sub3A : i32 to vector<16xi32>
      %sub3A_200 = arith.subi %sub3A_199, %shift_right_arithmetic3A_198 : vector<16xi32>
      %bitcast3A_201 = vector.bitcast %sub3A_200 : vector<16xi32> to vector<16xf32>
      %mul3A_202 = arith.constant 5.000000e-01 : f32
      %mul3A_203 = vector.broadcast %mul3A_202 : f32 to vector<16xf32>
      %mul3A_204 = arith.mulf %mul3A_203, %add3A_196 : vector<16xf32>
      %mul3A_205 = arith.mulf %mul3A_204, %bitcast3A_201 : vector<16xf32>
      %mul3A_206 = arith.mulf %mul3A_205, %bitcast3A_201 : vector<16xf32>
      %sub3A_207 = arith.constant 1.500000e+00 : f32
      %sub3A_208 = vector.broadcast %sub3A_207 : f32 to vector<16xf32>
      %sub3A_209 = arith.subf %sub3A_208, %mul3A_206 : vector<16xf32>
      %mul3A_210 = arith.mulf %bitcast3A_201, %sub3A_209 : vector<16xf32>
      %mul3A_211 = arith.constant 5.000000e-01 : f32
      %mul3A_212 = vector.broadcast %mul3A_211 : f32 to vector<16xf32>
      %mul3A_213 = arith.mulf %mul3A_212, %add3A_196 : vector<16xf32>
      %mul3A_214 = arith.mulf %mul3A_213, %mul3A_210 : vector<16xf32>
      %mul3A_215 = arith.mulf %mul3A_214, %mul3A_210 : vector<16xf32>
      %sub3A_216 = arith.constant 1.500000e+00 : f32
      %sub3A_217 = vector.broadcast %sub3A_216 : f32 to vector<16xf32>
      %sub3A_218 = arith.subf %sub3A_217, %mul3A_215 : vector<16xf32>
      %mul3A_219 = arith.mulf %mul3A_210, %sub3A_218 : vector<16xf32>
      %mul3A_220 = arith.constant 5.000000e-01 : f32
      %mul3A_221 = vector.broadcast %mul3A_220 : f32 to vector<16xf32>
      %mul3A_222 = arith.mulf %mul3A_221, %add3A_196 : vector<16xf32>
      %mul3A_223 = arith.mulf %mul3A_222, %mul3A_219 : vector<16xf32>
      %mul3A_224 = arith.mulf %mul3A_223, %mul3A_219 : vector<16xf32>
      %sub3A_225 = arith.constant 1.500000e+00 : f32
      %sub3A_226 = vector.broadcast %sub3A_225 : f32 to vector<16xf32>
      %sub3A_227 = arith.subf %sub3A_226, %mul3A_224 : vector<16xf32>
      %mul3A_228 = arith.mulf %mul3A_219, %sub3A_227 : vector<16xf32>
      %mul3A_229 = arith.constant 16 : i32
      %mul3A_230 = arith.muli %scan3A_189, %mul3A_229 : i32
      %swap3A = arith.index_cast %mul3A_230 : i32 to index
      %swap3A_231 = tpu.vector_load %arg10[%swap3A] {strides = array<i32>} : memref<10240xf32, #tpu.memory_space<vmem>>, vector<16xf32>,
      tpu.vector_store %arg10[%swap3A], %mul3A_228 {strides = array<i32>} : memref<10240xf32, #tpu.memory_space<vmem>>, vector<16xf32>,
      %scan3A_232 = arith.constant 0 : i32
      scf.yield %scan3A_232 : i32
    }
    %scan3A_153 = arith.constant 640 : i32
    %eq3A = arith.constant 0 : i32
    %eq3A_154 = arith.cmpi eq, %arg1, %eq3A : i32
    %eq3A_155 = arith.constant 0 : i32
    %eq3A_156 = arith.cmpi eq, %arg0, %eq3A_155 : i32
    %and3A = arith.andi %eq3A_154, %eq3A_156 : i1
    %convert_element_type3A = arith.extui %and3A : i1 to i32
    %cond3A = arith.constant 0 : i32
    %cond3A_157 = arith.cmpi ne, %convert_element_type3A, %cond3A : i32
    scf.if %cond3A_157 {
      "tpu.region"() ({
        %run_scoped3A_189 = tpu.sem_alloc : memref<!tpu.dma_semaphore, #tpu.memory_space<semaphore_mem>>
        tpu.enqueue_dma source(%arg10 : memref<10240xf32, #tpu.memory_space<vmem>>) target(%arg7 : memref<10240xf32, #tpu.memory_space<hbm>>) target_semaphore(%run_scoped3A_189 : memref<!tpu.dma_semaphore, #tpu.memory_space<semaphore_mem>>)
        tpu.wait_dma2 semaphore(%run_scoped3A_189 : memref<!tpu.dma_semaphore, #tpu.memory_space<semaphore_mem>>) src(%arg10 : memref<10240xf32, #tpu.memory_space<vmem>>) dst(%arg7 : memref<10240xf32, #tpu.memory_space<hbm>>)
        tpu.yield
      }) : () -> ()
    } else {
    }
    %mul3A_158 = arith.constant 320000 : i32
    %mul3A_159 = arith.muli %arg0, %mul3A_158 : i32
    %mul3A_160 = arith.constant 20000 : i32
    %mul3A_161 = arith.muli %arg1, %mul3A_160 : i32
    %add3A = arith.addi %mul3A_159, %mul3A_161 : i32
    %scan3A_162 = arith.constant 0 : i32
    %scan3A_163 = arith.constant 0 : i32
    %scan3A_164 = arith.constant 10 : i32
    %scan3A_165 = arith.addi %scan3A_163, %scan3A_164 : i32
    %scan3A_166 = arith.constant 1 : i32
    %scan3A_167 = scf.for %scan3A_189 = %scan3A_163 to %scan3A_165 step %scan3A_166 iter_args(%scan3A_190 = %scan3A_162) -> (i32)  : i32 {
      %mul3A_191 = arith.constant 2000 : i32
      %mul3A_192 = arith.muli %scan3A_189, %mul3A_191 : i32
      %add3A_193 = arith.addi %add3A, %mul3A_192 : i32
      "tpu.region"() ({
        %run_scoped3A_198 = tpu.sem_alloc : memref<!tpu.dma_semaphore, #tpu.memory_space<semaphore_mem>>
        %dma_start3A_199 = tpu.memref_slice %arg2[%add3A_193] : memref<640000xi32, #tpu.memory_space<hbm>> -> memref<2000xi32, #tpu.memory_space<hbm>>
        %dma_start3A_200 = tpu.memref_slice %arg2[%add3A_193] : memref<640000xi32, #tpu.memory_space<hbm>> -> memref<2000xi32, #tpu.memory_space<hbm>>
        tpu.enqueue_dma source(%dma_start3A_200 : memref<2000xi32, #tpu.memory_space<hbm>>) target(%arg14 : memref<2000xi32, #tpu.memory_space<vmem>>) target_semaphore(%run_scoped3A_198 : memref<!tpu.dma_semaphore, #tpu.memory_space<semaphore_mem>>)
        %dma_wait3A = tpu.memref_slice %arg2[%add3A_193] : memref<640000xi32, #tpu.memory_space<hbm>> -> memref<2000xi32, #tpu.memory_space<hbm>>
        %dma_wait3A_201 = tpu.memref_slice %arg2[%add3A_193] : memref<640000xi32, #tpu.memory_space<hbm>> -> memref<2000xi32, #tpu.memory_space<hbm>>
        tpu.wait_dma2 semaphore(%run_scoped3A_198 : memref<!tpu.dma_semaphore, #tpu.memory_space<semaphore_mem>>) src(%dma_wait3A_201 : memref<2000xi32, #tpu.memory_space<hbm>>) dst(%arg14 : memref<2000xi32, #tpu.memory_space<vmem>>)
        tpu.yield
      }) : () -> ()
      "tpu.region"() ({
        %run_scoped3A_198 = tpu.sem_alloc : memref<!tpu.dma_semaphore, #tpu.memory_space<semaphore_mem>>
        %dma_start3A_199 = tpu.memref_slice %arg3[%add3A_193] : memref<640000xi32, #tpu.memory_space<hbm>> -> memref<2000xi32, #tpu.memory_space<hbm>>
        %dma_start3A_200 = tpu.memref_slice %arg3[%add3A_193] : memref<640000xi32, #tpu.memory_space<hbm>> -> memref<2000xi32, #tpu.memory_space<hbm>>
        tpu.enqueue_dma source(%dma_start3A_200 : memref<2000xi32, #tpu.memory_space<hbm>>) target(%arg15 : memref<2000xi32, #tpu.memory_space<vmem>>) target_semaphore(%run_scoped3A_198 : memref<!tpu.dma_semaphore, #tpu.memory_space<semaphore_mem>>)
        %dma_wait3A = tpu.memref_slice %arg3[%add3A_193] : memref<640000xi32, #tpu.memory_space<hbm>> -> memref<2000xi32, #tpu.memory_space<hbm>>
        %dma_wait3A_201 = tpu.memref_slice %arg3[%add3A_193] : memref<640000xi32, #tpu.memory_space<hbm>> -> memref<2000xi32, #tpu.memory_space<hbm>>
        tpu.wait_dma2 semaphore(%run_scoped3A_198 : memref<!tpu.dma_semaphore, #tpu.memory_space<semaphore_mem>>) src(%dma_wait3A_201 : memref<2000xi32, #tpu.memory_space<hbm>>) dst(%arg15 : memref<2000xi32, #tpu.memory_space<vmem>>)
        tpu.yield
      }) : () -> ()
      "tpu.region"() ({
        %run_scoped3A_198 = tpu.sem_alloc : memref<!tpu.dma_semaphore, #tpu.memory_space<semaphore_mem>>
        %dma_start3A_199 = tpu.memref_slice %arg4[%add3A_193] : memref<640000xf32, #tpu.memory_space<hbm>> -> memref<2000xf32, #tpu.memory_space<hbm>>
        %dma_start3A_200 = tpu.memref_slice %arg4[%add3A_193] : memref<640000xf32, #tpu.memory_space<hbm>> -> memref<2000xf32, #tpu.memory_space<hbm>>
        tpu.enqueue_dma source(%dma_start3A_200 : memref<2000xf32, #tpu.memory_space<hbm>>) target(%arg16 : memref<2000xf32, #tpu.memory_space<vmem>>) target_semaphore(%run_scoped3A_198 : memref<!tpu.dma_semaphore, #tpu.memory_space<semaphore_mem>>)
        %dma_wait3A = tpu.memref_slice %arg4[%add3A_193] : memref<640000xf32, #tpu.memory_space<hbm>> -> memref<2000xf32, #tpu.memory_space<hbm>>
        %dma_wait3A_201 = tpu.memref_slice %arg4[%add3A_193] : memref<640000xf32, #tpu.memory_space<hbm>> -> memref<2000xf32, #tpu.memory_space<hbm>>
        tpu.wait_dma2 semaphore(%run_scoped3A_198 : memref<!tpu.dma_semaphore, #tpu.memory_space<semaphore_mem>>) src(%dma_wait3A_201 : memref<2000xf32, #tpu.memory_space<hbm>>) dst(%arg16 : memref<2000xf32, #tpu.memory_space<vmem>>)
        tpu.yield
      }) : () -> ()
      %parallel_loop3A_194 = arith.constant 0 : i32
      %parallel_loop3A_195 = arith.constant 125 : i32
      %parallel_loop3A_196 = arith.constant 1 : i32
      scf.for %parallel_loop3A_198 = %parallel_loop3A_194 to %parallel_loop3A_195 step %parallel_loop3A_196  : i32 {
        %parallel_loop3A_199 = arith.constant 16 : i32
        %parallel_loop3A_200 = arith.muli %parallel_loop3A_198, %parallel_loop3A_199 : i32
        %parallel_loop3A_201 = arith.index_cast %parallel_loop3A_200 : i32 to index
        %parallel_loop3A_202 = tpu.vector_load %arg14[%parallel_loop3A_201] {strides = array<i32>} : memref<2000xi32, #tpu.memory_space<vmem>>, vector<16xi32>,
        %parallel_loop3A_203 = arith.constant 16 : i32
        %parallel_loop3A_204 = arith.muli %parallel_loop3A_198, %parallel_loop3A_203 : i32
        %parallel_loop3A_205 = arith.index_cast %parallel_loop3A_204 : i32 to index
        %parallel_loop3A_206 = tpu.vector_load %arg15[%parallel_loop3A_205] {strides = array<i32>} : memref<2000xi32, #tpu.memory_space<vmem>>, vector<16xi32>,
        %parallel_loop3A_207 = arith.constant 16 : i32
        %parallel_loop3A_208 = arith.muli %parallel_loop3A_198, %parallel_loop3A_207 : i32
        %parallel_loop3A_209 = arith.index_cast %parallel_loop3A_208 : i32 to index
        %parallel_loop3A_210 = tpu.vector_load %arg16[%parallel_loop3A_209] {strides = array<i32>} : memref<2000xf32, #tpu.memory_space<vmem>>, vector<16xf32>,
        %parallel_loop3A_211 = tpu.vector_load_idx %arg10[%parallel_loop3A_202] : memref<10240xf32, #tpu.memory_space<vmem>>[vector<16xi32>], vector<16xf32>,
        %parallel_loop3A_212 = tpu.vector_load_idx %arg10[%parallel_loop3A_206] : memref<10240xf32, #tpu.memory_space<vmem>>[vector<16xi32>], vector<16xf32>,
        %parallel_loop3A_213 = arith.mulf %parallel_loop3A_210, %parallel_loop3A_211 : vector<16xf32>
        %parallel_loop3A_214 = arith.mulf %parallel_loop3A_213, %parallel_loop3A_212 : vector<16xf32>
        %parallel_loop3A_215 = arith.constant 16 : i32
        %parallel_loop3A_216 = arith.muli %parallel_loop3A_198, %parallel_loop3A_215 : i32
        %parallel_loop3A_217 = arith.index_cast %parallel_loop3A_216 : i32 to index
        %parallel_loop3A_218 = tpu.vector_load %arg19[%parallel_loop3A_217] {strides = array<i32>} : memref<2000xf32, #tpu.memory_space<vmem>>, vector<16xf32>,
        tpu.vector_store %arg19[%parallel_loop3A_217], %parallel_loop3A_214 {strides = array<i32>} : memref<2000xf32, #tpu.memory_space<vmem>>, vector<16xf32>,
      } {sc.loop_unroll_factor = 5 : i64, sc.parallel_access}
      "tpu.region"() ({
        %run_scoped3A_198 = tpu.sem_alloc : memref<!tpu.dma_semaphore, #tpu.memory_space<semaphore_mem>>
        %dma_start3A_199 = tpu.memref_slice %arg8[%add3A_193] : memref<640000xf32, #tpu.memory_space<hbm>> -> memref<2000xf32, #tpu.memory_space<hbm>>
        %dma_start3A_200 = tpu.memref_slice %arg8[%add3A_193] : memref<640000xf32, #tpu.memory_space<hbm>> -> memref<2000xf32, #tpu.memory_space<hbm>>
        tpu.enqueue_dma source(%arg19 : memref<2000xf32, #tpu.memory_space<vmem>>) target(%dma_start3A_200 : memref<2000xf32, #tpu.memory_space<hbm>>) target_semaphore(%run_scoped3A_198 : memref<!tpu.dma_semaphore, #tpu.memory_space<semaphore_mem>>)
        %dma_wait3A = tpu.memref_slice %arg8[%add3A_193] : memref<640000xf32, #tpu.memory_space<hbm>> -> memref<2000xf32, #tpu.memory_space<hbm>>
        %dma_wait3A_201 = tpu.memref_slice %arg8[%add3A_193] : memref<640000xf32, #tpu.memory_space<hbm>> -> memref<2000xf32, #tpu.memory_space<hbm>>
        tpu.wait_dma2 semaphore(%run_scoped3A_198 : memref<!tpu.dma_semaphore, #tpu.memory_space<semaphore_mem>>) src(%arg19 : memref<2000xf32, #tpu.memory_space<vmem>>) dst(%dma_wait3A_201 : memref<2000xf32, #tpu.memory_space<hbm>>)
        tpu.yield
      }) : () -> ()
      %scan3A_197 = arith.constant 0 : i32
      scf.yield %scan3A_197 : i32
    }
    %scan3A_168 = arith.constant 10 : i32
    %barrier3A_169 = arith.constant 0 : index
    tpu.barrier barrier_id(%barrier3A_169)
    "tpu.region"() ({
      %run_scoped3A_189 = tpu.sem_alloc : memref<!tpu.dma_semaphore, #tpu.memory_space<semaphore_mem>>
      %dma_start3A_190 = arith.constant 0 : i32
      %dma_start3A_191 = tpu.memref_slice %arg5[%arg1, %dma_start3A_190] : memref<16x40960xf32, #tpu.memory_space<hbm>> -> memref<1x40960xf32, #tpu.memory_space<hbm>>
      %dma_start3A_192 = tpu.memref_squeeze %dma_start3A_191 : memref<1x40960xf32, #tpu.memory_space<hbm>> -> memref<40960xf32, #tpu.memory_space<hbm>>
      %dma_start3A_193 = arith.constant 0 : i32
      %dma_start3A_194 = tpu.memref_slice %arg5[%arg1, %dma_start3A_193] : memref<16x40960xf32, #tpu.memory_space<hbm>> -> memref<1x40960xf32, #tpu.memory_space<hbm>>
      %dma_start3A_195 = tpu.memref_squeeze %dma_start3A_194 : memref<1x40960xf32, #tpu.memory_space<hbm>> -> memref<40960xf32, #tpu.memory_space<hbm>>
      tpu.enqueue_dma source(%dma_start3A_195 : memref<40960xf32, #tpu.memory_space<hbm>>) target(%arg12 : memref<40960xf32, #tpu.memory_space<vmem>>) target_semaphore(%run_scoped3A_189 : memref<!tpu.dma_semaphore, #tpu.memory_space<semaphore_mem>>)
      %dma_wait3A = arith.constant 0 : i32
      %dma_wait3A_196 = tpu.memref_slice %arg5[%arg1, %dma_wait3A] : memref<16x40960xf32, #tpu.memory_space<hbm>> -> memref<1x40960xf32, #tpu.memory_space<hbm>>
      %dma_wait3A_197 = tpu.memref_squeeze %dma_wait3A_196 : memref<1x40960xf32, #tpu.memory_space<hbm>> -> memref<40960xf32, #tpu.memory_space<hbm>>
      %dma_wait3A_198 = arith.constant 0 : i32
      %dma_wait3A_199 = tpu.memref_slice %arg5[%arg1, %dma_wait3A_198] : memref<16x40960xf32, #tpu.memory_space<hbm>> -> memref<1x40960xf32, #tpu.memory_space<hbm>>
      %dma_wait3A_200 = tpu.memref_squeeze %dma_wait3A_199 : memref<1x40960xf32, #tpu.memory_space<hbm>> -> memref<40960xf32, #tpu.memory_space<hbm>>
      tpu.wait_dma2 semaphore(%run_scoped3A_189 : memref<!tpu.dma_semaphore, #tpu.memory_space<semaphore_mem>>) src(%dma_wait3A_200 : memref<40960xf32, #tpu.memory_space<hbm>>) dst(%arg12 : memref<40960xf32, #tpu.memory_space<vmem>>)
      tpu.yield
    }) : () -> ()
    %parallel_loop3A_170 = arith.constant 0 : i32
    %parallel_loop3A_171 = arith.constant 2560 : i32
    %parallel_loop3A_172 = arith.constant 1 : i32
    scf.for %parallel_loop3A_189 = %parallel_loop3A_170 to %parallel_loop3A_171 step %parallel_loop3A_172  : i32 {
      %parallel_loop3A_190 = arith.constant 16 : i32
      %parallel_loop3A_191 = arith.muli %parallel_loop3A_189, %parallel_loop3A_190 : i32
      %parallel_loop3A_192 = arith.index_cast %parallel_loop3A_191 : i32 to index
      %parallel_loop3A_193 = tpu.vector_load %arg13[%parallel_loop3A_192] {strides = array<i32>} : memref<40960xf32, #tpu.memory_space<vmem>>, vector<16xf32>,
      tpu.vector_store %arg13[%parallel_loop3A_192], %broadcast_in_dim3A_0 {strides = array<i32>} : memref<40960xf32, #tpu.memory_space<vmem>>, vector<16xf32>,
    } {sc.loop_unroll_factor = 8 : i64, sc.parallel_access}
    %mul3A_173 = arith.constant 320000 : i32
    %mul3A_174 = arith.muli %arg0, %mul3A_173 : i32
    %add3A_175 = arith.constant 0 : i32
    %add3A_176 = arith.addi %mul3A_174, %add3A_175 : i32
    %dma_start3A = tpu.memref_slice %arg2[%add3A_176] : memref<640000xi32, #tpu.memory_space<hbm>> -> memref<2000xi32, #tpu.memory_space<hbm>>
    %dma_start3A_177 = tpu.memref_slice %arg2[%add3A_176] : memref<640000xi32, #tpu.memory_space<hbm>> -> memref<2000xi32, #tpu.memory_space<hbm>>
    tpu.enqueue_dma source(%dma_start3A_177 : memref<2000xi32, #tpu.memory_space<hbm>>) target(%arg14 : memref<2000xi32, #tpu.memory_space<vmem>>) target_semaphore(%arg20 : memref<!tpu.dma_semaphore, #tpu.memory_space<semaphore_mem>>)
    %dma_start3A_178 = tpu.memref_slice %arg3[%add3A_176] : memref<640000xi32, #tpu.memory_space<hbm>> -> memref<2000xi32, #tpu.memory_space<hbm>>
    %dma_start3A_179 = tpu.memref_slice %arg3[%add3A_176] : memref<640000xi32, #tpu.memory_space<hbm>> -> memref<2000xi32, #tpu.memory_space<hbm>>
    tpu.enqueue_dma source(%dma_start3A_179 : memref<2000xi32, #tpu.memory_space<hbm>>) target(%arg15 : memref<2000xi32, #tpu.memory_space<vmem>>) target_semaphore(%arg20 : memref<!tpu.dma_semaphore, #tpu.memory_space<semaphore_mem>>)
    %dma_start3A_180 = tpu.memref_slice %arg8[%add3A_176] : memref<640000xf32, #tpu.memory_space<hbm>> -> memref<2000xf32, #tpu.memory_space<hbm>>
    %dma_start3A_181 = tpu.memref_slice %arg8[%add3A_176] : memref<640000xf32, #tpu.memory_space<hbm>> -> memref<2000xf32, #tpu.memory_space<hbm>>
    tpu.enqueue_dma source(%dma_start3A_181 : memref<2000xf32, #tpu.memory_space<hbm>>) target(%arg16 : memref<2000xf32, #tpu.memory_space<vmem>>) target_semaphore(%arg20 : memref<!tpu.dma_semaphore, #tpu.memory_space<semaphore_mem>>)
    %scan3A_182 = arith.constant 0 : i32
    %scan3A_183 = arith.constant 0 : i32
    %scan3A_184 = arith.constant 80 : i32
    %scan3A_185 = arith.addi %scan3A_183, %scan3A_184 : i32
    %scan3A_186 = arith.constant 1 : i32
    %scan3A_187 = scf.for %scan3A_189 = %scan3A_183 to %scan3A_185 step %scan3A_186 iter_args(%scan3A_190 = %scan3A_182) -> (i32)  : i32 {
      %mul3A_191 = arith.constant 2 : i32
      %mul3A_192 = arith.muli %mul3A_191, %scan3A_189 : i32
      %add3A_193 = arith.constant 1 : i32
      %add3A_194 = arith.addi %mul3A_192, %add3A_193 : i32
      %mul3A_195 = arith.constant 2000 : i32
      %mul3A_196 = arith.muli %add3A_194, %mul3A_195 : i32
      %add3A_197 = arith.addi %mul3A_174, %mul3A_196 : i32
      %dma_start3A_198 = tpu.memref_slice %arg2[%add3A_197] : memref<640000xi32, #tpu.memory_space<hbm>> -> memref<2000xi32, #tpu.memory_space<hbm>>
      %dma_start3A_199 = tpu.memref_slice %arg2[%add3A_197] : memref<640000xi32, #tpu.memory_space<hbm>> -> memref<2000xi32, #tpu.memory_space<hbm>>
      tpu.enqueue_dma source(%dma_start3A_199 : memref<2000xi32, #tpu.memory_space<hbm>>) target(%arg17 : memref<2000xi32, #tpu.memory_space<vmem>>) target_semaphore(%arg21 : memref<!tpu.dma_semaphore, #tpu.memory_space<semaphore_mem>>)
      %dma_start3A_200 = tpu.memref_slice %arg3[%add3A_197] : memref<640000xi32, #tpu.memory_space<hbm>> -> memref<2000xi32, #tpu.memory_space<hbm>>
      %dma_start3A_201 = tpu.memref_slice %arg3[%add3A_197] : memref<640000xi32, #tpu.memory_space<hbm>> -> memref<2000xi32, #tpu.memory_space<hbm>>
      tpu.enqueue_dma source(%dma_start3A_201 : memref<2000xi32, #tpu.memory_space<hbm>>) target(%arg18 : memref<2000xi32, #tpu.memory_space<vmem>>) target_semaphore(%arg21 : memref<!tpu.dma_semaphore, #tpu.memory_space<semaphore_mem>>)
      %dma_start3A_202 = tpu.memref_slice %arg8[%add3A_197] : memref<640000xf32, #tpu.memory_space<hbm>> -> memref<2000xf32, #tpu.memory_space<hbm>>
      %dma_start3A_203 = tpu.memref_slice %arg8[%add3A_197] : memref<640000xf32, #tpu.memory_space<hbm>> -> memref<2000xf32, #tpu.memory_space<hbm>>
      tpu.enqueue_dma source(%dma_start3A_203 : memref<2000xf32, #tpu.memory_space<hbm>>) target(%arg19 : memref<2000xf32, #tpu.memory_space<vmem>>) target_semaphore(%arg21 : memref<!tpu.dma_semaphore, #tpu.memory_space<semaphore_mem>>)
      %dma_wait3A = tpu.memref_slice %arg2[%mul3A_174] : memref<640000xi32, #tpu.memory_space<hbm>> -> memref<2000xi32, #tpu.memory_space<hbm>>
      %dma_wait3A_204 = tpu.memref_slice %arg2[%mul3A_174] : memref<640000xi32, #tpu.memory_space<hbm>> -> memref<2000xi32, #tpu.memory_space<hbm>>
      tpu.wait_dma2 semaphore(%arg20 : memref<!tpu.dma_semaphore, #tpu.memory_space<semaphore_mem>>) src(%dma_wait3A_204 : memref<2000xi32, #tpu.memory_space<hbm>>) dst(%arg14 : memref<2000xi32, #tpu.memory_space<vmem>>)
      %dma_wait3A_205 = tpu.memref_slice %arg3[%mul3A_174] : memref<640000xi32, #tpu.memory_space<hbm>> -> memref<2000xi32, #tpu.memory_space<hbm>>
      %dma_wait3A_206 = tpu.memref_slice %arg3[%mul3A_174] : memref<640000xi32, #tpu.memory_space<hbm>> -> memref<2000xi32, #tpu.memory_space<hbm>>
      tpu.wait_dma2 semaphore(%arg20 : memref<!tpu.dma_semaphore, #tpu.memory_space<semaphore_mem>>) src(%dma_wait3A_206 : memref<2000xi32, #tpu.memory_space<hbm>>) dst(%arg15 : memref<2000xi32, #tpu.memory_space<vmem>>)
      %dma_wait3A_207 = tpu.memref_slice %arg4[%mul3A_174] : memref<640000xf32, #tpu.memory_space<hbm>> -> memref<2000xf32, #tpu.memory_space<hbm>>
      %dma_wait3A_208 = tpu.memref_slice %arg4[%mul3A_174] : memref<640000xf32, #tpu.memory_space<hbm>> -> memref<2000xf32, #tpu.memory_space<hbm>>
      tpu.wait_dma2 semaphore(%arg20 : memref<!tpu.dma_semaphore, #tpu.memory_space<semaphore_mem>>) src(%dma_wait3A_208 : memref<2000xf32, #tpu.memory_space<hbm>>) dst(%arg16 : memref<2000xf32, #tpu.memory_space<vmem>>)
      %parallel_loop3A_209 = arith.constant 0 : i32
      %parallel_loop3A_210 = arith.constant 125 : i32
      %parallel_loop3A_211 = arith.constant 1 : i32
      scf.for %parallel_loop3A_228 = %parallel_loop3A_209 to %parallel_loop3A_210 step %parallel_loop3A_211  : i32 {
        %parallel_loop3A_229 = arith.constant 16 : i32
        %parallel_loop3A_230 = arith.muli %parallel_loop3A_228, %parallel_loop3A_229 : i32
        %parallel_loop3A_231 = arith.index_cast %parallel_loop3A_230 : i32 to index
        %parallel_loop3A_232 = tpu.vector_load %arg14[%parallel_loop3A_231] {strides = array<i32>} : memref<2000xi32, #tpu.memory_space<vmem>>, vector<16xi32>,
        %parallel_loop3A_233 = arith.constant 16 : i32
        %parallel_loop3A_234 = arith.muli %parallel_loop3A_228, %parallel_loop3A_233 : i32
        %parallel_loop3A_235 = arith.index_cast %parallel_loop3A_234 : i32 to index
        %parallel_loop3A_236 = tpu.vector_load %arg15[%parallel_loop3A_235] {strides = array<i32>} : memref<2000xi32, #tpu.memory_space<vmem>>, vector<16xi32>,
        %parallel_loop3A_237 = arith.constant 16 : i32
        %parallel_loop3A_238 = arith.muli %parallel_loop3A_228, %parallel_loop3A_237 : i32
        %parallel_loop3A_239 = arith.index_cast %parallel_loop3A_238 : i32 to index
        %parallel_loop3A_240 = tpu.vector_load %arg16[%parallel_loop3A_239] {strides = array<i32>} : memref<2000xf32, #tpu.memory_space<vmem>>, vector<16xf32>,
        %parallel_loop3A_241 = arith.constant 0 : i32
        %parallel_loop3A_242 = vector.broadcast %parallel_loop3A_241 : i32 to vector<16xi32>
        %parallel_loop3A_243 = arith.addi %parallel_loop3A_232, %parallel_loop3A_242 : vector<16xi32>
        %parallel_loop3A_244 = tpu.vector_load_idx %arg12[%parallel_loop3A_243] : memref<40960xf32, #tpu.memory_space<vmem>>[vector<16xi32>], vector<16xf32>,
        %parallel_loop3A_245 = arith.constant 0 : i32
        %parallel_loop3A_246 = vector.broadcast %parallel_loop3A_245 : i32 to vector<16xi32>
        %parallel_loop3A_247 = arith.addi %parallel_loop3A_236, %parallel_loop3A_246 : vector<16xi32>
        %parallel_loop3A_248 = arith.mulf %parallel_loop3A_244, %parallel_loop3A_240 : vector<16xf32>
        tpu.vector_store_idx %arg13[%parallel_loop3A_247], %parallel_loop3A_248 {add = true} : memref<40960xf32, #tpu.memory_space<vmem>>[vector<16xi32>], vector<16xf32>,
        %parallel_loop3A_249 = arith.constant 10240 : i32
        %parallel_loop3A_250 = vector.broadcast %parallel_loop3A_249 : i32 to vector<16xi32>
        %parallel_loop3A_251 = arith.addi %parallel_loop3A_232, %parallel_loop3A_250 : vector<16xi32>
        %parallel_loop3A_252 = tpu.vector_load_idx %arg12[%parallel_loop3A_251] : memref<40960xf32, #tpu.memory_space<vmem>>[vector<16xi32>], vector<16xf32>,
        %parallel_loop3A_253 = arith.constant 10240 : i32
        %parallel_loop3A_254 = vector.broadcast %parallel_loop3A_253 : i32 to vector<16xi32>
        %parallel_loop3A_255 = arith.addi %parallel_loop3A_236, %parallel_loop3A_254 : vector<16xi32>
        %parallel_loop3A_256 = arith.mulf %parallel_loop3A_252, %parallel_loop3A_240 : vector<16xf32>
        tpu.vector_store_idx %arg13[%parallel_loop3A_255], %parallel_loop3A_256 {add = true} : memref<40960xf32, #tpu.memory_space<vmem>>[vector<16xi32>], vector<16xf32>,
        %parallel_loop3A_257 = arith.constant 20480 : i32
        %parallel_loop3A_258 = vector.broadcast %parallel_loop3A_257 : i32 to vector<16xi32>
        %parallel_loop3A_259 = arith.addi %parallel_loop3A_232, %parallel_loop3A_258 : vector<16xi32>
        %parallel_loop3A_260 = tpu.vector_load_idx %arg12[%parallel_loop3A_259] : memref<40960xf32, #tpu.memory_space<vmem>>[vector<16xi32>], vector<16xf32>,
        %parallel_loop3A_261 = arith.constant 20480 : i32
        %parallel_loop3A_262 = vector.broadcast %parallel_loop3A_261 : i32 to vector<16xi32>
        %parallel_loop3A_263 = arith.addi %parallel_loop3A_236, %parallel_loop3A_262 : vector<16xi32>
        %parallel_loop3A_264 = arith.mulf %parallel_loop3A_260, %parallel_loop3A_240 : vector<16xf32>
        tpu.vector_store_idx %arg13[%parallel_loop3A_263], %parallel_loop3A_264 {add = true} : memref<40960xf32, #tpu.memory_space<vmem>>[vector<16xi32>], vector<16xf32>,
        %parallel_loop3A_265 = arith.constant 30720 : i32
        %parallel_loop3A_266 = vector.broadcast %parallel_loop3A_265 : i32 to vector<16xi32>
        %parallel_loop3A_267 = arith.addi %parallel_loop3A_232, %parallel_loop3A_266 : vector<16xi32>
        %parallel_loop3A_268 = tpu.vector_load_idx %arg12[%parallel_loop3A_267] : memref<40960xf32, #tpu.memory_space<vmem>>[vector<16xi32>], vector<16xf32>,
        %parallel_loop3A_269 = arith.constant 30720 : i32
        %parallel_loop3A_270 = vector.broadcast %parallel_loop3A_269 : i32 to vector<16xi32>
        %parallel_loop3A_271 = arith.addi %parallel_loop3A_236, %parallel_loop3A_270 : vector<16xi32>
        %parallel_loop3A_272 = arith.mulf %parallel_loop3A_268, %parallel_loop3A_240 : vector<16xf32>
        tpu.vector_store_idx %arg13[%parallel_loop3A_271], %parallel_loop3A_272 {add = true} : memref<40960xf32, #tpu.memory_space<vmem>>[vector<16xi32>], vector<16xf32>,
      } {sc.loop_unroll_factor = 5 : i64, sc.parallel_access}
      %add3A_212 = arith.constant 2 : i32
      %add3A_213 = arith.addi %mul3A_192, %add3A_212 : i32
      %lt3A = arith.constant 160 : i32
      %lt3A_214 = arith.cmpi slt, %add3A_213, %lt3A : i32
      %convert_element_type3A_215 = arith.extui %lt3A_214 : i1 to i32
      %cond3A_216 = arith.constant 0 : i32
      %cond3A_217 = arith.cmpi ne, %convert_element_type3A_215, %cond3A_216 : i32
      scf.if %cond3A_217 {
        %add3A_228 = arith.constant 2 : i32
        %add3A_229 = arith.addi %mul3A_192, %add3A_228 : i32
        %mul3A_230 = arith.constant 2000 : i32
        %mul3A_231 = arith.muli %add3A_229, %mul3A_230 : i32
        %add3A_232 = arith.addi %mul3A_174, %mul3A_231 : i32
        %dma_start3A_233 = tpu.memref_slice %arg2[%add3A_232] : memref<640000xi32, #tpu.memory_space<hbm>> -> memref<2000xi32, #tpu.memory_space<hbm>>
        %dma_start3A_234 = tpu.memref_slice %arg2[%add3A_232] : memref<640000xi32, #tpu.memory_space<hbm>> -> memref<2000xi32, #tpu.memory_space<hbm>>
        tpu.enqueue_dma source(%dma_start3A_234 : memref<2000xi32, #tpu.memory_space<hbm>>) target(%arg14 : memref<2000xi32, #tpu.memory_space<vmem>>) target_semaphore(%arg20 : memref<!tpu.dma_semaphore, #tpu.memory_space<semaphore_mem>>)
        %dma_start3A_235 = tpu.memref_slice %arg3[%add3A_232] : memref<640000xi32, #tpu.memory_space<hbm>> -> memref<2000xi32, #tpu.memory_space<hbm>>
        %dma_start3A_236 = tpu.memref_slice %arg3[%add3A_232] : memref<640000xi32, #tpu.memory_space<hbm>> -> memref<2000xi32, #tpu.memory_space<hbm>>
        tpu.enqueue_dma source(%dma_start3A_236 : memref<2000xi32, #tpu.memory_space<hbm>>) target(%arg15 : memref<2000xi32, #tpu.memory_space<vmem>>) target_semaphore(%arg20 : memref<!tpu.dma_semaphore, #tpu.memory_space<semaphore_mem>>)
        %dma_start3A_237 = tpu.memref_slice %arg8[%add3A_232] : memref<640000xf32, #tpu.memory_space<hbm>> -> memref<2000xf32, #tpu.memory_space<hbm>>
        %dma_start3A_238 = tpu.memref_slice %arg8[%add3A_232] : memref<640000xf32, #tpu.memory_space<hbm>> -> memref<2000xf32, #tpu.memory_space<hbm>>
        tpu.enqueue_dma source(%dma_start3A_238 : memref<2000xf32, #tpu.memory_space<hbm>>) target(%arg16 : memref<2000xf32, #tpu.memory_space<vmem>>) target_semaphore(%arg20 : memref<!tpu.dma_semaphore, #tpu.memory_space<semaphore_mem>>)
      } else {
      }
      %dma_wait3A_218 = tpu.memref_slice %arg2[%mul3A_174] : memref<640000xi32, #tpu.memory_space<hbm>> -> memref<2000xi32, #tpu.memory_space<hbm>>
      %dma_wait3A_219 = tpu.memref_slice %arg2[%mul3A_174] : memref<640000xi32, #tpu.memory_space<hbm>> -> memref<2000xi32, #tpu.memory_space<hbm>>
      tpu.wait_dma2 semaphore(%arg21 : memref<!tpu.dma_semaphore, #tpu.memory_space<semaphore_mem>>) src(%dma_wait3A_219 : memref<2000xi32, #tpu.memory_space<hbm>>) dst(%arg17 : memref<2000xi32, #tpu.memory_space<vmem>>)
      %dma_wait3A_220 = tpu.memref_slice %arg3[%mul3A_174] : memref<640000xi32, #tpu.memory_space<hbm>> -> memref<2000xi32, #tpu.memory_space<hbm>>
      %dma_wait3A_221 = tpu.memref_slice %arg3[%mul3A_174] : memref<640000xi32, #tpu.memory_space<hbm>> -> memref<2000xi32, #tpu.memory_space<hbm>>
      tpu.wait_dma2 semaphore(%arg21 : memref<!tpu.dma_semaphore, #tpu.memory_space<semaphore_mem>>) src(%dma_wait3A_221 : memref<2000xi32, #tpu.memory_space<hbm>>) dst(%arg18 : memref<2000xi32, #tpu.memory_space<vmem>>)
      %dma_wait3A_222 = tpu.memref_slice %arg4[%mul3A_174] : memref<640000xf32, #tpu.memory_space<hbm>> -> memref<2000xf32, #tpu.memory_space<hbm>>
      %dma_wait3A_223 = tpu.memref_slice %arg4[%mul3A_174] : memref<640000xf32, #tpu.memory_space<hbm>> -> memref<2000xf32, #tpu.memory_space<hbm>>
      tpu.wait_dma2 semaphore(%arg21 : memref<!tpu.dma_semaphore, #tpu.memory_space<semaphore_mem>>) src(%dma_wait3A_223 : memref<2000xf32, #tpu.memory_space<hbm>>) dst(%arg19 : memref<2000xf32, #tpu.memory_space<vmem>>)
      %parallel_loop3A_224 = arith.constant 0 : i32
      %parallel_loop3A_225 = arith.constant 125 : i32
      %parallel_loop3A_226 = arith.constant 1 : i32
      scf.for %parallel_loop3A_228 = %parallel_loop3A_224 to %parallel_loop3A_225 step %parallel_loop3A_226  : i32 {
        %parallel_loop3A_229 = arith.constant 16 : i32
        %parallel_loop3A_230 = arith.muli %parallel_loop3A_228, %parallel_loop3A_229 : i32
        %parallel_loop3A_231 = arith.index_cast %parallel_loop3A_230 : i32 to index
        %parallel_loop3A_232 = tpu.vector_load %arg17[%parallel_loop3A_231] {strides = array<i32>} : memref<2000xi32, #tpu.memory_space<vmem>>, vector<16xi32>,
        %parallel_loop3A_233 = arith.constant 16 : i32
        %parallel_loop3A_234 = arith.muli %parallel_loop3A_228, %parallel_loop3A_233 : i32
        %parallel_loop3A_235 = arith.index_cast %parallel_loop3A_234 : i32 to index
        %parallel_loop3A_236 = tpu.vector_load %arg18[%parallel_loop3A_235] {strides = array<i32>} : memref<2000xi32, #tpu.memory_space<vmem>>, vector<16xi32>,
        %parallel_loop3A_237 = arith.constant 16 : i32
        %parallel_loop3A_238 = arith.muli %parallel_loop3A_228, %parallel_loop3A_237 : i32
        %parallel_loop3A_239 = arith.index_cast %parallel_loop3A_238 : i32 to index
        %parallel_loop3A_240 = tpu.vector_load %arg19[%parallel_loop3A_239] {strides = array<i32>} : memref<2000xf32, #tpu.memory_space<vmem>>, vector<16xf32>,
        %parallel_loop3A_241 = arith.constant 0 : i32
        %parallel_loop3A_242 = vector.broadcast %parallel_loop3A_241 : i32 to vector<16xi32>
        %parallel_loop3A_243 = arith.addi %parallel_loop3A_232, %parallel_loop3A_242 : vector<16xi32>
        %parallel_loop3A_244 = tpu.vector_load_idx %arg12[%parallel_loop3A_243] : memref<40960xf32, #tpu.memory_space<vmem>>[vector<16xi32>], vector<16xf32>,
        %parallel_loop3A_245 = arith.constant 0 : i32
        %parallel_loop3A_246 = vector.broadcast %parallel_loop3A_245 : i32 to vector<16xi32>
        %parallel_loop3A_247 = arith.addi %parallel_loop3A_236, %parallel_loop3A_246 : vector<16xi32>
        %parallel_loop3A_248 = arith.mulf %parallel_loop3A_244, %parallel_loop3A_240 : vector<16xf32>
        tpu.vector_store_idx %arg13[%parallel_loop3A_247], %parallel_loop3A_248 {add = true} : memref<40960xf32, #tpu.memory_space<vmem>>[vector<16xi32>], vector<16xf32>,
        %parallel_loop3A_249 = arith.constant 10240 : i32
        %parallel_loop3A_250 = vector.broadcast %parallel_loop3A_249 : i32 to vector<16xi32>
        %parallel_loop3A_251 = arith.addi %parallel_loop3A_232, %parallel_loop3A_250 : vector<16xi32>
        %parallel_loop3A_252 = tpu.vector_load_idx %arg12[%parallel_loop3A_251] : memref<40960xf32, #tpu.memory_space<vmem>>[vector<16xi32>], vector<16xf32>,
        %parallel_loop3A_253 = arith.constant 10240 : i32
        %parallel_loop3A_254 = vector.broadcast %parallel_loop3A_253 : i32 to vector<16xi32>
        %parallel_loop3A_255 = arith.addi %parallel_loop3A_236, %parallel_loop3A_254 : vector<16xi32>
        %parallel_loop3A_256 = arith.mulf %parallel_loop3A_252, %parallel_loop3A_240 : vector<16xf32>
        tpu.vector_store_idx %arg13[%parallel_loop3A_255], %parallel_loop3A_256 {add = true} : memref<40960xf32, #tpu.memory_space<vmem>>[vector<16xi32>], vector<16xf32>,
        %parallel_loop3A_257 = arith.constant 20480 : i32
        %parallel_loop3A_258 = vector.broadcast %parallel_loop3A_257 : i32 to vector<16xi32>
        %parallel_loop3A_259 = arith.addi %parallel_loop3A_232, %parallel_loop3A_258 : vector<16xi32>
        %parallel_loop3A_260 = tpu.vector_load_idx %arg12[%parallel_loop3A_259] : memref<40960xf32, #tpu.memory_space<vmem>>[vector<16xi32>], vector<16xf32>,
        %parallel_loop3A_261 = arith.constant 20480 : i32
        %parallel_loop3A_262 = vector.broadcast %parallel_loop3A_261 : i32 to vector<16xi32>
        %parallel_loop3A_263 = arith.addi %parallel_loop3A_236, %parallel_loop3A_262 : vector<16xi32>
        %parallel_loop3A_264 = arith.mulf %parallel_loop3A_260, %parallel_loop3A_240 : vector<16xf32>
        tpu.vector_store_idx %arg13[%parallel_loop3A_263], %parallel_loop3A_264 {add = true} : memref<40960xf32, #tpu.memory_space<vmem>>[vector<16xi32>], vector<16xf32>,
        %parallel_loop3A_265 = arith.constant 30720 : i32
        %parallel_loop3A_266 = vector.broadcast %parallel_loop3A_265 : i32 to vector<16xi32>
        %parallel_loop3A_267 = arith.addi %parallel_loop3A_232, %parallel_loop3A_266 : vector<16xi32>
        %parallel_loop3A_268 = tpu.vector_load_idx %arg12[%parallel_loop3A_267] : memref<40960xf32, #tpu.memory_space<vmem>>[vector<16xi32>], vector<16xf32>,
        %parallel_loop3A_269 = arith.constant 30720 : i32
        %parallel_loop3A_270 = vector.broadcast %parallel_loop3A_269 : i32 to vector<16xi32>
        %parallel_loop3A_271 = arith.addi %parallel_loop3A_236, %parallel_loop3A_270 : vector<16xi32>
        %parallel_loop3A_272 = arith.mulf %parallel_loop3A_268, %parallel_loop3A_240 : vector<16xf32>
        tpu.vector_store_idx %arg13[%parallel_loop3A_271], %parallel_loop3A_272 {add = true} : memref<40960xf32, #tpu.memory_space<vmem>>[vector<16xi32>], vector<16xf32>,
      } {sc.loop_unroll_factor = 5 : i64, sc.parallel_access}
      %scan3A_227 = arith.constant 0 : i32
      scf.yield %scan3A_227 : i32
    }
    %scan3A_188 = arith.constant 80 : i32
    "tpu.region"() ({
      %run_scoped3A_189 = tpu.sem_alloc : memref<!tpu.dma_semaphore, #tpu.memory_space<semaphore_mem>>
      %dma_start3A_190 = arith.constant 0 : i32
      %dma_start3A_191 = tpu.memref_slice %arg6[%arg0, %arg1, %dma_start3A_190] : memref<2x16x40960xf32, #tpu.memory_space<hbm>> -> memref<1x1x40960xf32, #tpu.memory_space<hbm>>
      %dma_start3A_192 = tpu.memref_squeeze %dma_start3A_191 : memref<1x1x40960xf32, #tpu.memory_space<hbm>> -> memref<40960xf32, #tpu.memory_space<hbm>>
      %dma_start3A_193 = arith.constant 0 : i32
      %dma_start3A_194 = tpu.memref_slice %arg6[%arg0, %arg1, %dma_start3A_193] : memref<2x16x40960xf32, #tpu.memory_space<hbm>> -> memref<1x1x40960xf32, #tpu.memory_space<hbm>>
      %dma_start3A_195 = tpu.memref_squeeze %dma_start3A_194 : memref<1x1x40960xf32, #tpu.memory_space<hbm>> -> memref<40960xf32, #tpu.memory_space<hbm>>
      tpu.enqueue_dma source(%arg13 : memref<40960xf32, #tpu.memory_space<vmem>>) target(%dma_start3A_195 : memref<40960xf32, #tpu.memory_space<hbm>>) target_semaphore(%run_scoped3A_189 : memref<!tpu.dma_semaphore, #tpu.memory_space<semaphore_mem>>)
      %dma_wait3A = arith.constant 0 : i32
      %dma_wait3A_196 = tpu.memref_slice %arg6[%arg0, %arg1, %dma_wait3A] : memref<2x16x40960xf32, #tpu.memory_space<hbm>> -> memref<1x1x40960xf32, #tpu.memory_space<hbm>>
      %dma_wait3A_197 = tpu.memref_squeeze %dma_wait3A_196 : memref<1x1x40960xf32, #tpu.memory_space<hbm>> -> memref<40960xf32, #tpu.memory_space<hbm>>
      %dma_wait3A_198 = arith.constant 0 : i32
      %dma_wait3A_199 = tpu.memref_slice %arg6[%arg0, %arg1, %dma_wait3A_198] : memref<2x16x40960xf32, #tpu.memory_space<hbm>> -> memref<1x1x40960xf32, #tpu.memory_space<hbm>>
      %dma_wait3A_200 = tpu.memref_squeeze %dma_wait3A_199 : memref<1x1x40960xf32, #tpu.memory_space<hbm>> -> memref<40960xf32, #tpu.memory_space<hbm>>
      tpu.wait_dma2 semaphore(%run_scoped3A_189 : memref<!tpu.dma_semaphore, #tpu.memory_space<semaphore_mem>>) src(%arg13 : memref<40960xf32, #tpu.memory_space<vmem>>) dst(%dma_wait3A_200 : memref<40960xf32, #tpu.memory_space<hbm>>)
      tpu.yield
    }) : () -> ()
    return
  }
}

module attributes {stable_mosaic.version = 14 : i64} {
  func.func @_tc_body(%arg0: i32, %arg1: memref<2x1024x64xf32, #tpu.memory_space<vmem>>, %arg2: memref<1024x64xf32, #tpu.memory_space<vmem>>, %arg3: memref<1024x1xf32, #tpu.memory_space<vmem>>, %arg4: memref<16x256xf32, #tpu.memory_space<vmem>>, %arg5: memref<256x256xf32, #tpu.memory_space<vmem>>, %arg6: memref<1x256xf32, #tpu.memory_space<vmem>>, %arg7: memref<1x256xf32, #tpu.memory_space<vmem>>, %arg8: memref<16x256xf32, #tpu.memory_space<vmem>>, %arg9: memref<256x256xf32, #tpu.memory_space<vmem>>, %arg10: memref<1x256xf32, #tpu.memory_space<vmem>>, %arg11: memref<1x256xf32, #tpu.memory_space<vmem>>, %arg12: memref<1x4xf32, #tpu.memory_space<vmem>>, %arg13: memref<256x128xf32, #tpu.memory_space<vmem>>, %arg14: memref<1x128xf32, #tpu.memory_space<vmem>>, %arg15: memref<128x12xf32, #tpu.memory_space<vmem>>, %arg16: memref<1x12xf32, #tpu.memory_space<vmem>>, %arg17: memref<1024x12xf32, #tpu.memory_space<vmem>>, %arg18: memref<1024x256xf32, #tpu.memory_space<vmem>>) attributes {dimension_semantics = [#tpu.dimension_semantics<arbitrary>], iteration_bounds = array<i64: 10>, scalar_prefetch = 0 : i64, scratch_operands = 0 : i64, tpu.core_type = #tpu.core_type<tc>, window_params = [{transform_indices = @transform_0, window_bounds = array<i64: 2, 1024, 64>}, {transform_indices = @transform_1, window_bounds = array<i64: 1024, 64>}, {transform_indices = @transform_2, window_bounds = array<i64: 1024, 1>}, {pipeline_mode = #tpu.pipeline_mode<synchronous>, transform_indices = @transform_3, window_bounds = array<i64: 16, 256>}, {pipeline_mode = #tpu.pipeline_mode<synchronous>, transform_indices = @transform_4, window_bounds = array<i64: 256, 256>}, {pipeline_mode = #tpu.pipeline_mode<synchronous>, transform_indices = @transform_5, window_bounds = array<i64: 1, 256>}, {pipeline_mode = #tpu.pipeline_mode<synchronous>, transform_indices = @transform_6, window_bounds = array<i64: 1, 256>}, {pipeline_mode = #tpu.pipeline_mode<synchronous>, transform_indices = @transform_7, window_bounds = array<i64: 16, 256>}, {pipeline_mode = #tpu.pipeline_mode<synchronous>, transform_indices = @transform_8, window_bounds = array<i64: 256, 256>}, {pipeline_mode = #tpu.pipeline_mode<synchronous>, transform_indices = @transform_9, window_bounds = array<i64: 1, 256>}, {pipeline_mode = #tpu.pipeline_mode<synchronous>, transform_indices = @transform_10, window_bounds = array<i64: 1, 256>}, {pipeline_mode = #tpu.pipeline_mode<synchronous>, transform_indices = @transform_11, window_bounds = array<i64: 1, 4>}, {pipeline_mode = #tpu.pipeline_mode<synchronous>, transform_indices = @transform_12, window_bounds = array<i64: 256, 128>}, {pipeline_mode = #tpu.pipeline_mode<synchronous>, transform_indices = @transform_13, window_bounds = array<i64: 1, 128>}, {pipeline_mode = #tpu.pipeline_mode<synchronous>, transform_indices = @transform_14, window_bounds = array<i64: 128, 12>}, {pipeline_mode = #tpu.pipeline_mode<synchronous>, transform_indices = @transform_15, window_bounds = array<i64: 1, 12>}, {transform_indices = @transform_16, window_bounds = array<i64: 1024, 12>}, {transform_indices = @transform_17, window_bounds = array<i64: 1024, 256>}]} {
    %get3A = arith.constant 0 : index
    %get3A_0 = arith.constant 0 : index
    %get3A_1 = arith.constant 0 : index
    %get3A_2 = vector.load %arg1[%get3A, %get3A_0, %get3A_1] : memref<2x1024x64xf32, #tpu.memory_space<vmem>>, vector<2x1024x64xf32>
    %get3A_3 = arith.constant 0 : index
    %get3A_4 = arith.constant 0 : index
    %get3A_5 = vector.load %arg3[%get3A_3, %get3A_4] : memref<1024x1xf32, #tpu.memory_space<vmem>>, vector<1024x1xf32>
    %slice3A = vector.extract_strided_slice %get3A_2 {offsets = [0, 0, 0], sizes = [1, 1024, 64], strides = [1, 1, 1]} : vector<2x1024x64xf32> to vector<1x1024x64xf32>
    %squeeze3A = vector.shape_cast %slice3A : vector<1x1024x64xf32> to vector<1024x64xf32>
    %slice3A_6 = vector.extract_strided_slice %get3A_2 {offsets = [1, 0, 0], sizes = [1, 1024, 64], strides = [1, 1, 1]} : vector<2x1024x64xf32> to vector<1x1024x64xf32>
    %squeeze3A_7 = vector.shape_cast %slice3A_6 : vector<1x1024x64xf32> to vector<1024x64xf32>
    %add3A = arith.addf %squeeze3A, %squeeze3A_7 : vector<1024x64xf32>
    %get3A_8 = arith.constant 0 : index
    %get3A_9 = arith.constant 0 : index
    %get3A_10 = vector.load %arg2[%get3A_8, %get3A_9] : memref<1024x64xf32, #tpu.memory_space<vmem>>, vector<1024x64xf32>
    %mul3A = arith.mulf %get3A_5, %get3A_5 : vector<1024x1xf32>
    %mul3A_11 = vector.broadcast %mul3A : vector<1024x1xf32> to vector<1024x64xf32>
    %mul3A_12 = arith.mulf %get3A_10, %mul3A_11 : vector<1024x64xf32>
    %add3A_13 = arith.addf %add3A, %mul3A_12 : vector<1024x64xf32>
    %get3A_14 = arith.constant 0 : index
    %get3A_15 = arith.constant 0 : index
    %get3A_16 = vector.load %arg4[%get3A_14, %get3A_15] : memref<16x256xf32, #tpu.memory_space<vmem>>, vector<16x256xf32>
    %get3A_17 = arith.constant 0 : index
    %get3A_18 = arith.constant 0 : index
    %get3A_19 = vector.load %arg5[%get3A_17, %get3A_18] : memref<256x256xf32, #tpu.memory_space<vmem>>, vector<256x256xf32>
    %dot_general3A = arith.constant dense<0.000000e+00> : vector<16x256xf32>
    %dot_general3A_20 = tpu.matmul %get3A_16, %get3A_19, %dot_general3A {dimension_numbers = #tpu.dot_dimension_numbers<[1], [0], [0], [1], [0, 0, 1, 1], [], []>, transpose_lhs_hint = false} : vector<16x256xf32>, vector<256x256xf32>, vector<16x256xf32> -> vector<16x256xf32>
    %get3A_21 = arith.constant 0 : index
    %get3A_22 = arith.constant 0 : index
    %get3A_23 = vector.load %arg6[%get3A_21, %get3A_22] : memref<1x256xf32, #tpu.memory_space<vmem>>, vector<1x256xf32>
    %get3A_24 = arith.constant 0 : index
    %get3A_25 = arith.constant 0 : index
    %get3A_26 = vector.load %arg5[%get3A_24, %get3A_25] : memref<256x256xf32, #tpu.memory_space<vmem>>, vector<256x256xf32>
    %dot_general3A_27 = arith.constant dense<0.000000e+00> : vector<1x256xf32>
    %dot_general3A_28 = tpu.matmul %get3A_23, %get3A_26, %dot_general3A_27 {dimension_numbers = #tpu.dot_dimension_numbers<[1], [0], [0], [1], [0, 0, 1, 1], [], []>, transpose_lhs_hint = false} : vector<1x256xf32>, vector<256x256xf32>, vector<1x256xf32> -> vector<1x256xf32>
    %get3A_29 = arith.constant 0 : index
    %get3A_30 = arith.constant 0 : index
    %get3A_31 = vector.load %arg7[%get3A_29, %get3A_30] : memref<1x256xf32, #tpu.memory_space<vmem>>, vector<1x256xf32>
    %add3A_32 = arith.addf %dot_general3A_28, %get3A_31 : vector<1x256xf32>
    %get3A_33 = arith.constant 0 : index
    %get3A_34 = arith.constant 0 : index
    %get3A_35 = vector.load %arg8[%get3A_33, %get3A_34] : memref<16x256xf32, #tpu.memory_space<vmem>>, vector<16x256xf32>
    %get3A_36 = arith.constant 0 : index
    %get3A_37 = arith.constant 0 : index
    %get3A_38 = vector.load %arg9[%get3A_36, %get3A_37] : memref<256x256xf32, #tpu.memory_space<vmem>>, vector<256x256xf32>
    %dot_general3A_39 = arith.constant dense<0.000000e+00> : vector<16x256xf32>
    %dot_general3A_40 = tpu.matmul %get3A_35, %get3A_38, %dot_general3A_39 {dimension_numbers = #tpu.dot_dimension_numbers<[1], [0], [0], [1], [0, 0, 1, 1], [], []>, transpose_lhs_hint = false} : vector<16x256xf32>, vector<256x256xf32>, vector<16x256xf32> -> vector<16x256xf32>
    %get3A_41 = arith.constant 0 : index
    %get3A_42 = arith.constant 0 : index
    %get3A_43 = vector.load %arg10[%get3A_41, %get3A_42] : memref<1x256xf32, #tpu.memory_space<vmem>>, vector<1x256xf32>
    %get3A_44 = arith.constant 0 : index
    %get3A_45 = arith.constant 0 : index
    %get3A_46 = vector.load %arg9[%get3A_44, %get3A_45] : memref<256x256xf32, #tpu.memory_space<vmem>>, vector<256x256xf32>
    %dot_general3A_47 = arith.constant dense<0.000000e+00> : vector<1x256xf32>
    %dot_general3A_48 = tpu.matmul %get3A_43, %get3A_46, %dot_general3A_47 {dimension_numbers = #tpu.dot_dimension_numbers<[1], [0], [0], [1], [0, 0, 1, 1], [], []>, transpose_lhs_hint = false} : vector<1x256xf32>, vector<256x256xf32>, vector<1x256xf32> -> vector<1x256xf32>
    %get3A_49 = arith.constant 0 : index
    %get3A_50 = arith.constant 0 : index
    %get3A_51 = vector.load %arg11[%get3A_49, %get3A_50] : memref<1x256xf32, #tpu.memory_space<vmem>>, vector<1x256xf32>
    %add3A_52 = arith.addf %dot_general3A_48, %get3A_51 : vector<1x256xf32>
    %get3A_53 = arith.constant 0 : index
    %get3A_54 = arith.constant 0 : index
    %get3A_55 = vector.load %arg12[%get3A_53, %get3A_54] : memref<1x4xf32, #tpu.memory_space<vmem>>, vector<1x4xf32>
    %reduce_max3A = vector.shape_cast %get3A_55 : vector<1x4xf32> to vector<1x1x4xf32>
    %reduce_max3A_56 = arith.constant dense<0xFF800000> : vector<1xf32>
    %reduce_max3A_57 = vector.multi_reduction <maximumf>, %reduce_max3A, %reduce_max3A_56 [1, 2] : vector<1x1x4xf32> to vector<1xf32>
    %reduce_max3A_58 = vector.shape_cast %reduce_max3A_57 : vector<1xf32> to vector<1x1x1xf32>
    %reduce_max3A_59 = vector.extract %reduce_max3A_58[0, 0, 0] : f32 from vector<1x1x1xf32>
    %sub3A = vector.broadcast %reduce_max3A_59 : f32 to vector<1x4xf32>
    %sub3A_60 = arith.subf %get3A_55, %sub3A : vector<1x4xf32>
    %exp3A = math.exp %sub3A_60 : vector<1x4xf32>
    %reduce_sum3A = vector.shape_cast %exp3A : vector<1x4xf32> to vector<1x1x4xf32>
    %reduce_sum3A_61 = arith.constant dense<0.000000e+00> : vector<1xf32>
    %reduce_sum3A_62 = vector.multi_reduction <add>, %reduce_sum3A, %reduce_sum3A_61 [1, 2] : vector<1x1x4xf32> to vector<1xf32>
    %reduce_sum3A_63 = vector.shape_cast %reduce_sum3A_62 : vector<1xf32> to vector<1x1x1xf32>
    %reduce_sum3A_64 = vector.extract %reduce_sum3A_63[0, 0, 0] : f32 from vector<1x1x1xf32>
    %div3A = vector.broadcast %reduce_sum3A_64 : f32 to vector<1x4xf32>
    %div3A_65 = arith.divf %exp3A, %div3A : vector<1x4xf32>
    %broadcast_in_dim3A = arith.constant 0.000000e+00 : f32
    %broadcast_in_dim3A_66 = vector.broadcast %broadcast_in_dim3A : f32 to vector<1024x256xf32>
    %slice3A_67 = vector.extract_strided_slice %add3A_13 {offsets = [0, 0], sizes = [1024, 16], strides = [1, 1]} : vector<1024x64xf32> to vector<1024x16xf32>
    %dot_general3A_68 = arith.constant dense<0.000000e+00> : vector<1024x256xf32>
    %dot_general3A_69 = tpu.matmul %slice3A_67, %dot_general3A_20, %dot_general3A_68 {dimension_numbers = #tpu.dot_dimension_numbers<[1], [0], [0], [1], [0, 0, 1, 1], [], []>, transpose_lhs_hint = false} : vector<1024x16xf32>, vector<16x256xf32>, vector<1024x256xf32> -> vector<1024x256xf32>
    %add3A_70 = vector.broadcast %add3A_32 : vector<1x256xf32> to vector<1024x256xf32>
    %add3A_71 = arith.addf %dot_general3A_69, %add3A_70 : vector<1024x256xf32>
    %dot_general3A_72 = arith.constant dense<0.000000e+00> : vector<1024x256xf32>
    %dot_general3A_73 = tpu.matmul %slice3A_67, %dot_general3A_40, %dot_general3A_72 {dimension_numbers = #tpu.dot_dimension_numbers<[1], [0], [0], [1], [0, 0, 1, 1], [], []>, transpose_lhs_hint = false} : vector<1024x16xf32>, vector<16x256xf32>, vector<1024x256xf32> -> vector<1024x256xf32>
    %add3A_74 = vector.broadcast %add3A_52 : vector<1x256xf32> to vector<1024x256xf32>
    %add3A_75 = arith.addf %dot_general3A_73, %add3A_74 : vector<1024x256xf32>
    %slice3A_76 = vector.extract_strided_slice %div3A_65 {offsets = [0, 0], sizes = [1, 1], strides = [1, 1]} : vector<1x4xf32> to vector<1x1xf32>
    %squeeze3A_77 = vector.extract %slice3A_76[0, 0] : f32 from vector<1x1xf32>
    %logistic3A = arith.negf %add3A_71 : vector<1024x256xf32>
    %logistic3A_78 = math.exp %logistic3A : vector<1024x256xf32>
    %logistic3A_79 = arith.constant 1.000000e+00 : f32
    %logistic3A_80 = vector.broadcast %logistic3A_79 : f32 to vector<1024x256xf32>
    %logistic3A_81 = arith.addf %logistic3A_80, %logistic3A_78 : vector<1024x256xf32>
    %logistic3A_82 = arith.divf %logistic3A_80, %logistic3A_81 : vector<1024x256xf32>
    %sub3A_83 = arith.constant 1.000000e+00 : f32
    %sub3A_84 = vector.broadcast %sub3A_83 : f32 to vector<1024x256xf32>
    %sub3A_85 = arith.subf %sub3A_84, %logistic3A_82 : vector<1024x256xf32>
    %mul3A_86 = vector.broadcast %squeeze3A_77 : f32 to vector<1024x256xf32>
    %mul3A_87 = arith.mulf %mul3A_86, %sub3A_85 : vector<1024x256xf32>
    %tanh3A = math.tanh %add3A_75 : vector<1024x256xf32>
    %mul3A_88 = arith.mulf %mul3A_87, %tanh3A : vector<1024x256xf32>
    %add3A_89 = arith.addf %broadcast_in_dim3A_66, %mul3A_88 : vector<1024x256xf32>
    %slice3A_90 = vector.extract_strided_slice %add3A_13 {offsets = [0, 16], sizes = [1024, 16], strides = [1, 1]} : vector<1024x64xf32> to vector<1024x16xf32>
    %dot_general3A_91 = arith.constant dense<0.000000e+00> : vector<1024x256xf32>
    %dot_general3A_92 = tpu.matmul %slice3A_90, %dot_general3A_20, %dot_general3A_91 {dimension_numbers = #tpu.dot_dimension_numbers<[1], [0], [0], [1], [0, 0, 1, 1], [], []>, transpose_lhs_hint = false} : vector<1024x16xf32>, vector<16x256xf32>, vector<1024x256xf32> -> vector<1024x256xf32>
    %add3A_93 = vector.broadcast %add3A_32 : vector<1x256xf32> to vector<1024x256xf32>
    %add3A_94 = arith.addf %dot_general3A_92, %add3A_93 : vector<1024x256xf32>
    %dot_general3A_95 = arith.constant dense<0.000000e+00> : vector<1024x256xf32>
    %dot_general3A_96 = tpu.matmul %slice3A_90, %dot_general3A_40, %dot_general3A_95 {dimension_numbers = #tpu.dot_dimension_numbers<[1], [0], [0], [1], [0, 0, 1, 1], [], []>, transpose_lhs_hint = false} : vector<1024x16xf32>, vector<16x256xf32>, vector<1024x256xf32> -> vector<1024x256xf32>
    %add3A_97 = vector.broadcast %add3A_52 : vector<1x256xf32> to vector<1024x256xf32>
    %add3A_98 = arith.addf %dot_general3A_96, %add3A_97 : vector<1024x256xf32>
    %slice3A_99 = vector.extract_strided_slice %div3A_65 {offsets = [0, 1], sizes = [1, 1], strides = [1, 1]} : vector<1x4xf32> to vector<1x1xf32>
    %squeeze3A_100 = vector.extract %slice3A_99[0, 0] : f32 from vector<1x1xf32>
    %logistic3A_101 = arith.negf %add3A_94 : vector<1024x256xf32>
    %logistic3A_102 = math.exp %logistic3A_101 : vector<1024x256xf32>
    %logistic3A_103 = arith.constant 1.000000e+00 : f32
    %logistic3A_104 = vector.broadcast %logistic3A_103 : f32 to vector<1024x256xf32>
    %logistic3A_105 = arith.addf %logistic3A_104, %logistic3A_102 : vector<1024x256xf32>
    %logistic3A_106 = arith.divf %logistic3A_104, %logistic3A_105 : vector<1024x256xf32>
    %sub3A_107 = arith.constant 1.000000e+00 : f32
    %sub3A_108 = vector.broadcast %sub3A_107 : f32 to vector<1024x256xf32>
    %sub3A_109 = arith.subf %sub3A_108, %logistic3A_106 : vector<1024x256xf32>
    %mul3A_110 = vector.broadcast %squeeze3A_100 : f32 to vector<1024x256xf32>
    %mul3A_111 = arith.mulf %mul3A_110, %sub3A_109 : vector<1024x256xf32>
    %tanh3A_112 = math.tanh %add3A_98 : vector<1024x256xf32>
    %mul3A_113 = arith.mulf %mul3A_111, %tanh3A_112 : vector<1024x256xf32>
    %add3A_114 = arith.addf %add3A_89, %mul3A_113 : vector<1024x256xf32>
    %slice3A_115 = vector.extract_strided_slice %add3A_13 {offsets = [0, 32], sizes = [1024, 16], strides = [1, 1]} : vector<1024x64xf32> to vector<1024x16xf32>
    %dot_general3A_116 = arith.constant dense<0.000000e+00> : vector<1024x256xf32>
    %dot_general3A_117 = tpu.matmul %slice3A_115, %dot_general3A_20, %dot_general3A_116 {dimension_numbers = #tpu.dot_dimension_numbers<[1], [0], [0], [1], [0, 0, 1, 1], [], []>, transpose_lhs_hint = false} : vector<1024x16xf32>, vector<16x256xf32>, vector<1024x256xf32> -> vector<1024x256xf32>
    %add3A_118 = vector.broadcast %add3A_32 : vector<1x256xf32> to vector<1024x256xf32>
    %add3A_119 = arith.addf %dot_general3A_117, %add3A_118 : vector<1024x256xf32>
    %dot_general3A_120 = arith.constant dense<0.000000e+00> : vector<1024x256xf32>
    %dot_general3A_121 = tpu.matmul %slice3A_115, %dot_general3A_40, %dot_general3A_120 {dimension_numbers = #tpu.dot_dimension_numbers<[1], [0], [0], [1], [0, 0, 1, 1], [], []>, transpose_lhs_hint = false} : vector<1024x16xf32>, vector<16x256xf32>, vector<1024x256xf32> -> vector<1024x256xf32>
    %add3A_122 = vector.broadcast %add3A_52 : vector<1x256xf32> to vector<1024x256xf32>
    %add3A_123 = arith.addf %dot_general3A_121, %add3A_122 : vector<1024x256xf32>
    %slice3A_124 = vector.extract_strided_slice %div3A_65 {offsets = [0, 2], sizes = [1, 1], strides = [1, 1]} : vector<1x4xf32> to vector<1x1xf32>
    %squeeze3A_125 = vector.extract %slice3A_124[0, 0] : f32 from vector<1x1xf32>
    %logistic3A_126 = arith.negf %add3A_119 : vector<1024x256xf32>
    %logistic3A_127 = math.exp %logistic3A_126 : vector<1024x256xf32>
    %logistic3A_128 = arith.constant 1.000000e+00 : f32
    %logistic3A_129 = vector.broadcast %logistic3A_128 : f32 to vector<1024x256xf32>
    %logistic3A_130 = arith.addf %logistic3A_129, %logistic3A_127 : vector<1024x256xf32>
    %logistic3A_131 = arith.divf %logistic3A_129, %logistic3A_130 : vector<1024x256xf32>
    %sub3A_132 = arith.constant 1.000000e+00 : f32
    %sub3A_133 = vector.broadcast %sub3A_132 : f32 to vector<1024x256xf32>
    %sub3A_134 = arith.subf %sub3A_133, %logistic3A_131 : vector<1024x256xf32>
    %mul3A_135 = vector.broadcast %squeeze3A_125 : f32 to vector<1024x256xf32>
    %mul3A_136 = arith.mulf %mul3A_135, %sub3A_134 : vector<1024x256xf32>
    %tanh3A_137 = math.tanh %add3A_123 : vector<1024x256xf32>
    %mul3A_138 = arith.mulf %mul3A_136, %tanh3A_137 : vector<1024x256xf32>
    %add3A_139 = arith.addf %add3A_114, %mul3A_138 : vector<1024x256xf32>
    %slice3A_140 = vector.extract_strided_slice %add3A_13 {offsets = [0, 48], sizes = [1024, 16], strides = [1, 1]} : vector<1024x64xf32> to vector<1024x16xf32>
    %dot_general3A_141 = arith.constant dense<0.000000e+00> : vector<1024x256xf32>
    %dot_general3A_142 = tpu.matmul %slice3A_140, %dot_general3A_20, %dot_general3A_141 {dimension_numbers = #tpu.dot_dimension_numbers<[1], [0], [0], [1], [0, 0, 1, 1], [], []>, transpose_lhs_hint = false} : vector<1024x16xf32>, vector<16x256xf32>, vector<1024x256xf32> -> vector<1024x256xf32>
    %add3A_143 = vector.broadcast %add3A_32 : vector<1x256xf32> to vector<1024x256xf32>
    %add3A_144 = arith.addf %dot_general3A_142, %add3A_143 : vector<1024x256xf32>
    %dot_general3A_145 = arith.constant dense<0.000000e+00> : vector<1024x256xf32>
    %dot_general3A_146 = tpu.matmul %slice3A_140, %dot_general3A_40, %dot_general3A_145 {dimension_numbers = #tpu.dot_dimension_numbers<[1], [0], [0], [1], [0, 0, 1, 1], [], []>, transpose_lhs_hint = false} : vector<1024x16xf32>, vector<16x256xf32>, vector<1024x256xf32> -> vector<1024x256xf32>
    %add3A_147 = vector.broadcast %add3A_52 : vector<1x256xf32> to vector<1024x256xf32>
    %add3A_148 = arith.addf %dot_general3A_146, %add3A_147 : vector<1024x256xf32>
    %slice3A_149 = vector.extract_strided_slice %div3A_65 {offsets = [0, 3], sizes = [1, 1], strides = [1, 1]} : vector<1x4xf32> to vector<1x1xf32>
    %squeeze3A_150 = vector.extract %slice3A_149[0, 0] : f32 from vector<1x1xf32>
    %logistic3A_151 = arith.negf %add3A_144 : vector<1024x256xf32>
    %logistic3A_152 = math.exp %logistic3A_151 : vector<1024x256xf32>
    %logistic3A_153 = arith.constant 1.000000e+00 : f32
    %logistic3A_154 = vector.broadcast %logistic3A_153 : f32 to vector<1024x256xf32>
    %logistic3A_155 = arith.addf %logistic3A_154, %logistic3A_152 : vector<1024x256xf32>
    %logistic3A_156 = arith.divf %logistic3A_154, %logistic3A_155 : vector<1024x256xf32>
    %sub3A_157 = arith.constant 1.000000e+00 : f32
    %sub3A_158 = vector.broadcast %sub3A_157 : f32 to vector<1024x256xf32>
    %sub3A_159 = arith.subf %sub3A_158, %logistic3A_156 : vector<1024x256xf32>
    %mul3A_160 = vector.broadcast %squeeze3A_150 : f32 to vector<1024x256xf32>
    %mul3A_161 = arith.mulf %mul3A_160, %sub3A_159 : vector<1024x256xf32>
    %tanh3A_162 = math.tanh %add3A_148 : vector<1024x256xf32>
    %mul3A_163 = arith.mulf %mul3A_161, %tanh3A_162 : vector<1024x256xf32>
    %add3A_164 = arith.addf %add3A_139, %mul3A_163 : vector<1024x256xf32>
    %swap3A = arith.constant 0 : index
    %swap3A_165 = arith.constant 0 : index
    %swap3A_166 = vector.load %arg18[%swap3A, %swap3A_165] : memref<1024x256xf32, #tpu.memory_space<vmem>>, vector<1024x256xf32>
    tpu.vector_store %arg18[%swap3A, %swap3A_165], %add3A_164 {strides = array<i32>} : memref<1024x256xf32, #tpu.memory_space<vmem>>, vector<1024x256xf32>,
    %max3A = arith.constant 0.000000e+00 : f32
    %max3A_167 = vector.broadcast %max3A : f32 to vector<1024x256xf32>
    %max3A_168 = arith.maximumf %add3A_164, %max3A_167 : vector<1024x256xf32>
    %get3A_169 = arith.constant 0 : index
    %get3A_170 = arith.constant 0 : index
    %get3A_171 = vector.load %arg13[%get3A_169, %get3A_170] : memref<256x128xf32, #tpu.memory_space<vmem>>, vector<256x128xf32>
    %dot_general3A_172 = arith.constant dense<0.000000e+00> : vector<1024x128xf32>
    %dot_general3A_173 = tpu.matmul %max3A_168, %get3A_171, %dot_general3A_172 {dimension_numbers = #tpu.dot_dimension_numbers<[1], [0], [0], [1], [0, 0, 1, 1], [], []>, transpose_lhs_hint = false} : vector<1024x256xf32>, vector<256x128xf32>, vector<1024x128xf32> -> vector<1024x128xf32>
    %get3A_174 = arith.constant 0 : index
    %get3A_175 = arith.constant 0 : index
    %get3A_176 = vector.load %arg14[%get3A_174, %get3A_175] : memref<1x128xf32, #tpu.memory_space<vmem>>, vector<1x128xf32>
    %add3A_177 = vector.broadcast %get3A_176 : vector<1x128xf32> to vector<1024x128xf32>
    %add3A_178 = arith.addf %dot_general3A_173, %add3A_177 : vector<1024x128xf32>
    %max3A_179 = arith.constant 0.000000e+00 : f32
    %max3A_180 = vector.broadcast %max3A_179 : f32 to vector<1024x128xf32>
    %max3A_181 = arith.maximumf %add3A_178, %max3A_180 : vector<1024x128xf32>
    %get3A_182 = arith.constant 0 : index
    %get3A_183 = arith.constant 0 : index
    %get3A_184 = vector.load %arg15[%get3A_182, %get3A_183] : memref<128x12xf32, #tpu.memory_space<vmem>>, vector<128x12xf32>
    %dot_general3A_185 = arith.constant dense<0.000000e+00> : vector<1024x12xf32>
    %dot_general3A_186 = tpu.matmul %max3A_181, %get3A_184, %dot_general3A_185 {dimension_numbers = #tpu.dot_dimension_numbers<[1], [0], [0], [1], [0, 0, 1, 1], [], []>, transpose_lhs_hint = false} : vector<1024x128xf32>, vector<128x12xf32>, vector<1024x12xf32> -> vector<1024x12xf32>
    %get3A_187 = arith.constant 0 : index
    %get3A_188 = arith.constant 0 : index
    %get3A_189 = vector.load %arg16[%get3A_187, %get3A_188] : memref<1x12xf32, #tpu.memory_space<vmem>>, vector<1x12xf32>
    %add3A_190 = vector.broadcast %get3A_189 : vector<1x12xf32> to vector<1024x12xf32>
    %add3A_191 = arith.addf %dot_general3A_186, %add3A_190 : vector<1024x12xf32>
    %swap3A_192 = arith.constant 0 : index
    %swap3A_193 = arith.constant 0 : index
    %swap3A_194 = vector.load %arg17[%swap3A_192, %swap3A_193] : memref<1024x12xf32, #tpu.memory_space<vmem>>, vector<1024x12xf32>
    tpu.vector_store %arg17[%swap3A_192, %swap3A_193], %add3A_191 {strides = array<i32>} : memref<1024x12xf32, #tpu.memory_space<vmem>>, vector<1024x12xf32>,
    return
  }
  func.func @transform_0(%arg0: i32) -> (i32, i32, i32) {
    %c0_i32 = arith.constant 0 : i32
    %c0_i32_0 = arith.constant 0 : i32
    %c0_i32_1 = arith.constant 0 : i32
    return %c0_i32, %arg0, %c0_i32_0 : i32, i32, i32
  }
  func.func @transform_1(%arg0: i32) -> (i32, i32) {
    %c0_i32 = arith.constant 0 : i32
    %c0_i32_0 = arith.constant 0 : i32
    return %arg0, %c0_i32 : i32, i32
  }
  func.func @transform_2(%arg0: i32) -> (i32, i32) {
    %c0_i32 = arith.constant 0 : i32
    %c0_i32_0 = arith.constant 0 : i32
    return %arg0, %c0_i32 : i32, i32
  }
  func.func @transform_3(%arg0: i32) -> (i32, i32) {
    %c0_i32 = arith.constant 0 : i32
    %c0_i32_0 = arith.constant 0 : i32
    %c0_i32_1 = arith.constant 0 : i32
    return %c0_i32, %c0_i32_0 : i32, i32
  }
  func.func @transform_4(%arg0: i32) -> (i32, i32) {
    %c0_i32 = arith.constant 0 : i32
    %c0_i32_0 = arith.constant 0 : i32
    %c0_i32_1 = arith.constant 0 : i32
    return %c0_i32, %c0_i32_0 : i32, i32
  }
  func.func @transform_5(%arg0: i32) -> (i32, i32) {
    %c0_i32 = arith.constant 0 : i32
    %c0_i32_0 = arith.constant 0 : i32
    %c0_i32_1 = arith.constant 0 : i32
    return %c0_i32, %c0_i32_0 : i32, i32
  }
  func.func @transform_6(%arg0: i32) -> (i32, i32) {
    %c0_i32 = arith.constant 0 : i32
    %c0_i32_0 = arith.constant 0 : i32
    %c0_i32_1 = arith.constant 0 : i32
    return %c0_i32, %c0_i32_0 : i32, i32
  }
  func.func @transform_7(%arg0: i32) -> (i32, i32) {
    %c0_i32 = arith.constant 0 : i32
    %c0_i32_0 = arith.constant 0 : i32
    %c0_i32_1 = arith.constant 0 : i32
    return %c0_i32, %c0_i32_0 : i32, i32
  }
  func.func @transform_8(%arg0: i32) -> (i32, i32) {
    %c0_i32 = arith.constant 0 : i32
    %c0_i32_0 = arith.constant 0 : i32
    %c0_i32_1 = arith.constant 0 : i32
    return %c0_i32, %c0_i32_0 : i32, i32
  }
  func.func @transform_9(%arg0: i32) -> (i32, i32) {
    %c0_i32 = arith.constant 0 : i32
    %c0_i32_0 = arith.constant 0 : i32
    %c0_i32_1 = arith.constant 0 : i32
    return %c0_i32, %c0_i32_0 : i32, i32
  }
  func.func @transform_10(%arg0: i32) -> (i32, i32) {
    %c0_i32 = arith.constant 0 : i32
    %c0_i32_0 = arith.constant 0 : i32
    %c0_i32_1 = arith.constant 0 : i32
    return %c0_i32, %c0_i32_0 : i32, i32
  }
  func.func @transform_11(%arg0: i32) -> (i32, i32) {
    %c0_i32 = arith.constant 0 : i32
    %c0_i32_0 = arith.constant 0 : i32
    %c0_i32_1 = arith.constant 0 : i32
    return %c0_i32, %c0_i32_0 : i32, i32
  }
  func.func @transform_12(%arg0: i32) -> (i32, i32) {
    %c0_i32 = arith.constant 0 : i32
    %c0_i32_0 = arith.constant 0 : i32
    %c0_i32_1 = arith.constant 0 : i32
    return %c0_i32, %c0_i32_0 : i32, i32
  }
  func.func @transform_13(%arg0: i32) -> (i32, i32) {
    %c0_i32 = arith.constant 0 : i32
    %c0_i32_0 = arith.constant 0 : i32
    %c0_i32_1 = arith.constant 0 : i32
    return %c0_i32, %c0_i32_0 : i32, i32
  }
  func.func @transform_14(%arg0: i32) -> (i32, i32) {
    %c0_i32 = arith.constant 0 : i32
    %c0_i32_0 = arith.constant 0 : i32
    %c0_i32_1 = arith.constant 0 : i32
    return %c0_i32, %c0_i32_0 : i32, i32
  }
  func.func @transform_15(%arg0: i32) -> (i32, i32) {
    %c0_i32 = arith.constant 0 : i32
    %c0_i32_0 = arith.constant 0 : i32
    %c0_i32_1 = arith.constant 0 : i32
    return %c0_i32, %c0_i32_0 : i32, i32
  }
  func.func @transform_16(%arg0: i32) -> (i32, i32) {
    %c0_i32 = arith.constant 0 : i32
    %c0_i32_0 = arith.constant 0 : i32
    return %arg0, %c0_i32 : i32, i32
  }
  func.func @transform_17(%arg0: i32) -> (i32, i32) {
    %c0_i32 = arith.constant 0 : i32
    %c0_i32_0 = arith.constant 0 : i32
    return %arg0, %c0_i32 : i32, i32
  }
}

</mosaic_0001>

<sc_bundles>
// kernel: kernel.4.cloned.1.call-start
scs
__scs_entry_jumppad:
0x0: {  	(pc) =	sbr.rel $0x88, $3  }
0x1: {  	(tag) =	ssettag $0x0;
	lr =	simm.s32 $0x1  }
0x2: {  	[smem:$0x3F91] =	sst lr;
	_ =	strace $0xD0000000  }
0x3: {  	_ = 	snop  }
0x4: {  	_ = 	snop  }
0x5: {  	_ = 	snop  }
0x6: {  	_ = 	snop  }
0x7: {  	_ = 	snop  }
__scs_overlays_trampoline_lowered:
0x8: {  	[smem:$0x3FA0] =	sst s0  }
0x9: {  	[smem:$0x3FA1] =	sst s1  }
0xa: {  	[smem:$0x3FA2] =	sst s2  }
0xb: {  	[smem:$0x3FA3] =	sst s3  }
0xc: {  	[smem:$0x3FA4] =	sst s4  }
0xd: {  	[smem:$0x3FA5] =	sst s5  }
0xe: {  	[smem:$0x3FA6] =	sst s6  }
0xf: {  	[smem:$0x3FA7] =	sst s7  }
0x10: {  	[smem:$0x3FA8] =	sst s8  }
0x11: {  	[smem:$0x3FA9] =	sst s9;
	s0 =	simm.s32 @!p0 $0x0  }
0x12: {  	s1 =	sld [smem:$0x3F8F];
	s0 =	simm.s32 @p0 $0x1  }
0x13: {  	[smem:$0x3FAA] =	sst s0;
	s0 =	simm.s32 @!p1 $0x0  }
0x14: {  	s2 =	sld [smem:$0x3F8E];
	s0 =	simm.s32 @p1 $0x1  }
0x15: {  	[smem:$0x3FAB] =	sst s0;
	s0 =	simm.s32 @!p2 $0x0  }
0x16: {  	s3 =	sld [smem:$0x3FDB];
	s0 =	simm.s32 @p2 $0x1  }
0x17: {  	s4 =	simm.s32 $0x1BF5;
	[smem:$0x3FAD] =	sst s0  }
0x18: {  	s0 =	sld [smem:$0x3F90];
	_ =	swait.ge [sflag:s4], $0x0  }
0x19: {  	s7 =	sld [smem:$0x3F91]  }
0x1a: {  	s8 =	sadd.s32 $0xFFFFE003, lr  }
0x1b: {  	s9 =	sadd.s32 $0xFFFFFEF7, lr;
	s5 =	simm.s32 $0xFFFFFFFF;
	p2 =	slt.u32 s8, $0xFFFFF086  }
0x1c: {  	p1 =	slt.u32 s9, $0xF7A;
	s5 =	simm.s32 @!p2 $0x0  }
0x1d: {  	s5 =	simm.s32 @p1 $0x1;
	p0 =	seq.s32 s7, s2  }
0x1e: {  	s7 =	smul.u32 @!p0 $0xF7A, s2;
	p2 =	seq.s32 @!p0 s5, $0x0  }
0x1f: {  	s9 =	smul.u32 $0xF7A, s1;
	s8 =	simm.s32 @!p0 $0x1BF5;
	p2 =	por !p2, p0  }
0x20: {  	[sflag:s8] =	ssyncset.s32 @!p0 $0xFFFFF086;
	s6 =	sadd.s32 @!p0 s3, s7;
	s7 =	simm.s32 @!p0 $0x108  }
0x21: {  	s3 =	sadd.s32 s3, s9;
	s6 =	sadd.s32 @!p0 $0x88, s6;
	s7 =	simm.s32 @p2 $0x1082  }
0x22: {  	[simem:s7], [sflag:s8] =	dma.local @!p0 [hbm:s6], $0xF7A  }
0x23: {  	s9 =	sor.u32 $0xD0000000, s2;
	s6 =	simm.s32 $0x108;
	_ =	swait.ge @!p0 [sflag:s8], $0x0  }
0x24: {  	s3 =	sadd.s32 $0x88, s3;
	s6 =	simm.s32 @!p1 $0x1082;
	[sflag:s4] =	ssyncset.s32 $0xFFFFF086  }
0x25: {  	[simem:s6], [sflag:s4] =	dma.local [hbm:s3], $0xF7A  }
0x26: {  	[smem:$0x3F91] =	sst s1;
	(tag) =	ssettag s2;
	_ =	strace s9  }
0x27: {  	s1 =	sld [smem:$0x3FA1]  }
0x28: {  	s2 =	sld [smem:$0x3FA2]  }
0x29: {  	s4 =	sld [smem:$0x3FA4]  }
0x2a: {  	p0 =	seq.s32 s5, $0x0;
	s5 =	sld [smem:$0x3FA5]  }
0x2b: {  	s6 =	sld [smem:$0x3FA6]  }
0x2c: {  	s7 =	sld [smem:$0x3FA7]  }
0x2d: {  	s3 =	simm.s32 $0x108;
	s8 =	sld [smem:$0x3FA8]  }
0x2e: {  	s3 =	simm.s32 @!p0 $0x1082;
	s9 =	sld [smem:$0x3FA9]  }
0x2f: {  	lr =	sadd.s32 s0, s3;
	s0 =	sld [smem:$0x3FA0]  }
0x30: {  	s3 =	sld [smem:$0x3FA3]  }
0x31: {  	[smem:$0x3FAC] =	sst s10  }
0x32: {  	s10 =	sld [smem:$0x3FAA];
	_ =	sdelay $0x3  }
0x33: {  	p0 =	seq.s32 s10, $0x1;
	s10 =	sld [smem:$0x3FAC];
	_ =	sdelay $0x3  }
0x34: {  	[smem:$0x3FAC] =	sst s10  }
0x35: {  	s10 =	sld [smem:$0x3FAB];
	_ =	sdelay $0x3  }
0x36: {  	p1 =	seq.s32 s10, $0x1;
	s10 =	sld [smem:$0x3FAC];
	_ =	sdelay $0x3  }
0x37: {  	[smem:$0x3FAC] =	sst s10  }
0x38: {  	s10 =	sld [smem:$0x3FAD]  }
0x39: {  	_ = 	snop;
	(pc) =	sbr.ind lr, $3  }
0x3a: {  	_ = 	snop  }
0x3b: {  	_ = 	snop  }
0x3c: {  	p2 =	seq.s32 s10, $0x1;
	s10 =	sld [smem:$0x3FAC]  }
0x3d: {  	_ =	shalt  }
0x3e: {  	_ =	shalt  }
0x3f: {  	_ =	shalt  }
0x40: {  	_ =	shalt  }
0x41: {  	_ =	shalt  }
0x42: {  	_ =	shalt  }
0x43: {  	_ =	shalt  }
0x44: {  	_ =	shalt  }
0x45: {  	_ =	shalt  }
0x46: {  	_ =	shalt  }
0x47: {  	_ =	shalt  }
0x48: {  	_ =	shalt  }
0x49: {  	_ =	shalt  }
0x4a: {  	_ =	shalt  }
0x4b: {  	_ =	shalt  }
0x4c: {  	_ =	shalt  }
0x4d: {  	_ =	shalt  }
0x4e: {  	_ =	shalt  }
0x4f: {  	_ =	shalt  }
0x50: {  	_ =	shalt  }
0x51: {  	_ =	shalt  }
0x52: {  	_ =	shalt  }
0x53: {  	_ =	shalt  }
0x54: {  	_ =	shalt  }
0x55: {  	_ =	shalt  }
0x56: {  	_ =	shalt  }
0x57: {  	_ =	shalt  }
0x58: {  	_ =	shalt  }
0x59: {  	_ =	shalt  }
0x5a: {  	_ =	shalt  }
0x5b: {  	_ =	shalt  }
0x5c: {  	_ =	shalt  }
0x5d: {  	_ =	shalt  }
0x5e: {  	_ =	shalt  }
0x5f: {  	_ =	shalt  }
0x60: {  	_ =	shalt  }
0x61: {  	_ =	shalt  }
0x62: {  	_ =	shalt  }
0x63: {  	_ =	shalt  }
0x64: {  	_ =	shalt  }
0x65: {  	_ =	shalt  }
0x66: {  	_ =	shalt  }
0x67: {  	_ =	shalt  }
0x68: {  	_ =	shalt  }
0x69: {  	_ =	shalt  }
0x6a: {  	_ =	shalt  }
0x6b: {  	_ =	shalt  }
0x6c: {  	_ =	shalt  }
0x6d: {  	_ =	shalt  }
0x6e: {  	_ =	shalt  }
0x6f: {  	_ =	shalt  }
0x70: {  	_ =	shalt  }
0x71: {  	_ =	shalt  }
0x72: {  	_ =	shalt  }
0x73: {  	_ =	shalt  }
0x74: {  	_ =	shalt  }
0x75: {  	_ =	shalt  }
0x76: {  	_ =	shalt  }
0x77: {  	_ =	shalt  }
0x78: {  	_ =	shalt  }
0x79: {  	_ =	shalt  }
0x7a: {  	_ =	shalt  }
0x7b: {  	_ =	shalt  }
0x7c: {  	_ =	shalt  }
0x7d: {  	_ =	shalt  }
0x7e: {  	_ =	shalt  }
0x7f: {  	_ =	shalt  }
0x80: {  	_ =	shalt  }
0x81: {  	_ =	shalt  }
0x82: {  	_ =	shalt  }
0x83: {  	_ =	shalt  }
0x84: {  	_ =	shalt  }
0x85: {  	_ =	shalt  }
0x86: {  	_ =	shalt  }
0x87: {  	_ =	shalt  }
.Lfunc_end0:
.L_simem_size_0:
called_computation_lowered:
.L_overlay_start_0:
0x88: {  	s2 =	sld [smem:$0x3FD9]  }
0x89: {  	s3 =	sld [smem:$0x3FFE];
	_ =	sdelay $0x1  }
0x8a: {  	s1 =	srdreg.scid  }
0x8b: {  	s0 =	sand.u32 $0x1, s1  }
0x8c: {  	s14 =	sshll.u32 s0, $0xA;
	s2 =	sadd.s32 s3, s2  }
0x8d: {  	s2 =	sadd.s32 s2, s14  }
0x8e: {  	[smem:$0x3FB8] =	sst s2  }
0x8f: {  	_ = 	snop  }
0x90: {  	s2 =	sld [smem:$0x3FD0];
	_ =	sdelay $0x2  }
0x91: {  	s4 =	simm.s32 $0xA;
	s5 =	simm.s32 $0x10;
	s15 =	sld [smem:$0x3FC7]  }
0x92: {  	[smem:s5], [sflag:s4] =	dma.local [hbm:s2], $0x1  }
0x93: {  	_ =	swait.eq [sflag:s4], $0x1  }
0x94: {  	[sflag:s4] =	ssyncset.done $0x0  }
0x95: {  	s16 =	sld [smem:$0x10];
	[sflag:s4] =	ssyncadd.s32 $0xFFFFFFFF  }
0x96: {  	s17 =	sld [smem:$0x11];
	(tm) =	ssettm $0x1  }
0x97: {  	s18 =	sld [smem:$0x3FFB];
	_ =	sdelay $0x3  }
0x98: {  	_ =	strace s18  }
0x99: {  	s5 =	sld [smem:$0x3FFC];
	_ =	sdelay $0x3  }
0x9a: {  	_ =	strace s5  }
0x9b: {  	s5 =	sld [smem:$0x3FFD];
	_ =	sdelay $0x3  }
0x9c: {  	_ =	strace s5  }
0x9d: {  	_ =	strace $0x8FFFFFFF  }
0x9e: {  	s19 =	sld [smem:$0x3FDB];
	_ =	sdelay $0x1  }
0x9f: {  	s6 =	simm.s32 $_scs_section_size  }
0xa0: {  	s7 =	simm.s32 $_size__tile_overlayer_lowered;
	s8 =	simm.s32 $_tile_overlayer_lowered  }
0xa1: {  	s22 =	simm.s32 $0x1BFF;
	s21 =	sshll.u32 s8, $0x1;
	s5 =	sadd.s32 s6, s19  }
0xa2: {  	s9 =	simm.s32 $0x0;
	s20 =	sshll.u32 s7, $0x1;
	s7 =	sadd.s32 s21, s5  }
0xa3: {  	[timem:s9], [sflag:s22] =	dma.local [hbm:s7], s20  }
0xa4: {  	_ =	swait.ge [sflag:s22], s20  }
0xa5: {  	s6 =	ssub.s32 $0x0, s20;
	[sflag:s22] =	ssyncset.done $0x0  }
0xa6: {  	[sflag:s22] =	ssyncadd.s32 s6;
	_ =	sdelay $0x1  }
0xa7: {  	s23 =	simm.s32 $0x1B8B  }
0xa8: {  	_ =	swait.ge [sflag:s23], $0x1  }
0xa9: {  	[sflag:s23] =	ssyncset.done $0x0  }
0xaa: {  	s25 =	simm.s32 $0x1B8E;
	s24 =	sld [smem:$0x3FFE];
	[sflag:s23] =	ssyncadd.s32 $0xFFFFFFFF  }
0xab: {  	s26 =	simm.s32 $execute0_lowered;
	[smem:$0x3FD2] =	sst s25  }
0xac: {  	s7 =	sshll.u32 s26, $0x1;
	_ =	strace $0x80000046;
	[dreg:$0x1] =	wrdreg $0xFFFFFFFF  }
0xad: {  	s28 =	simm.s32 $_size_execute0_lowered;
	s5 =	sadd.s32 s5, s7;
	[dreg:$0x0] =	wrdreg $0x0  }
0xae: {  	s7 =	sshll.u32 s28, $0x1;
	[dreg:$0x2] =	wrdreg s5  }
0xaf: {  	[dreg:$0x3] =	wrdreg s7  }
0xb0: {  	[dreg:$0x4] =	wrdreg $0xC0  }
0xb1: {  	_ =	task [dreg:s9], $0x5FFFF  }
0xb2: {  	[dreg:$0x1] =	wrdreg $0xFFFFFFFF  }
0xb3: {  	[dreg:$0x0] =	wrdreg $0x60  }
0xb4: {  	[dreg:$0x2] =	wrdreg s24  }
0xb5: {  	[dreg:$0x3] =	wrdreg s15  }
0xb6: {  	[dreg:$0x4] =	wrdreg s17  }
0xb7: {  	[dreg:$0x5] =	wrdreg s16  }
0xb8: {  	[dreg:$0x6] =	wrdreg $0x1C2800  }
0xb9: {  	[dreg:$0x7] =	wrdreg $0x1EA800  }
0xba: {  	[dreg:$0x8] =	wrdreg $0x9  }
0xbb: {  	_ =	task.clear_ibuf [dreg:s9], $0x9FFFF;
	_ =	strace $0x90000046  }
0xbc: {  	s29 =	simm.s32 $0x9;
	_ =	strace $0x80000048  }
0xbd: {  	_ =	swait.ge [sflag:s29], $0x1  }
0xbe: {  	[sflag:s29] =	ssyncadd.s32 $0xFFFFFFFF  }
0xbf: {  	_ =	strace $0x90000048  }
0xc0: {  	_ =	sfence  }
0xc1: {  	s30 =	sld [smem:$0x0];
	_ =	sdelay $0x2  }
0xc2: {  	s31 =	sshll.u32 s1, $0xD;
	s1 =	sshrl.u32 s1, $0x2  }
0xc3: {  	s3 =	sand.u32 $0x4000, s31;
	s1 =	sadd.s32 s1, s30  }
0xc4: {  	s0 =	sor.u32 s3, s0;
	s1 =	sshll.u32 s1, $0x11  }
0xc5: {  	s0 =	sor.u32 s1, s0  }
0xc6: {  	s0 =	sadd.s32 $0x8F2B, s0  }
0xc7: {  	[sflag:s0] =	ssyncadd.remote.s32 $0x1  }
0xc8: {  	_ =	sfence.sel $0xFFFF  }
0xc9: {  	[dreg:$0x0] =	wrdreg $0xFFFFFFFF;
	(pc) =	sbr.abs _section_cstart, $3  }
0xca: {  	[dreg:$0x1] =	wrdreg $0xFFFFFFFF  }
0xcb: {  	_ =	task.clear_ibuf [dreg:s9], $0x2FFFF;
	_ =	strace $0x9FFFFFFF  }
0xcc: {  	(tm) =	ssettm $0x7FFFFFFF  }
0xcd: {  	_ =	shalt  }
tec
execute0_lowered:
.L_overlay_start_1:
0x0: {  	(tag) =	ssettag $0x1  }
0x1: {  	s0 =	rddreg [dreg:$0x0]  }
0x2: {  	s1 =	rddreg [dreg:$0x1]  }
0x3: {  	s2 =	rddreg [dreg:$0x2]  }
0x4: {  	s3 =	rddreg [dreg:$0x4]  }
0x5: {  	s18 =	rddreg [dreg:$0x5];
	s16 =	stileid.u32  }
0x6: {  	s5 =	simm.s32 $0x0;
	s8 =	srdreg.scid;
	s28 =	simm.s32 $0x5280  }
0x7: {  	s29 =	simm.s32 $0x1AA80;
	s30 =	simm.s32 $0x1;
	s14 =	smul.u32 $0x5000, s16  }
0x8: {  	s31 =	simm.s32 $0xF280;
	s4 =	sshrl.u32 s16, $0x3;
	s10 =	smul.u32 $0x9C40, s16  }
0x9: {  	s6 =	sshll.u32 s16, $0x7;
	[smem:$0x7FF] =	sst s5;
	s20 =	smul.u32 $0x4E20, s16  }
0xa: {  	s12 =	sand.u32 $0x1, s8;
	s8 =	sadd.s32 $0x3E600, s0;
	s4 =	smul.u32 $0x50000, s4  }
0xb: {  	s11 =	sand.u32 $0x380, s6;
	_ =	strace $0x80000047;
	s6 =	sadd.s32 $0x2AC00, s0  }
0xc: {  	s24 =	ssub.s32 $0x2, s12;
	s22 =	sor.u32 s12, s16;
	s14 =	sshrl.u32 s14, $0x2  }
0xd: {  	s26 =	smul.u32 $0xA0000, s12;
	p0 =	sne.s32 s22, $0x0;
	s19 =	sadd.s32 s14, s3  }
0xe: {  	s7 =	sor.u32 s11, s4;
	s14 =	sadd.s32 $0x80, s19;
	[dreg:$0x8] =	wrdreg s19  }
0xf: {  	s15 =	sshrl.u32 s4, $0x2;
	s17 =	sadd.s32 $0x180, s19;
	[dreg:$0x9] =	wrdreg s14  }
0x10: {  	s15 =	sadd.s32 s15, s3;
	s21 =	sadd.s32 $0x200, s19;
	[dreg:$0xb] =	wrdreg s17  }
0x11: {  	s3 =	sadd.s32 s26, s4;
	s4 =	sadd.s32 $0x280, s19;
	[dreg:$0xc] =	wrdreg s21  }
0x12: {  	s9 =	sshrl.u32 s7, $0x3;
	s22 =	sadd.s32 $0x14300, s19;
	[dreg:$0x13] =	wrdreg s4  }
0x13: {  	s13 =	sadd.s32 s9, s0;
	s15 =	sadd.s32 s11, s15;
	[dreg:$0x1c] =	wrdreg s22  }
0x14: {  	s3 =	sor.u32 s11, s3;
	s11 =	sadd.s32 $0x300, s19;
	[dreg:$0x7] =	wrdreg s15  }
0x15: {  	s14 =	smul.u32 $0x4E200, s12;
	s12 =	sadd.s32 $0x380, s19;
	[dreg:$0x14] =	wrdreg s11  }
0x16: {  	s9 =	smul.u32 $0x280, s16;
	s16 =	sadd.s32 $0x14180, s19;
	[dreg:$0x15] =	wrdreg s12  }
0x17: {  	s25 =	sshrl.u32 s24, $0x1;
	s21 =	sadd.s32 $0x14280, s19;
	[dreg:$0x19] =	wrdreg s16  }
0x18: {  	s7 =	sadd.s32 $0x17200, s0;
	s15 =	sadd.s32 $0x100, s19;
	[dreg:$0x1b] =	wrdreg s21  }
0x19: {  	s0 =	ssub.s32 s24, s25;
	s24 =	sadd.s32 $0x3200, s13;
	[dreg:$0xa] =	wrdreg s15  }
0x1a: {  	s22 =	simm.s32 $0x19A80;
	s0 =	smax.u32 s0, $0x1;
	[dreg:$0xd] =	wrdreg s24  }
0x1b: {  	s3 =	sshrl.u32 s3, $0x3;
	s13 =	sadd.s32 $0x14000, s19;
	[dreg:$0x12] =	wrdreg s0  }
0x1c: {  	s16 =	simm.s32 $0x3;
	s2 =	sadd.s32 s2, s3;
	[dreg:$0x16] =	wrdreg s13  }
0x1d: {  	s17 =	sadd.s32 s20, s14;
	s15 =	sadd.s32 $0x14100, s19;
	[dreg:$0xf] =	wrdreg s2  }
0x1e: {  	s23 =	sshrl.u32 s14, $0x3;
	s20 =	sadd.s32 $0x14200, s19;
	[dreg:$0x18] =	wrdreg s15  }
0x1f: {  	s21 =	simm.s32 $0x19280;
	s25 =	sadd.s32 s6, s23;
	[dreg:$0x1a] =	wrdreg s20  }
0x20: {  	s24 =	sadd.s32 $0xFA0, s14;
	s26 =	sadd.s32 s7, s23;
	[dreg:$0xe] =	wrdreg s25  }
0x21: {  	s0 =	simm.s32 $0x2;
	s3 =	sadd.s32 s8, s23;
	[dreg:$0x10] =	wrdreg s26  }
0x22: {  	s23 =	sadd.s32 $0x7D0, s14;
	s14 =	sadd.s32 $0x14080, s19;
	[dreg:$0x11] =	wrdreg s3  }
0x23: {  	s15 =	simm.s32 $0x1B280;
	s20 =	simm.s32 $0x400;
	[dreg:$0x17] =	wrdreg s14  }
0x24: {  	s25 =	sadd.s32 $0x14380, s19;
	s26 =	sadd.s32 s9, s18;
	s18 =	simm.s32 $0x1BA80  }
0x25: {  	s19 =	simm.s32 $0x80;
	s3 =	simm.s32 $0x0;
	[dreg:$0x1d] =	wrdreg s25  }
0x26: {  	v0 =	vimm.f32 $0.0e+00;
	[dreg:$0x1e] =	wrdreg s26;
	s25 =	simm.s32 $0x1A280;
	s26 =	simm.s32 $0x2800  }
.LBB2_1:
0x27: {  	[dreg:$0x1f] =	wrdreg s3;
	s2 =	simm.s32 $0x40  }
0x28: {  	[tilespmem:s2+$0xFFFFFFC0] =	vst v0  }
0x29: {  	[tilespmem:s2+$0x30] =	vst v0  }
0x2a: {  	[tilespmem:s2+$0x20] =	vst v0  }
0x2b: {  	[tilespmem:s2+$0x10] =	vst v0  }
0x2c: {  	[tilespmem:s2+$0x0] =	vst v0  }
0x2d: {  	[tilespmem:s2+$0xFFFFFFF0] =	vst v0  }
0x2e: {  	s3 =	simm.s32 $0x0;
	[tilespmem:s2+$0xFFFFFFE0] =	vst v0  }
.LBB2_2:
0x2f: {  	s3 =	sadd.s32 $0x8, s3;
	[tilespmem:s2+$0xFFFFFFD0] =	vst v0;
	s2 =	sadd.s32 $0x80, s2  }
0x30: {  	[tilespmem:s2+$0xFFFFFFC0] =	vst v0;
	p1 =	slt.u32 s3, $0x278  }
0x31: {  	[tilespmem:s2+$0x30] =	vst v0  }
.Ltmp0:
0x32: {  	[tilespmem:s2+$0x20] =	vst v0;
	(pc) =	sbr.rel @p1 .LBB2_2-.Ltmp0, $4  }
0x33: {  	[tilespmem:s2+$0x10] =	vst v0  }
0x34: {  	[tilespmem:s2+$0x0] =	vst v0  }
0x35: {  	[tilespmem:s2+$0xFFFFFFF0] =	vst v0  }
0x36: {  	[tilespmem:s2+$0xFFFFFFE0] =	vst v0  }
0x37: {  	[tilespmem:s2+$0xFFFFFFD0] =	vst v0;
	s3 =	simm.s32 $0x0  }
.LBB2_4:
0x38: {  	s2 =	smul.u32 $0x7D0, s3;
	_ =	sdelay $0x1  }
0x39: {  	s2 =	sadd.s32 s10, s2  }
0x3a: {  	s2 =	sshrl.u32 s2, $0x3  }
0x3b: {  	s4 =	sadd.s32 s7, s2  }
0x3c: {  	[tilespmem:s15], [sflag:$0x3] =	stream.linear.gather [hbm4b:s4+s5], $0x7D0, $0x38;
	[tilespmem:$0x1ED00] =	vst v63  }
0x3d: {  	_ =	swait.ge [sflag:s16], $0x7D0  }
0x3e: {  	[sflag:s16] =	ssyncset.done $0x0  }
0x3f: {  	s2 =	sadd.s32 s1, s2;
	[sflag:s16] =	ssyncadd.s32 $0xFFFFF830  }
0x40: {  	[tilespmem:s18], [sflag:$0x3] =	stream.linear.gather [hbm4b:s2+s5], $0x7D0, $0x38;
	[tilespmem:$0x1ED00] =	vst v63  }
0x41: {  	_ =	swait.ge [sflag:s16], $0x7D0  }
0x42: {  	[sflag:s16] =	ssyncset.done $0x0  }
0x43: {  	s14 =	simm.s32 $0x1B2A0;
	[sflag:s16] =	ssyncadd.s32 $0xFFFFF830  }
0x44: {  	v1 =	vld [tilespmem:s14+$0x20]  }
0x45: {  	s2 =	simm.s32 $0x1BAA0;
	v3 =	vld [tilespmem:s14+$0xFFFFFFF0]  }
0x46: {  	v2 =	vld [tilespmem:s2+$0x20]  }
0x47: {  	v4 =	vld [tilespmem:s14+$0x0]  }
0x48: {  	v5 =	vld [tilespmem:s14+$0xFFFFFFE0]  }
0x49: {  	v6 =	vld [tilespmem:s2+$0xFFFFFFE0]  }
0x4a: {  	v7 =	vld [tilespmem:s2+$0xFFFFFFF0]  }
0x4b: {  	v8 =	vld [tilespmem:s2+$0x0]  }
0x4c: {  	[tilespmem:v1+s5+$0x0] =	vst.idx.add.f32.msk $0xffff, v2  }
0x4d: {  	v2 =	vld [tilespmem:s2+$0x10]  }
0x4e: {  	v1 =	vld [tilespmem:s14+$0x10]  }
0x4f: {  	[tilespmem:v3+s5+$0x0] =	vst.idx.add.f32.msk $0xffff, v7  }
0x50: {  	[tilespmem:v5+s5+$0x0] =	vst.idx.add.f32.msk $0xffff, v6  }
0x51: {  	s11 =	simm.s32 $0x1B2F0;
	s4 =	simm.s32 $0x0;
	[tilespmem:v4+s5+$0x0] =	vst.idx.add.f32.msk $0xffff, v8  }
.LBB2_5:
0x52: {  	v3 =	vld [tilespmem:s11+$0x20];
	s4 =	sadd.s32 $0x5, s4;
	v4 =	vmov v2  }
0x53: {  	v5 =	vld [tilespmem:s11+$0xFFFFFFF0];
	p1 =	slt.u32 s4, $0x78  }
0x54: {  	s2 =	sadd.s32 $0x50, s2;
	v6 =	vld [tilespmem:s11+$0x0]  }
0x55: {  	v2 =	vld [tilespmem:s2+$0x20]  }
0x56: {  	v7 =	vld [tilespmem:s11+$0x10]  }
0x57: {  	v8 =	vld [tilespmem:s11+$0xFFFFFFE0]  }
0x58: {  	v9 =	vld [tilespmem:s2+$0xFFFFFFE0]  }
0x59: {  	v10 =	vld [tilespmem:s2+$0xFFFFFFF0]  }
0x5a: {  	[tilespmem:v3+s5+$0x0] =	vst.idx.add.f32.msk $0xffff, v2  }
0x5b: {  	v3 =	vld [tilespmem:s2+$0x0]  }
.Ltmp1:
0x5c: {  	v2 =	vld [tilespmem:s2+$0x10];
	(pc) =	sbr.rel @p1 .LBB2_5-.Ltmp1, $4  }
0x5d: {  	[tilespmem:v1+s5+$0x0] =	vst.idx.add.f32.msk $0xffff, v4;
	v1 =	vmov v7  }
0x5e: {  	[tilespmem:v5+s5+$0x0] =	vst.idx.add.f32.msk $0xffff, v10  }
0x5f: {  	[tilespmem:v8+s5+$0x0] =	vst.idx.add.f32.msk $0xffff, v9  }
0x60: {  	s11 =	sadd.s32 $0x50, s11;
	[tilespmem:v6+s5+$0x0] =	vst.idx.add.f32.msk $0xffff, v3  }
0x61: {  	s3 =	sadd.s32 $0x1, s3  }
0x62: {  	p1 =	sne.s32 s3, $0x14  }
.Ltmp2:
0x63: {  	_ = 	snop;
	(pc) =	sbr.rel @p1 .LBB2_4-.Ltmp2, $2  }
0x64: {  	_ =	sdelay $0x2  }
0x65: {  	[tilespmem:v1+s5+$0x0] =	vst.idx.add.f32.msk $0xffff, v2  }
0x66: {  	s2 =	simm.s32 $0x0;
	s3 =	rddreg [dreg:$0x7]  }
0x67: {  	[spmem:s3] =	stream.strided.scatter [tilespmem:s2], [sflag:$0x3], $0x2800, s20, s19, $0x38;
	[tilespmem:$0x1ED00] =	vst v63  }
0x68: {  	_ =	swait.ge [sflag:s16], $0x2800  }
0x69: {  	s14 =	sadd.s32 $0x0, s9;
	[sflag:s16] =	ssyncset.done $0x0  }
0x6a: {  	s3 =	sand.u32 $0x7F80, s14;
	s4 =	sand.u32 $0x70, s2;
	[sflag:s16] =	ssyncadd.s32 $0xFFFFD800  }
0x6b: {  	s2 =	simm.s32 $0x10;
	s3 =	sor.u32 s4, s3;
	[bflag:$0x0] =	sbarrier.arrive $0xFFFF  }
.LBB2_8:
0x6c: {  	p1 =	sne.s32 s2, $0x270;
	[tilespmem:s3+$0x0] =	vst v0;
	s3 =	smov.u32 s2;
	s2 =	sadd.s32 $0x10, s2  }
.Ltmp3:
0x6d: {  	(pc) =	sbr.rel @p1 .LBB2_8-.Ltmp3, $4  }
0x6e: {  	_ = 	snop  }
0x6f: {  	s4 =	sadd.s32 s3, s9  }
0x70: {  	s3 =	sand.u32 $0x70, s3;
	s4 =	sand.u32 $0x7F80, s4  }
0x71: {  	s3 =	sor.u32 s3, s4  }
0x72: {  	[tilespmem:s3+$0x0] =	vst v0;
	s13 =	simm.s32 $0x5000;
	s2 =	rddreg [dreg:$0x8]  }
0x73: {  	[tilespmem:s13], [sflag:$0x3] =	stream.strided.gather [spmem:s2], $0x280, s20, s19, $0x38;
	[tilespmem:$0x1ED00] =	vst v63  }
0x74: {  	_ =	swait.ge [sflag:s16], $0x280  }
0x75: {  	s14 =	simm.s32 $0x0;
	s4 =	sadd.s32 $0x0, s9;
	[sflag:s16] =	ssyncset.done $0x0  }
0x76: {  	s4 =	sand.u32 $0x7F80, s4;
	s2 =	sand.u32 $0x70, s14;
	[sflag:s16] =	ssyncadd.s32 $0xFFFFFD80  }
0x77: {  	s2 =	sor.u32 s2, s4;
	v1 =	vld [tilespmem:s13+$0x0]  }
0x78: {  	v2 =	vld [tilespmem:s2+$0x0];
	_ =	sdelay $0x4  }
0x79: {  	s12 =	sadd.s32 $0x10, s9;
	v1 =	vadd.f32 v1, v2  }
0x7a: {  	s11 =	simm.s32 $0x20;
	s3 =	simm.s32 $0x5010;
	s4 =	simm.s32 $0x10  }
.LBB2_10:
0x7b: {  	p1 =	sne.s32 s11, $0x270;
	s12 =	sand.u32 $0x7F80, s12;
	s4 =	sand.u32 $0x70, s4;
	[tilespmem:s2+$0x0] =	vst v1  }
0x7c: {  	s2 =	sor.u32 s4, s12;
	v1 =	vld [tilespmem:s3+$0x0];
	s4 =	smov.u32 s11  }
0x7d: {  	v2 =	vld [tilespmem:s2+$0x0];
	_ =	sdelay $0x1  }
.Ltmp4:
0x7e: {  	(pc) =	sbr.rel @p1 .LBB2_10-.Ltmp4, $3  }
0x7f: {  	_ =	sdelay $0x1  }
0x80: {  	v1 =	vadd.f32 v1, v2  }
0x81: {  	s11 =	sadd.s32 $0x10, s11;
	s3 =	sadd.s32 $0x10, s3;
	s12 =	sadd.s32 s4, s9  }
0x82: {  	s11 =	sand.u32 $0x7F80, s12;
	s4 =	sand.u32 $0x70, s4;
	[tilespmem:s2+$0x0] =	vst v1  }
0x83: {  	s4 =	sor.u32 s4, s11;
	v1 =	vld [tilespmem:s3+$0x0]  }
0x84: {  	v2 =	vld [tilespmem:s4+$0x0];
	_ =	sdelay $0x4  }
0x85: {  	v1 =	vadd.f32 v1, v2;
	_ =	sdelay $0x1  }
0x86: {  	s12 =	rddreg [dreg:$0x9];
	s11 =	simm.s32 $0x5000;
	[tilespmem:s4+$0x0] =	vst v1  }
0x87: {  	[tilespmem:s11], [sflag:$0x3] =	stream.strided.gather [spmem:s12], $0x280, s20, s19, $0x38;
	[tilespmem:$0x1ED00] =	vst v63  }
0x88: {  	_ =	swait.ge [sflag:s16], $0x280  }
0x89: {  	s13 =	simm.s32 $0x0;
	s14 =	sadd.s32 $0x0, s9;
	[sflag:s16] =	ssyncset.done $0x0  }
0x8a: {  	s2 =	sand.u32 $0x70, s13;
	s4 =	sand.u32 $0x7F80, s14;
	[sflag:s16] =	ssyncadd.s32 $0xFFFFFD80  }
0x8b: {  	s2 =	sor.u32 s2, s4;
	v1 =	vld [tilespmem:s11+$0x0]  }
0x8c: {  	v2 =	vld [tilespmem:s2+$0x0];
	_ =	sdelay $0x4  }
0x8d: {  	s3 =	simm.s32 $0x5010;
	v1 =	vadd.f32 v1, v2  }
0x8e: {  	s4 =	simm.s32 $0x10;
	s12 =	sadd.s32 $0x10, s9;
	s11 =	simm.s32 $0x20  }
.LBB2_12:
0x8f: {  	p1 =	sne.s32 s11, $0x270;
	s12 =	sand.u32 $0x7F80, s12;
	s4 =	sand.u32 $0x70, s4;
	[tilespmem:s2+$0x0] =	vst v1  }
0x90: {  	s2 =	sor.u32 s4, s12;
	v1 =	vld [tilespmem:s3+$0x0];
	s4 =	smov.u32 s11  }
0x91: {  	v2 =	vld [tilespmem:s2+$0x0];
	_ =	sdelay $0x1  }
.Ltmp5:
0x92: {  	(pc) =	sbr.rel @p1 .LBB2_12-.Ltmp5, $3  }
0x93: {  	_ =	sdelay $0x1  }
0x94: {  	v1 =	vadd.f32 v1, v2  }
0x95: {  	s11 =	sadd.s32 $0x10, s11;
	s3 =	sadd.s32 $0x10, s3;
	s12 =	sadd.s32 s4, s9  }
0x96: {  	s11 =	sand.u32 $0x7F80, s12;
	s4 =	sand.u32 $0x70, s4;
	[tilespmem:s2+$0x0] =	vst v1  }
0x97: {  	s4 =	sor.u32 s4, s11;
	v1 =	vld [tilespmem:s3+$0x0]  }
0x98: {  	v2 =	vld [tilespmem:s4+$0x0];
	_ =	sdelay $0x4  }
0x99: {  	v1 =	vadd.f32 v1, v2;
	_ =	sdelay $0x1  }
0x9a: {  	s12 =	rddreg [dreg:$0xa];
	s11 =	simm.s32 $0x5000;
	[tilespmem:s4+$0x0] =	vst v1  }
0x9b: {  	[tilespmem:s11], [sflag:$0x3] =	stream.strided.gather [spmem:s12], $0x280, s20, s19, $0x38;
	[tilespmem:$0x1ED00] =	vst v63  }
0x9c: {  	_ =	swait.ge [sflag:s16], $0x280  }
0x9d: {  	s13 =	simm.s32 $0x0;
	s14 =	sadd.s32 $0x0, s9;
	[sflag:s16] =	ssyncset.done $0x0  }
0x9e: {  	s2 =	sand.u32 $0x70, s13;
	s4 =	sand.u32 $0x7F80, s14;
	[sflag:s16] =	ssyncadd.s32 $0xFFFFFD80  }
0x9f: {  	s2 =	sor.u32 s2, s4;
	v1 =	vld [tilespmem:s11+$0x0]  }
0xa0: {  	v2 =	vld [tilespmem:s2+$0x0];
	_ =	sdelay $0x4  }
0xa1: {  	s3 =	simm.s32 $0x5010;
	v1 =	vadd.f32 v1, v2  }
0xa2: {  	s4 =	simm.s32 $0x10;
	s12 =	sadd.s32 $0x10, s9;
	s11 =	simm.s32 $0x20  }
.LBB2_14:
0xa3: {  	p1 =	sne.s32 s11, $0x270;
	s12 =	sand.u32 $0x7F80, s12;
	s4 =	sand.u32 $0x70, s4;
	[tilespmem:s2+$0x0] =	vst v1  }
0xa4: {  	s2 =	sor.u32 s4, s12;
	v1 =	vld [tilespmem:s3+$0x0];
	s4 =	smov.u32 s11  }
0xa5: {  	v2 =	vld [tilespmem:s2+$0x0];
	_ =	sdelay $0x1  }
.Ltmp6:
0xa6: {  	(pc) =	sbr.rel @p1 .LBB2_14-.Ltmp6, $3  }
0xa7: {  	_ =	sdelay $0x1  }
0xa8: {  	v1 =	vadd.f32 v1, v2  }
0xa9: {  	s11 =	sadd.s32 $0x10, s11;
	s3 =	sadd.s32 $0x10, s3;
	s12 =	sadd.s32 s4, s9  }
0xaa: {  	s11 =	sand.u32 $0x7F80, s12;
	s4 =	sand.u32 $0x70, s4;
	[tilespmem:s2+$0x0] =	vst v1  }
0xab: {  	s4 =	sor.u32 s4, s11;
	v1 =	vld [tilespmem:s3+$0x0]  }
0xac: {  	v2 =	vld [tilespmem:s4+$0x0];
	_ =	sdelay $0x4  }
0xad: {  	v1 =	vadd.f32 v1, v2;
	_ =	sdelay $0x1  }
0xae: {  	s12 =	rddreg [dreg:$0xb];
	s11 =	simm.s32 $0x5000;
	[tilespmem:s4+$0x0] =	vst v1  }
0xaf: {  	[tilespmem:s11], [sflag:$0x3] =	stream.strided.gather [spmem:s12], $0x280, s20, s19, $0x38;
	[tilespmem:$0x1ED00] =	vst v63  }
0xb0: {  	_ =	swait.ge [sflag:s16], $0x280  }
0xb1: {  	s13 =	simm.s32 $0x0;
	s14 =	sadd.s32 $0x0, s9;
	[sflag:s16] =	ssyncset.done $0x0  }
0xb2: {  	s2 =	sand.u32 $0x70, s13;
	s4 =	sand.u32 $0x7F80, s14;
	[sflag:s16] =	ssyncadd.s32 $0xFFFFFD80  }
0xb3: {  	s2 =	sor.u32 s2, s4;
	v1 =	vld [tilespmem:s11+$0x0]  }
0xb4: {  	v2 =	vld [tilespmem:s2+$0x0];
	_ =	sdelay $0x4  }
0xb5: {  	s3 =	simm.s32 $0x5010;
	v1 =	vadd.f32 v1, v2  }
0xb6: {  	s4 =	simm.s32 $0x10;
	s12 =	sadd.s32 $0x10, s9;
	s11 =	simm.s32 $0x20  }
.LBB2_16:
0xb7: {  	p1 =	sne.s32 s11, $0x270;
	s12 =	sand.u32 $0x7F80, s12;
	s4 =	sand.u32 $0x70, s4;
	[tilespmem:s2+$0x0] =	vst v1  }
0xb8: {  	s2 =	sor.u32 s4, s12;
	v1 =	vld [tilespmem:s3+$0x0];
	s4 =	smov.u32 s11  }
0xb9: {  	v2 =	vld [tilespmem:s2+$0x0];
	_ =	sdelay $0x1  }
.Ltmp7:
0xba: {  	(pc) =	sbr.rel @p1 .LBB2_16-.Ltmp7, $3  }
0xbb: {  	_ =	sdelay $0x1  }
0xbc: {  	v1 =	vadd.f32 v1, v2  }
0xbd: {  	s11 =	sadd.s32 $0x10, s11;
	s3 =	sadd.s32 $0x10, s3;
	s12 =	sadd.s32 s4, s9  }
0xbe: {  	s11 =	sand.u32 $0x7F80, s12;
	s4 =	sand.u32 $0x70, s4;
	[tilespmem:s2+$0x0] =	vst v1  }
0xbf: {  	s4 =	sor.u32 s4, s11;
	v1 =	vld [tilespmem:s3+$0x0]  }
0xc0: {  	v2 =	vld [tilespmem:s4+$0x0];
	_ =	sdelay $0x4  }
0xc1: {  	v1 =	vadd.f32 v1, v2;
	_ =	sdelay $0x1  }
0xc2: {  	s12 =	rddreg [dreg:$0xc];
	s11 =	simm.s32 $0x5000;
	[tilespmem:s4+$0x0] =	vst v1  }
0xc3: {  	[tilespmem:s11], [sflag:$0x3] =	stream.strided.gather [spmem:s12], $0x280, s20, s19, $0x38;
	[tilespmem:$0x1ED00] =	vst v63  }
0xc4: {  	_ =	swait.ge [sflag:s16], $0x280  }
0xc5: {  	s13 =	simm.s32 $0x0;
	s14 =	sadd.s32 $0x0, s9;
	[sflag:s16] =	ssyncset.done $0x0  }
0xc6: {  	s2 =	sand.u32 $0x70, s13;
	s4 =	sand.u32 $0x7F80, s14;
	[sflag:s16] =	ssyncadd.s32 $0xFFFFFD80  }
0xc7: {  	s2 =	sor.u32 s2, s4;
	v1 =	vld [tilespmem:s11+$0x0]  }
0xc8: {  	v2 =	vld [tilespmem:s2+$0x0];
	_ =	sdelay $0x4  }
0xc9: {  	s3 =	simm.s32 $0x5010;
	v1 =	vadd.f32 v1, v2  }
0xca: {  	s4 =	simm.s32 $0x10;
	s12 =	sadd.s32 $0x10, s9;
	s11 =	simm.s32 $0x20  }
.LBB2_18:
0xcb: {  	p1 =	sne.s32 s11, $0x270;
	s12 =	sand.u32 $0x7F80, s12;
	s4 =	sand.u32 $0x70, s4;
	[tilespmem:s2+$0x0] =	vst v1  }
0xcc: {  	s2 =	sor.u32 s4, s12;
	v1 =	vld [tilespmem:s3+$0x0];
	s4 =	smov.u32 s11  }
0xcd: {  	v2 =	vld [tilespmem:s2+$0x0];
	_ =	sdelay $0x1  }
.Ltmp8:
0xce: {  	(pc) =	sbr.rel @p1 .LBB2_18-.Ltmp8, $3  }
0xcf: {  	_ =	sdelay $0x1  }
0xd0: {  	v1 =	vadd.f32 v1, v2  }
0xd1: {  	s11 =	sadd.s32 $0x10, s11;
	s3 =	sadd.s32 $0x10, s3;
	s12 =	sadd.s32 s4, s9  }
0xd2: {  	s11 =	sand.u32 $0x7F80, s12;
	s4 =	sand.u32 $0x70, s4;
	[tilespmem:s2+$0x0] =	vst v1  }
0xd3: {  	s4 =	sor.u32 s4, s11;
	v1 =	vld [tilespmem:s3+$0x0]  }
0xd4: {  	v2 =	vld [tilespmem:s4+$0x0];
	_ =	sdelay $0x4  }
0xd5: {  	v1 =	vadd.f32 v1, v2;
	_ =	sdelay $0x1  }
0xd6: {  	s12 =	rddreg [dreg:$0x13];
	s11 =	simm.s32 $0x5000;
	[tilespmem:s4+$0x0] =	vst v1  }
0xd7: {  	[tilespmem:s11], [sflag:$0x3] =	stream.strided.gather [spmem:s12], $0x280, s20, s19, $0x38;
	[tilespmem:$0x1ED00] =	vst v63  }
0xd8: {  	_ =	swait.ge [sflag:s16], $0x280  }
0xd9: {  	s13 =	simm.s32 $0x0;
	s14 =	sadd.s32 $0x0, s9;
	[sflag:s16] =	ssyncset.done $0x0  }
0xda: {  	s2 =	sand.u32 $0x70, s13;
	s4 =	sand.u32 $0x7F80, s14;
	[sflag:s16] =	ssyncadd.s32 $0xFFFFFD80  }
0xdb: {  	s2 =	sor.u32 s2, s4;
	v1 =	vld [tilespmem:s11+$0x0]  }
0xdc: {  	v2 =	vld [tilespmem:s2+$0x0];
	_ =	sdelay $0x4  }
0xdd: {  	s3 =	simm.s32 $0x5010;
	v1 =	vadd.f32 v1, v2  }
0xde: {  	s4 =	simm.s32 $0x10;
	s12 =	sadd.s32 $0x10, s9;
	s11 =	simm.s32 $0x20  }
.LBB2_20:
0xdf: {  	p1 =	sne.s32 s11, $0x270;
	s12 =	sand.u32 $0x7F80, s12;
	s4 =	sand.u32 $0x70, s4;
	[tilespmem:s2+$0x0] =	vst v1  }
0xe0: {  	s2 =	sor.u32 s4, s12;
	v1 =	vld [tilespmem:s3+$0x0];
	s4 =	smov.u32 s11  }
0xe1: {  	v2 =	vld [tilespmem:s2+$0x0];
	_ =	sdelay $0x1  }
.Ltmp9:
0xe2: {  	(pc) =	sbr.rel @p1 .LBB2_20-.Ltmp9, $3  }
0xe3: {  	_ =	sdelay $0x1  }
0xe4: {  	v1 =	vadd.f32 v1, v2  }
0xe5: {  	s11 =	sadd.s32 $0x10, s11;
	s3 =	sadd.s32 $0x10, s3;
	s12 =	sadd.s32 s4, s9  }
0xe6: {  	s11 =	sand.u32 $0x7F80, s12;
	s4 =	sand.u32 $0x70, s4;
	[tilespmem:s2+$0x0] =	vst v1  }
0xe7: {  	s4 =	sor.u32 s4, s11;
	v1 =	vld [tilespmem:s3+$0x0]  }
0xe8: {  	v2 =	vld [tilespmem:s4+$0x0];
	_ =	sdelay $0x4  }
0xe9: {  	v1 =	vadd.f32 v1, v2;
	_ =	sdelay $0x1  }
0xea: {  	s12 =	rddreg [dreg:$0x14];
	s11 =	simm.s32 $0x5000;
	[tilespmem:s4+$0x0] =	vst v1  }
0xeb: {  	[tilespmem:s11], [sflag:$0x3] =	stream.strided.gather [spmem:s12], $0x280, s20, s19, $0x38;
	[tilespmem:$0x1ED00] =	vst v63  }
0xec: {  	_ =	swait.ge [sflag:s16], $0x280  }
0xed: {  	s13 =	simm.s32 $0x0;
	s14 =	sadd.s32 $0x0, s9;
	[sflag:s16] =	ssyncset.done $0x0  }
0xee: {  	s2 =	sand.u32 $0x70, s13;
	s4 =	sand.u32 $0x7F80, s14;
	[sflag:s16] =	ssyncadd.s32 $0xFFFFFD80  }
0xef: {  	s2 =	sor.u32 s2, s4;
	v1 =	vld [tilespmem:s11+$0x0]  }
0xf0: {  	v2 =	vld [tilespmem:s2+$0x0];
	_ =	sdelay $0x4  }
0xf1: {  	s3 =	simm.s32 $0x5010;
	v1 =	vadd.f32 v1, v2  }
0xf2: {  	s4 =	simm.s32 $0x10;
	s12 =	sadd.s32 $0x10, s9;
	s11 =	simm.s32 $0x20  }
.LBB2_22:
0xf3: {  	p1 =	sne.s32 s11, $0x270;
	s12 =	sand.u32 $0x7F80, s12;
	s4 =	sand.u32 $0x70, s4;
	[tilespmem:s2+$0x0] =	vst v1  }
0xf4: {  	s2 =	sor.u32 s4, s12;
	v1 =	vld [tilespmem:s3+$0x0];
	s4 =	smov.u32 s11  }
0xf5: {  	v2 =	vld [tilespmem:s2+$0x0];
	_ =	sdelay $0x1  }
.Ltmp10:
0xf6: {  	(pc) =	sbr.rel @p1 .LBB2_22-.Ltmp10, $3  }
0xf7: {  	_ =	sdelay $0x1  }
0xf8: {  	v1 =	vadd.f32 v1, v2  }
0xf9: {  	s11 =	sadd.s32 $0x10, s11;
	s3 =	sadd.s32 $0x10, s3;
	s12 =	sadd.s32 s4, s9  }
0xfa: {  	s11 =	sand.u32 $0x7F80, s12;
	s4 =	sand.u32 $0x70, s4;
	[tilespmem:s2+$0x0] =	vst v1  }
0xfb: {  	s4 =	sor.u32 s4, s11;
	v1 =	vld [tilespmem:s3+$0x0]  }
0xfc: {  	v2 =	vld [tilespmem:s4+$0x0];
	_ =	sdelay $0x4  }
0xfd: {  	v1 =	vadd.f32 v1, v2;
	_ =	sdelay $0x1  }
0xfe: {  	s12 =	rddreg [dreg:$0x15];
	s11 =	simm.s32 $0x5000;
	[tilespmem:s4+$0x0] =	vst v1  }
0xff: {  	[tilespmem:s11], [sflag:$0x3] =	stream.strided.gather [spmem:s12], $0x280, s20, s19, $0x38;
	[tilespmem:$0x1ED00] =	vst v63  }
0x100: {  	_ =	swait.ge [sflag:s16], $0x280  }
0x101: {  	s13 =	simm.s32 $0x0;
	s14 =	sadd.s32 $0x0, s9;
	[sflag:s16] =	ssyncset.done $0x0  }
0x102: {  	s2 =	sand.u32 $0x70, s13;
	s4 =	sand.u32 $0x7F80, s14;
	[sflag:s16] =	ssyncadd.s32 $0xFFFFFD80  }
0x103: {  	s2 =	sor.u32 s2, s4;
	v1 =	vld [tilespmem:s11+$0x0]  }
0x104: {  	v2 =	vld [tilespmem:s2+$0x0];
	_ =	sdelay $0x4  }
0x105: {  	s3 =	simm.s32 $0x5010;
	v1 =	vadd.f32 v1, v2  }
0x106: {  	s4 =	simm.s32 $0x10;
	s12 =	sadd.s32 $0x10, s9;
	s11 =	simm.s32 $0x20  }
.LBB2_24:
0x107: {  	p1 =	sne.s32 s11, $0x270;
	s12 =	sand.u32 $0x7F80, s12;
	s4 =	sand.u32 $0x70, s4;
	[tilespmem:s2+$0x0] =	vst v1  }
0x108: {  	s2 =	sor.u32 s4, s12;
	v1 =	vld [tilespmem:s3+$0x0];
	s4 =	smov.u32 s11  }
0x109: {  	v2 =	vld [tilespmem:s2+$0x0];
	_ =	sdelay $0x1  }
.Ltmp11:
0x10a: {  	(pc) =	sbr.rel @p1 .LBB2_24-.Ltmp11, $3  }
0x10b: {  	_ =	sdelay $0x1  }
0x10c: {  	v1 =	vadd.f32 v1, v2  }
0x10d: {  	s11 =	sadd.s32 $0x10, s11;
	s3 =	sadd.s32 $0x10, s3;
	s12 =	sadd.s32 s4, s9  }
0x10e: {  	s11 =	sand.u32 $0x7F80, s12;
	s4 =	sand.u32 $0x70, s4;
	[tilespmem:s2+$0x0] =	vst v1  }
0x10f: {  	s4 =	sor.u32 s4, s11;
	v1 =	vld [tilespmem:s3+$0x0]  }
0x110: {  	v2 =	vld [tilespmem:s4+$0x0];
	_ =	sdelay $0x4  }
0x111: {  	v1 =	vadd.f32 v1, v2;
	_ =	sdelay $0x1  }
0x112: {  	s12 =	rddreg [dreg:$0x16];
	s11 =	simm.s32 $0x5000;
	[tilespmem:s4+$0x0] =	vst v1  }
0x113: {  	[tilespmem:s11], [sflag:$0x3] =	stream.strided.gather [spmem:s12], $0x280, s20, s19, $0x38;
	[tilespmem:$0x1ED00] =	vst v63  }
0x114: {  	_ =	swait.ge [sflag:s16], $0x280  }
0x115: {  	s13 =	simm.s32 $0x0;
	s14 =	sadd.s32 $0x0, s9;
	[sflag:s16] =	ssyncset.done $0x0  }
0x116: {  	s2 =	sand.u32 $0x70, s13;
	s4 =	sand.u32 $0x7F80, s14;
	[sflag:s16] =	ssyncadd.s32 $0xFFFFFD80  }
0x117: {  	s2 =	sor.u32 s2, s4;
	v1 =	vld [tilespmem:s11+$0x0]  }
0x118: {  	v2 =	vld [tilespmem:s2+$0x0];
	_ =	sdelay $0x4  }
0x119: {  	s3 =	simm.s32 $0x5010;
	v1 =	vadd.f32 v1, v2  }
0x11a: {  	s4 =	simm.s32 $0x10;
	s12 =	sadd.s32 $0x10, s9;
	s11 =	simm.s32 $0x20  }
.LBB2_26:
0x11b: {  	p1 =	sne.s32 s11, $0x270;
	s12 =	sand.u32 $0x7F80, s12;
	s4 =	sand.u32 $0x70, s4;
	[tilespmem:s2+$0x0] =	vst v1  }
0x11c: {  	s2 =	sor.u32 s4, s12;
	v1 =	vld [tilespmem:s3+$0x0];
	s4 =	smov.u32 s11  }
0x11d: {  	v2 =	vld [tilespmem:s2+$0x0];
	_ =	sdelay $0x1  }
.Ltmp12:
0x11e: {  	(pc) =	sbr.rel @p1 .LBB2_26-.Ltmp12, $3  }
0x11f: {  	_ =	sdelay $0x1  }
0x120: {  	v1 =	vadd.f32 v1, v2  }
0x121: {  	s11 =	sadd.s32 $0x10, s11;
	s3 =	sadd.s32 $0x10, s3;
	s12 =	sadd.s32 s4, s9  }
0x122: {  	s11 =	sand.u32 $0x7F80, s12;
	s4 =	sand.u32 $0x70, s4;
	[tilespmem:s2+$0x0] =	vst v1  }
0x123: {  	s4 =	sor.u32 s4, s11;
	v1 =	vld [tilespmem:s3+$0x0]  }
0x124: {  	v2 =	vld [tilespmem:s4+$0x0];
	_ =	sdelay $0x4  }
0x125: {  	v1 =	vadd.f32 v1, v2;
	_ =	sdelay $0x1  }
0x126: {  	s12 =	rddreg [dreg:$0x17];
	s11 =	simm.s32 $0x5000;
	[tilespmem:s4+$0x0] =	vst v1  }
0x127: {  	[tilespmem:s11], [sflag:$0x3] =	stream.strided.gather [spmem:s12], $0x280, s20, s19, $0x38;
	[tilespmem:$0x1ED00] =	vst v63  }
0x128: {  	_ =	swait.ge [sflag:s16], $0x280  }
0x129: {  	s13 =	simm.s32 $0x0;
	s14 =	sadd.s32 $0x0, s9;
	[sflag:s16] =	ssyncset.done $0x0  }
0x12a: {  	s2 =	sand.u32 $0x70, s13;
	s4 =	sand.u32 $0x7F80, s14;
	[sflag:s16] =	ssyncadd.s32 $0xFFFFFD80  }
0x12b: {  	s2 =	sor.u32 s2, s4;
	v1 =	vld [tilespmem:s11+$0x0]  }
0x12c: {  	v2 =	vld [tilespmem:s2+$0x0];
	_ =	sdelay $0x4  }
0x12d: {  	s3 =	simm.s32 $0x5010;
	v1 =	vadd.f32 v1, v2  }
0x12e: {  	s4 =	simm.s32 $0x10;
	s12 =	sadd.s32 $0x10, s9;
	s11 =	simm.s32 $0x20  }
.LBB2_28:
0x12f: {  	p1 =	sne.s32 s11, $0x270;
	s12 =	sand.u32 $0x7F80, s12;
	s4 =	sand.u32 $0x70, s4;
	[tilespmem:s2+$0x0] =	vst v1  }
0x130: {  	s2 =	sor.u32 s4, s12;
	v1 =	vld [tilespmem:s3+$0x0];
	s4 =	smov.u32 s11  }
0x131: {  	v2 =	vld [tilespmem:s2+$0x0];
	_ =	sdelay $0x1  }
.Ltmp13:
0x132: {  	(pc) =	sbr.rel @p1 .LBB2_28-.Ltmp13, $3  }
0x133: {  	_ =	sdelay $0x1  }
0x134: {  	v1 =	vadd.f32 v1, v2  }
0x135: {  	s11 =	sadd.s32 $0x10, s11;
	s3 =	sadd.s32 $0x10, s3;
	s12 =	sadd.s32 s4, s9  }
0x136: {  	s11 =	sand.u32 $0x7F80, s12;
	s4 =	sand.u32 $0x70, s4;
	[tilespmem:s2+$0x0] =	vst v1  }
0x137: {  	s4 =	sor.u32 s4, s11;
	v1 =	vld [tilespmem:s3+$0x0]  }
0x138: {  	v2 =	vld [tilespmem:s4+$0x0];
	_ =	sdelay $0x4  }
0x139: {  	v1 =	vadd.f32 v1, v2;
	_ =	sdelay $0x1  }
0x13a: {  	s12 =	rddreg [dreg:$0x18];
	s11 =	simm.s32 $0x5000;
	[tilespmem:s4+$0x0] =	vst v1  }
0x13b: {  	[tilespmem:s11], [sflag:$0x3] =	stream.strided.gather [spmem:s12], $0x280, s20, s19, $0x38;
	[tilespmem:$0x1ED00] =	vst v63  }
0x13c: {  	_ =	swait.ge [sflag:s16], $0x280  }
0x13d: {  	s13 =	simm.s32 $0x0;
	s14 =	sadd.s32 $0x0, s9;
	[sflag:s16] =	ssyncset.done $0x0  }
0x13e: {  	s2 =	sand.u32 $0x70, s13;
	s4 =	sand.u32 $0x7F80, s14;
	[sflag:s16] =	ssyncadd.s32 $0xFFFFFD80  }
0x13f: {  	s2 =	sor.u32 s2, s4;
	v1 =	vld [tilespmem:s11+$0x0]  }
0x140: {  	v2 =	vld [tilespmem:s2+$0x0];
	_ =	sdelay $0x4  }
0x141: {  	s3 =	simm.s32 $0x5010;
	v1 =	vadd.f32 v1, v2  }
0x142: {  	s4 =	simm.s32 $0x10;
	s12 =	sadd.s32 $0x10, s9;
	s11 =	simm.s32 $0x20  }
.LBB2_30:
0x143: {  	p1 =	sne.s32 s11, $0x270;
	s12 =	sand.u32 $0x7F80, s12;
	s4 =	sand.u32 $0x70, s4;
	[tilespmem:s2+$0x0] =	vst v1  }
0x144: {  	s2 =	sor.u32 s4, s12;
	v1 =	vld [tilespmem:s3+$0x0];
	s4 =	smov.u32 s11  }
0x145: {  	v2 =	vld [tilespmem:s2+$0x0];
	_ =	sdelay $0x1  }
.Ltmp14:
0x146: {  	(pc) =	sbr.rel @p1 .LBB2_30-.Ltmp14, $3  }
0x147: {  	_ =	sdelay $0x1  }
0x148: {  	v1 =	vadd.f32 v1, v2  }
0x149: {  	s11 =	sadd.s32 $0x10, s11;
	s3 =	sadd.s32 $0x10, s3;
	s12 =	sadd.s32 s4, s9  }
0x14a: {  	s11 =	sand.u32 $0x7F80, s12;
	s4 =	sand.u32 $0x70, s4;
	[tilespmem:s2+$0x0] =	vst v1  }
0x14b: {  	s4 =	sor.u32 s4, s11;
	v1 =	vld [tilespmem:s3+$0x0]  }
0x14c: {  	v2 =	vld [tilespmem:s4+$0x0];
	_ =	sdelay $0x4  }
0x14d: {  	v1 =	vadd.f32 v1, v2;
	_ =	sdelay $0x1  }
0x14e: {  	s12 =	rddreg [dreg:$0x19];
	s11 =	simm.s32 $0x5000;
	[tilespmem:s4+$0x0] =	vst v1  }
0x14f: {  	[tilespmem:s11], [sflag:$0x3] =	stream.strided.gather [spmem:s12], $0x280, s20, s19, $0x38;
	[tilespmem:$0x1ED00] =	vst v63  }
0x150: {  	_ =	swait.ge [sflag:s16], $0x280  }
0x151: {  	s13 =	simm.s32 $0x0;
	s14 =	sadd.s32 $0x0, s9;
	[sflag:s16] =	ssyncset.done $0x0  }
0x152: {  	s2 =	sand.u32 $0x70, s13;
	s4 =	sand.u32 $0x7F80, s14;
	[sflag:s16] =	ssyncadd.s32 $0xFFFFFD80  }
0x153: {  	s2 =	sor.u32 s2, s4;
	v1 =	vld [tilespmem:s11+$0x0]  }
0x154: {  	v2 =	vld [tilespmem:s2+$0x0];
	_ =	sdelay $0x4  }
0x155: {  	s3 =	simm.s32 $0x5010;
	v1 =	vadd.f32 v1, v2  }
0x156: {  	s4 =	simm.s32 $0x10;
	s12 =	sadd.s32 $0x10, s9;
	s11 =	simm.s32 $0x20  }
.LBB2_32:
0x157: {  	p1 =	sne.s32 s11, $0x270;
	s12 =	sand.u32 $0x7F80, s12;
	s4 =	sand.u32 $0x70, s4;
	[tilespmem:s2+$0x0] =	vst v1  }
0x158: {  	s2 =	sor.u32 s4, s12;
	v1 =	vld [tilespmem:s3+$0x0];
	s4 =	smov.u32 s11  }
0x159: {  	v2 =	vld [tilespmem:s2+$0x0];
	_ =	sdelay $0x1  }
.Ltmp15:
0x15a: {  	(pc) =	sbr.rel @p1 .LBB2_32-.Ltmp15, $3  }
0x15b: {  	_ =	sdelay $0x1  }
0x15c: {  	v1 =	vadd.f32 v1, v2  }
0x15d: {  	s11 =	sadd.s32 $0x10, s11;
	s3 =	sadd.s32 $0x10, s3;
	s12 =	sadd.s32 s4, s9  }
0x15e: {  	s11 =	sand.u32 $0x7F80, s12;
	s4 =	sand.u32 $0x70, s4;
	[tilespmem:s2+$0x0] =	vst v1  }
0x15f: {  	s4 =	sor.u32 s4, s11;
	v1 =	vld [tilespmem:s3+$0x0]  }
0x160: {  	v2 =	vld [tilespmem:s4+$0x0];
	_ =	sdelay $0x4  }
0x161: {  	v1 =	vadd.f32 v1, v2;
	_ =	sdelay $0x1  }
0x162: {  	s12 =	rddreg [dreg:$0x1a];
	s11 =	simm.s32 $0x5000;
	[tilespmem:s4+$0x0] =	vst v1  }
0x163: {  	[tilespmem:s11], [sflag:$0x3] =	stream.strided.gather [spmem:s12], $0x280, s20, s19, $0x38;
	[tilespmem:$0x1ED00] =	vst v63  }
0x164: {  	_ =	swait.ge [sflag:s16], $0x280  }
0x165: {  	s13 =	simm.s32 $0x0;
	s14 =	sadd.s32 $0x0, s9;
	[sflag:s16] =	ssyncset.done $0x0  }
0x166: {  	s2 =	sand.u32 $0x70, s13;
	s4 =	sand.u32 $0x7F80, s14;
	[sflag:s16] =	ssyncadd.s32 $0xFFFFFD80  }
0x167: {  	s2 =	sor.u32 s2, s4;
	v1 =	vld [tilespmem:s11+$0x0]  }
0x168: {  	v2 =	vld [tilespmem:s2+$0x0];
	_ =	sdelay $0x4  }
0x169: {  	s3 =	simm.s32 $0x5010;
	v1 =	vadd.f32 v1, v2  }
0x16a: {  	s4 =	simm.s32 $0x10;
	s12 =	sadd.s32 $0x10, s9;
	s11 =	simm.s32 $0x20  }
.LBB2_34:
0x16b: {  	p1 =	sne.s32 s11, $0x270;
	s12 =	sand.u32 $0x7F80, s12;
	s4 =	sand.u32 $0x70, s4;
	[tilespmem:s2+$0x0] =	vst v1  }
0x16c: {  	s2 =	sor.u32 s4, s12;
	v1 =	vld [tilespmem:s3+$0x0];
	s4 =	smov.u32 s11  }
0x16d: {  	v2 =	vld [tilespmem:s2+$0x0];
	_ =	sdelay $0x1  }
.Ltmp16:
0x16e: {  	(pc) =	sbr.rel @p1 .LBB2_34-.Ltmp16, $3  }
0x16f: {  	_ =	sdelay $0x1  }
0x170: {  	v1 =	vadd.f32 v1, v2  }
0x171: {  	s11 =	sadd.s32 $0x10, s11;
	s3 =	sadd.s32 $0x10, s3;
	s12 =	sadd.s32 s4, s9  }
0x172: {  	s11 =	sand.u32 $0x7F80, s12;
	s4 =	sand.u32 $0x70, s4;
	[tilespmem:s2+$0x0] =	vst v1  }
0x173: {  	s4 =	sor.u32 s4, s11;
	v1 =	vld [tilespmem:s3+$0x0]  }
0x174: {  	v2 =	vld [tilespmem:s4+$0x0];
	_ =	sdelay $0x4  }
0x175: {  	v1 =	vadd.f32 v1, v2;
	_ =	sdelay $0x1  }
0x176: {  	s12 =	rddreg [dreg:$0x1b];
	s11 =	simm.s32 $0x5000;
	[tilespmem:s4+$0x0] =	vst v1  }
0x177: {  	[tilespmem:s11], [sflag:$0x3] =	stream.strided.gather [spmem:s12], $0x280, s20, s19, $0x38;
	[tilespmem:$0x1ED00] =	vst v63  }
0x178: {  	_ =	swait.ge [sflag:s16], $0x280  }
0x179: {  	s13 =	simm.s32 $0x0;
	s14 =	sadd.s32 $0x0, s9;
	[sflag:s16] =	ssyncset.done $0x0  }
0x17a: {  	s2 =	sand.u32 $0x70, s13;
	s4 =	sand.u32 $0x7F80, s14;
	[sflag:s16] =	ssyncadd.s32 $0xFFFFFD80  }
0x17b: {  	s2 =	sor.u32 s2, s4;
	v1 =	vld [tilespmem:s11+$0x0]  }
0x17c: {  	v2 =	vld [tilespmem:s2+$0x0];
	_ =	sdelay $0x4  }
0x17d: {  	s3 =	simm.s32 $0x5010;
	v1 =	vadd.f32 v1, v2  }
0x17e: {  	s4 =	simm.s32 $0x10;
	s12 =	sadd.s32 $0x10, s9;
	s11 =	simm.s32 $0x20  }
.LBB2_36:
0x17f: {  	p1 =	sne.s32 s11, $0x270;
	s12 =	sand.u32 $0x7F80, s12;
	s4 =	sand.u32 $0x70, s4;
	[tilespmem:s2+$0x0] =	vst v1  }
0x180: {  	s2 =	sor.u32 s4, s12;
	v1 =	vld [tilespmem:s3+$0x0];
	s4 =	smov.u32 s11  }
0x181: {  	v2 =	vld [tilespmem:s2+$0x0];
	_ =	sdelay $0x1  }
.Ltmp17:
0x182: {  	(pc) =	sbr.rel @p1 .LBB2_36-.Ltmp17, $3  }
0x183: {  	_ =	sdelay $0x1  }
0x184: {  	v1 =	vadd.f32 v1, v2  }
0x185: {  	s11 =	sadd.s32 $0x10, s11;
	s3 =	sadd.s32 $0x10, s3;
	s12 =	sadd.s32 s4, s9  }
0x186: {  	s11 =	sand.u32 $0x7F80, s12;
	s4 =	sand.u32 $0x70, s4;
	[tilespmem:s2+$0x0] =	vst v1  }
0x187: {  	s4 =	sor.u32 s4, s11;
	v1 =	vld [tilespmem:s3+$0x0]  }
0x188: {  	v2 =	vld [tilespmem:s4+$0x0];
	_ =	sdelay $0x4  }
0x189: {  	v1 =	vadd.f32 v1, v2;
	_ =	sdelay $0x1  }
0x18a: {  	s12 =	rddreg [dreg:$0x1c];
	s11 =	simm.s32 $0x5000;
	[tilespmem:s4+$0x0] =	vst v1  }
0x18b: {  	[tilespmem:s11], [sflag:$0x3] =	stream.strided.gather [spmem:s12], $0x280, s20, s19, $0x38;
	[tilespmem:$0x1ED00] =	vst v63  }
0x18c: {  	_ =	swait.ge [sflag:s16], $0x280  }
0x18d: {  	s13 =	simm.s32 $0x0;
	s14 =	sadd.s32 $0x0, s9;
	[sflag:s16] =	ssyncset.done $0x0  }
0x18e: {  	s2 =	sand.u32 $0x70, s13;
	s4 =	sand.u32 $0x7F80, s14;
	[sflag:s16] =	ssyncadd.s32 $0xFFFFFD80  }
0x18f: {  	s2 =	sor.u32 s2, s4;
	v1 =	vld [tilespmem:s11+$0x0]  }
0x190: {  	v2 =	vld [tilespmem:s2+$0x0];
	_ =	sdelay $0x4  }
0x191: {  	s3 =	simm.s32 $0x5010;
	v1 =	vadd.f32 v1, v2  }
0x192: {  	s4 =	simm.s32 $0x10;
	s12 =	sadd.s32 $0x10, s9;
	s11 =	simm.s32 $0x20  }
.LBB2_38:
0x193: {  	p1 =	sne.s32 s11, $0x270;
	s12 =	sand.u32 $0x7F80, s12;
	s4 =	sand.u32 $0x70, s4;
	[tilespmem:s2+$0x0] =	vst v1  }
0x194: {  	s2 =	sor.u32 s4, s12;
	v1 =	vld [tilespmem:s3+$0x0];
	s4 =	smov.u32 s11  }
0x195: {  	v2 =	vld [tilespmem:s2+$0x0];
	_ =	sdelay $0x1  }
.Ltmp18:
0x196: {  	(pc) =	sbr.rel @p1 .LBB2_38-.Ltmp18, $3  }
0x197: {  	_ =	sdelay $0x1  }
0x198: {  	v1 =	vadd.f32 v1, v2  }
0x199: {  	s11 =	sadd.s32 $0x10, s11;
	s3 =	sadd.s32 $0x10, s3;
	s12 =	sadd.s32 s4, s9  }
0x19a: {  	s11 =	sand.u32 $0x7F80, s12;
	s4 =	sand.u32 $0x70, s4;
	[tilespmem:s2+$0x0] =	vst v1  }
0x19b: {  	s11 =	sor.u32 s4, s11;
	v1 =	vld [tilespmem:s3+$0x0]  }
0x19c: {  	v2 =	vld [tilespmem:s11+$0x0];
	_ =	sdelay $0x4  }
0x19d: {  	v1 =	vadd.f32 v1, v2;
	_ =	sdelay $0x1  }
0x19e: {  	s12 =	simm.s32 $0x5000;
	s13 =	rddreg [dreg:$0x1d];
	[tilespmem:s11+$0x0] =	vst v1  }
0x19f: {  	[tilespmem:s12], [sflag:$0x3] =	stream.strided.gather [spmem:s13], $0x280, s20, s19, $0x38;
	[tilespmem:$0x1ED00] =	vst v63  }
0x1a0: {  	_ =	swait.ge [sflag:s16], $0x280  }
0x1a1: {  	s14 =	simm.s32 $0x0;
	s19 =	sadd.s32 $0x0, s9;
	[sflag:s16] =	ssyncset.done $0x0  }
0x1a2: {  	s2 =	sand.u32 $0x70, s14;
	s4 =	sand.u32 $0x7F80, s19;
	[sflag:s16] =	ssyncadd.s32 $0xFFFFFD80  }
0x1a3: {  	s2 =	sor.u32 s2, s4;
	v1 =	vld [tilespmem:s12+$0x0]  }
0x1a4: {  	v2 =	vld [tilespmem:s2+$0x0];
	_ =	sdelay $0x4  }
0x1a5: {  	s3 =	simm.s32 $0x5010;
	v1 =	vadd.f32 v1, v2  }
0x1a6: {  	s11 =	simm.s32 $0x20;
	s4 =	simm.s32 $0x10;
	s12 =	sadd.s32 $0x10, s9  }
.LBB2_40:
0x1a7: {  	p1 =	sne.s32 s11, $0x270;
	s12 =	sand.u32 $0x7F80, s12;
	s4 =	sand.u32 $0x70, s4;
	[tilespmem:s2+$0x0] =	vst v1  }
0x1a8: {  	s2 =	sor.u32 s4, s12;
	v1 =	vld [tilespmem:s3+$0x0];
	s4 =	smov.u32 s11  }
0x1a9: {  	v2 =	vld [tilespmem:s2+$0x0];
	_ =	sdelay $0x1  }
.Ltmp19:
0x1aa: {  	(pc) =	sbr.rel @p1 .LBB2_40-.Ltmp19, $3  }
0x1ab: {  	_ =	sdelay $0x1  }
0x1ac: {  	v1 =	vadd.f32 v1, v2  }
0x1ad: {  	s11 =	sadd.s32 $0x10, s11;
	s3 =	sadd.s32 $0x10, s3;
	s12 =	sadd.s32 s4, s9  }
0x1ae: {  	s11 =	sand.u32 $0x7F80, s12;
	s4 =	sand.u32 $0x70, s4;
	[tilespmem:s2+$0x0] =	vst v1  }
0x1af: {  	s12 =	sor.u32 s4, s11;
	v1 =	vld [tilespmem:s3+$0x0]  }
0x1b0: {  	v2 =	vld [tilespmem:s12+$0x0];
	_ =	sdelay $0x4  }
0x1b1: {  	v1 =	vadd.f32 v1, v2;
	_ =	sdelay $0x1  }
0x1b2: {  	s13 =	rddreg [dreg:$0x1e];
	[tilespmem:s12+$0x0] =	vst v1  }
0x1b3: {  	[spmem:s13] =	stream.linear.scatter [tilespmem:s9], [sflag:$0x3], $0x280, $0x38;
	[tilespmem:$0x1ED00] =	vst v63  }
0x1b4: {  	_ =	swait.ge [sflag:s16], $0x280  }
0x1b5: {  	[sflag:s16] =	ssyncset.done $0x0  }
0x1b6: {  	[sflag:s16] =	ssyncadd.s32 $0xFFFFFD80  }
0x1b7: {  	[bflag:$0x0] =	sbarrier.arrive $0xFFFF  }
0x1b8: {  	s14 =	simm.s32 $0x0;
	s19 =	rddreg [dreg:$0x5]  }
0x1b9: {  	[tilespmem:s14], [sflag:$0x3] =	stream.linear.gather [spmem:s19], $0x2800, $0x38;
	[tilespmem:$0x1ED00] =	vst v63  }
0x1ba: {  	_ =	swait.ge [sflag:s16], $0x2800  }
0x1bb: {  	[sflag:s16] =	ssyncset.done $0x0  }
0x1bc: {  	s4 =	simm.s32 $0x0;
	[sflag:s16] =	ssyncadd.s32 $0xFFFFD800  }
0x1bd: {  	v1 =	vld [tilespmem:s4+$0x0];
	_ =	sdelay $0x4  }
0x1be: {  	s3 =	simm.s32 $0x10;
	v1 =	vadd.f32 $1.000000000e+00, v1  }
0x1bf: {  	v2 =	vld [tilespmem:s3+$0x0]  }
0x1c0: {  	v3 =	vshra.s32 v1, $0x1;
	v4 =	vmul.f32 $5.000000000e-01, v1  }
0x1c1: {  	v1 =	vsub.s32 $0x5F3759DF, v3  }
0x1c2: {  	v3 =	vmul.f32 v1, v4  }
0x1c3: {  	s11 =	simm.s32 $0x20  }
0x1c4: {  	v5 =	vld [tilespmem:s11+$0x0];
	v2 =	vadd.f32 $1.000000000e+00, v2;
	v3 =	vmul.f32 v1, v3;
	_ =	sdelay $0x1  }
0x1c5: {  	v6 =	vshra.s32 v2, $0x1;
	v8 =	vmul.f32 $5.000000000e-01, v2;
	v2 =	vsub.f32 $1.500000000e+00, v3  }
0x1c6: {  	v3 =	vsub.s32 $0x5F3759DF, v6  }
0x1c7: {  	v6 =	vmul.f32 v3, v8;
	v2 =	vmul.f32 v1, v2  }
0x1c8: {  	s12 =	simm.s32 $0x30;
	v1 =	vadd.f32 $1.000000000e+00, v5  }
0x1c9: {  	v5 =	vld [tilespmem:s12+$0x0];
	v6 =	vmul.f32 v3, v6;
	v7 =	vmul.f32 v2, v4  }
0x1ca: {  	v9 =	vshra.s32 v1, $0x1;
	v1 =	vmul.f32 $5.000000000e-01, v1  }
0x1cb: {  	v6 =	vsub.f32 $1.500000000e+00, v6;
	v9 =	vsub.s32 $0x5F3759DF, v9;
	v7 =	vmul.f32 v7, v2  }
0x1cc: {  	v10 =	vmul.f32 v9, v1  }
0x1cd: {  	v3 =	vmul.f32 v3, v6;
	v6 =	vsub.f32 $1.500000000e+00, v7  }
0x1ce: {  	v5 =	vadd.f32 $1.000000000e+00, v5;
	v10 =	vmul.f32 v9, v10  }
0x1cf: {  	s13 =	simm.s32 $0x40;
	v11 =	vmul.f32 v3, v8;
	v6 =	vmul.f32 v6, v2  }
0x1d0: {  	v7 =	vld [tilespmem:s13+$0x0];
	v12 =	vshra.s32 v5, $0x1;
	v2 =	vmul.f32 $5.000000000e-01, v5;
	v5 =	vsub.f32 $1.500000000e+00, v10  }
0x1d1: {  	v13 =	vsub.s32 $0x5F3759DF, v12;
	v10 =	vmul.f32 v11, v3;
	v4 =	vmul.f32 v6, v4  }
0x1d2: {  	v11 =	vmul.f32 v13, v2;
	v5 =	vmul.f32 v9, v5  }
0x1d3: {  	v9 =	vsub.f32 $1.500000000e+00, v10;
	v4 =	vmul.f32 v4, v6  }
0x1d4: {  	v10 =	vmul.f32 v13, v11;
	v11 =	vmul.f32 v5, v1  }
0x1d5: {  	s14 =	simm.s32 $0x50;
	v7 =	vadd.f32 $1.000000000e+00, v7;
	v3 =	vmul.f32 v9, v3  }
0x1d6: {  	v14 =	vsub.f32 $1.500000000e+00, v4;
	v15 =	vsub.f32 $1.500000000e+00, v10;
	v10 =	vmul.f32 v11, v5;
	v11 =	vld [tilespmem:s14+$0x0]  }
0x1d7: {  	v12 =	vshra.s32 v7, $0x1;
	v4 =	vmul.f32 $5.000000000e-01, v7  }
0x1d8: {  	v7 =	vsub.s32 $0x5F3759DF, v12;
	v9 =	vmul.f32 v3, v8;
	v6 =	vmul.f32 v14, v6  }
0x1d9: {  	s2 =	simm.s32 $0x180;
	v12 =	vmul.f32 v7, v4;
	v8 =	vmul.f32 v13, v15  }
.LBB2_42:
0x1da: {  	s19 =	sshra.s32 s2, $0x2  }
0x1db: {  	v13 =	vadd.f32 $1.000000000e+00, v11;
	v10 =	vsub.f32 $1.500000000e+00, v10;
	v9 =	vmul.f32 v9, v3;
	[tilespmem:s4+$0x2800] =	vst v6;
	s4 =	smov.u32 s3;
	s3 =	smov.u32 s11;
	p1 =	sne.s32 s2, $0x9FC0  }
.Ltmp20:
0x1dc: {  	s11 =	smov.u32 s12;
	s12 =	smov.u32 s13;
	v11 =	vld [tilespmem:s19+$0x0];
	v6 =	vmul.f32 v7, v12;
	v12 =	vmul.f32 v8, v2;
	(pc) =	sbr.rel @p1 .LBB2_42-.Ltmp20, $4  }
0x1dd: {  	s2 =	sadd.s32 $0x40, s2;
	s13 =	smov.u32 s14;
	v14 =	vshra.s32 v13, $0x1;
	v15 =	vmul.f32 v10, v5;
	v16 =	vsub.f32 $1.500000000e+00, v9;
	v5 =	vmovc v8  }
0x1de: {  	s14 =	smov.u32 s19;
	v13 =	vmul.f32 $5.000000000e-01, v13;
	v8 =	vsub.f32 $1.500000000e+00, v6;
	v10 =	vmul.f32 v12, v5  }
0x1df: {  	v14 =	vsub.s32 $0x5F3759DF, v14;
	v9 =	vmul.f32 v15, v1;
	v6 =	vmul.f32 v16, v3;
	v3 =	vmovc v15;
	v1 =	vmovc v2  }
0x1e0: {  	v12 =	vmul.f32 v14, v13;
	v2 =	vmovc v4;
	v4 =	vmovc v13;
	v8 =	vmul.f32 v7, v8;
	v7 =	vmov v14  }
0x1e1: {  	v11 =	vadd.f32 $1.000000000e+00, v11;
	_ =	sdelay $0x1  }
0x1e2: {  	v13 =	vshra.s32 v11, $0x1;
	v11 =	vmul.f32 $5.000000000e-01, v11  }
0x1e3: {  	v13 =	vsub.s32 $0x5F3759DF, v13  }
0x1e4: {  	v14 =	vmul.f32 v13, v11  }
0x1e5: {  	v12 =	vmul.f32 v7, v12  }
0x1e6: {  	v14 =	vmul.f32 v13, v14  }
0x1e7: {  	v12 =	vsub.f32 $1.500000000e+00, v12  }
0x1e8: {  	v14 =	vsub.f32 $1.500000000e+00, v14  }
0x1e9: {  	v55 =	vmul.f32 v7, v12  }
0x1ea: {  	v56 =	vmul.f32 v8, v2;
	v13 =	vmul.f32 v13, v14  }
0x1eb: {  	v57 =	vmul.f32 v55, v4  }
0x1ec: {  	v12 =	vmul.f32 v56, v8;
	v15 =	vmul.f32 v13, v11  }
0x1ed: {  	v10 =	vsub.f32 $1.500000000e+00, v10;
	v14 =	vmul.f32 v57, v55  }
0x1ee: {  	v12 =	vsub.f32 $1.500000000e+00, v12;
	v15 =	vmul.f32 v15, v13  }
0x1ef: {  	v5 =	vmul.f32 v10, v5;
	v58 =	vsub.f32 $1.500000000e+00, v14  }
0x1f0: {  	v9 =	vmul.f32 v9, v3;
	v59 =	vmul.f32 v12, v8;
	v60 =	vsub.f32 $1.500000000e+00, v15  }
0x1f1: {  	v1 =	vmul.f32 v5, v1;
	v7 =	vmul.f32 v58, v55  }
0x1f2: {  	v2 =	vmul.f32 v59, v2;
	v61 =	vmul.f32 v60, v13  }
0x1f3: {  	v1 =	vmul.f32 v1, v5;
	v62 =	vmul.f32 v7, v4  }
0x1f4: {  	v9 =	vsub.f32 $1.500000000e+00, v9;
	v2 =	vmul.f32 v2, v59;
	v11 =	vmul.f32 v61, v11  }
0x1f5: {  	v1 =	vsub.f32 $1.500000000e+00, v1;
	v4 =	vmul.f32 v62, v7  }
0x1f6: {  	v3 =	vmul.f32 v9, v3;
	v2 =	vsub.f32 $1.500000000e+00, v2;
	v63 =	vmul.f32 v11, v61  }
0x1f7: {  	[tilespmem:s4+$0x2800] =	vst v6;
	v1 =	vmul.f32 v1, v5;
	v4 =	vsub.f32 $1.500000000e+00, v4  }
0x1f8: {  	[tilespmem:s3+$0x2800] =	vst v3;
	v2 =	vmul.f32 v2, v59;
	v3 =	vsub.f32 $1.500000000e+00, v63  }
0x1f9: {  	[tilespmem:s11+$0x2800] =	vst v1;
	v1 =	vmul.f32 v4, v7  }
0x1fa: {  	[tilespmem:s12+$0x2800] =	vst v2;
	v2 =	vmul.f32 v3, v61  }
0x1fb: {  	[tilespmem:s13+$0x2800] =	vst v1  }
0x1fc: {  	s2 =	simm.s32 @!p0 $0x0;
	s4 =	rddreg [dreg:$0x3];
	s3 =	simm.s32 @!p0 $0x2800;
	[tilespmem:s14+$0x2800] =	vst v2  }
0x1fd: {  	[hbm4b:s4+s2] =	stream.linear.scatter @!p0 [tilespmem:s3], [sflag:$0x3], $0x2800, $0x38;
	[tilespmem:$0x1ED00] =	vst v63  }
0x1fe: {  	s2 =	simm.s32 @!p0 $0x3  }
0x1ff: {  	_ =	swait.ge @!p0 [sflag:s2], $0x2800  }
0x200: {  	[sflag:s2] =	ssyncset.done @!p0 $0x0  }
0x201: {  	s19 =	simm.s32 $0x80;
	s3 =	simm.s32 $0x0;
	[sflag:s2] =	ssyncadd.s32 @!p0 $0xFFFFD800  }
.LBB2_44:
0x202: {  	s2 =	smul.u32 $0x7D0, s3;
	_ =	sdelay $0x1  }
0x203: {  	s2 =	sadd.s32 s2, s17  }
0x204: {  	s4 =	sshrl.u32 s2, $0x3  }
0x205: {  	s2 =	sadd.s32 s6, s4  }
0x206: {  	[tilespmem:s21], [sflag:$0x3] =	stream.linear.gather [hbm4b:s2+s5], $0x7D0, $0x38;
	[tilespmem:$0x1ED00] =	vst v63  }
0x207: {  	_ =	swait.ge [sflag:s16], $0x7D0  }
0x208: {  	[sflag:s16] =	ssyncset.done $0x0  }
0x209: {  	s12 =	sadd.s32 s7, s4;
	[sflag:s16] =	ssyncadd.s32 $0xFFFFF830  }
0x20a: {  	[tilespmem:s22], [sflag:$0x3] =	stream.linear.gather [hbm4b:s12+s5], $0x7D0, $0x38;
	[tilespmem:$0x1ED00] =	vst v63  }
0x20b: {  	_ =	swait.ge [sflag:s16], $0x7D0  }
0x20c: {  	[sflag:s16] =	ssyncset.done $0x0  }
0x20d: {  	s13 =	sadd.s32 s1, s4;
	[sflag:s16] =	ssyncadd.s32 $0xFFFFF830  }
0x20e: {  	[tilespmem:s25], [sflag:$0x3] =	stream.linear.gather [hbm4b:s13+s5], $0x7D0, $0x38;
	[tilespmem:$0x1ED00] =	vst v63  }
0x20f: {  	_ =	swait.ge [sflag:s16], $0x7D0  }
0x210: {  	[sflag:s16] =	ssyncset.done $0x0  }
0x211: {  	s14 =	simm.s32 $0x192A0;
	[sflag:s16] =	ssyncadd.s32 $0xFFFFF830  }
0x212: {  	v1 =	vld [tilespmem:s14+$0x20]  }
0x213: {  	s11 =	simm.s32 $0x19AA0;
	v2 =	vld [tilespmem:s14+$0xFFFFFFF0]  }
0x214: {  	v3 =	vld [tilespmem:s11+$0x20]  }
0x215: {  	v4 =	vld [tilespmem:s14+$0x0]  }
0x216: {  	v5 =	vld [tilespmem:s14+$0x10]  }
0x217: {  	v6 =	vld [tilespmem:s14+$0xFFFFFFE0]  }
0x218: {  	v7 =	vld [tilespmem:s11+$0xFFFFFFE0]  }
0x219: {  	s12 =	simm.s32 $0x1A2A0;
	v8 =	vld [tilespmem:s11+$0xFFFFFFF0]  }
0x21a: {  	v10 =	vld [tilespmem:s12+$0x20]  }
0x21b: {  	v11 =	vld [tilespmem:s11+$0x0]  }
0x21c: {  	v12 =	vld [tilespmem:s11+$0x10]  }
0x21d: {  	v16 =	vld [tilespmem:s12+$0x0]  }
0x21e: {  	v9 =	vld.idx.msk [tilespmem:v1+s26+$0x0], $0xffff  }
0x21f: {  	v3 =	vld.idx.msk [tilespmem:v3+s26+$0x0], $0xffff  }
0x220: {  	v13 =	vld.idx.msk [tilespmem:v6+s26+$0x0], $0xffff  }
0x221: {  	v14 =	vld.idx.msk [tilespmem:v2+s26+$0x0], $0xffff  }
0x222: {  	v15 =	vld.idx.msk [tilespmem:v4+s26+$0x0], $0xffff  }
0x223: {  	v4 =	vld [tilespmem:s12+$0xFFFFFFE0]  }
0x224: {  	v1 =	vld.idx.msk [tilespmem:v5+s26+$0x0], $0xffff  }
0x225: {  	v5 =	vld [tilespmem:s12+$0xFFFFFFF0]  }
0x226: {  	v6 =	vld [tilespmem:s12+$0x10];
	v9 =	vmul.f32 v9, v10  }
0x227: {  	v2 =	vld.idx.msk [tilespmem:v7+s26+$0x0], $0xffff  }
0x228: {  	v7 =	vmul.f32 v13, v4;
	v4 =	vld.idx.msk [tilespmem:v11+s26+$0x0], $0xffff;
	v9 =	vmul.f32 v3, v9  }
0x229: {  	s13 =	simm.s32 $0x1BAA0;
	v3 =	vld.idx.msk [tilespmem:v8+s26+$0x0], $0xffff  }
0x22a: {  	s2 =	simm.s32 $0x192F0;
	s14 =	simm.s32 $0x0;
	v8 =	vmul.f32 v15, v16;
	[tilespmem:s13+$0x20] =	vst v9;
	v9 =	vmul.f32 v14, v5;
	v5 =	vld.idx.msk [tilespmem:v12+s26+$0x0], $0xffff  }
.LBB2_45:
0x22b: {  	v10 =	vld [tilespmem:s2+$0x20];
	s14 =	sadd.s32 $0x5, s14;
	v1 =	vmul.f32 v1, v6  }
0x22c: {  	s11 =	sadd.s32 $0x50, s11;
	v6 =	vld [tilespmem:s2+$0xFFFFFFF0];
	p1 =	slt.u32 s14, $0x78  }
0x22d: {  	v2 =	vmul.f32 v2, v7;
	v11 =	vld [tilespmem:s11+$0x20]  }
0x22e: {  	v3 =	vmul.f32 v3, v9;
	v7 =	vld [tilespmem:s2+$0x0]  }
0x22f: {  	v9 =	vld [tilespmem:s2+$0x10];
	[tilespmem:s13+$0xFFFFFFE0] =	vst v2;
	v2 =	vmul.f32 v4, v8  }
0x230: {  	v1 =	vmul.f32 v5, v1;
	v4 =	vld [tilespmem:s2+$0xFFFFFFE0];
	[tilespmem:s13+$0xFFFFFFF0] =	vst v3  }
0x231: {  	v3 =	vld [tilespmem:s11+$0xFFFFFFE0];
	[tilespmem:s13+$0x0] =	vst v2  }
0x232: {  	v5 =	vld [tilespmem:s11+$0xFFFFFFF0];
	[tilespmem:s13+$0x10] =	vst v1  }
0x233: {  	s12 =	sadd.s32 $0x50, s12;
	v1 =	vld.idx.msk [tilespmem:v10+s26+$0x0], $0xffff  }
0x234: {  	v2 =	vld [tilespmem:s12+$0x20]  }
0x235: {  	v8 =	vld.idx.msk [tilespmem:v11+s26+$0x0], $0xffff  }
0x236: {  	v10 =	vld [tilespmem:s11+$0x0]  }
0x237: {  	v11 =	vld [tilespmem:s11+$0x10]  }
0x238: {  	v4 =	vld.idx.msk [tilespmem:v4+s26+$0x0], $0xffff  }
0x239: {  	v12 =	vld.idx.msk [tilespmem:v6+s26+$0x0], $0xffff;
	v2 =	vmul.f32 v1, v2  }
0x23a: {  	v13 =	vld.idx.msk [tilespmem:v7+s26+$0x0], $0xffff  }
0x23b: {  	v1 =	vld.idx.msk [tilespmem:v9+s26+$0x0], $0xffff;
	v2 =	vmul.f32 v8, v2  }
0x23c: {  	s13 =	sadd.s32 $0x50, s13;
	v7 =	vld [tilespmem:s12+$0xFFFFFFE0]  }
0x23d: {  	v8 =	vld [tilespmem:s12+$0xFFFFFFF0];
	[tilespmem:s13+$0x20] =	vst v2  }
0x23e: {  	v14 =	vld [tilespmem:s12+$0x0]  }
.Ltmp21:
0x23f: {  	v6 =	vld [tilespmem:s12+$0x10];
	(pc) =	sbr.rel @p1 .LBB2_45-.Ltmp21, $4  }
0x240: {  	v2 =	vld.idx.msk [tilespmem:v3+s26+$0x0], $0xffff  }
0x241: {  	v7 =	vmul.f32 v4, v7;
	v3 =	vld.idx.msk [tilespmem:v5+s26+$0x0], $0xffff  }
0x242: {  	v9 =	vmul.f32 v12, v8;
	v4 =	vld.idx.msk [tilespmem:v10+s26+$0x0], $0xffff  }
0x243: {  	s2 =	sadd.s32 $0x50, s2;
	v8 =	vmul.f32 v13, v14;
	v5 =	vld.idx.msk [tilespmem:v11+s26+$0x0], $0xffff  }
0x244: {  	_ = 	snop  }
0x245: {  	v2 =	vmul.f32 v2, v7  }
0x246: {  	v1 =	vmul.f32 v1, v6;
	v3 =	vmul.f32 v3, v9  }
0x247: {  	[tilespmem:s13+$0xFFFFFFE0] =	vst v2;
	v2 =	vmul.f32 v4, v8  }
0x248: {  	s3 =	sadd.s32 $0x1, s3;
	[tilespmem:s13+$0xFFFFFFF0] =	vst v3;
	v1 =	vmul.f32 v5, v1  }
0x249: {  	p1 =	sne.s32 s3, $0xA;
	[tilespmem:s13+$0x0] =	vst v2  }
.Ltmp22:
0x24a: {  	s2 =	sadd.s32 s8, s4;
	[tilespmem:s13+$0x10] =	vst v1;
	(pc) =	sbr.rel @p1 .LBB2_44-.Ltmp22, $4  }
0x24b: {  	[hbm4b:s2+s5] =	stream.linear.scatter [tilespmem:s18], [sflag:$0x3], $0x7D0, $0x38;
	[tilespmem:$0x1ED00] =	vst v63  }
0x24c: {  	_ =	swait.ge [sflag:s16], $0x7D0  }
0x24d: {  	[sflag:s16] =	ssyncset.done $0x0  }
0x24e: {  	[sflag:s16] =	ssyncadd.s32 $0xFFFFF830  }
0x24f: {  	[bflag:$0x0] =	sbarrier.arrive $0xFFFF  }
0x250: {  	s2 =	rddreg [dreg:$0xd]  }
0x251: {  	[tilespmem:s28], [sflag:$0x3] =	stream.strided.gather [hbm4b:s2+s19], $0xA000, s20, s19, $0x38;
	[tilespmem:$0x1ED00] =	vst v63  }
0x252: {  	_ =	swait.ge [sflag:s16], $0xA000  }
0x253: {  	[sflag:s16] =	ssyncset.done $0x0  }
0x254: {  	s2 =	simm.s32 $0xF2C0;
	[sflag:s16] =	ssyncadd.s32 $0xFFFF6000  }
0x255: {  	[tilespmem:s2+$0xFFFFFFC0] =	vst v0  }
0x256: {  	[tilespmem:s2+$0x30] =	vst v0  }
0x257: {  	[tilespmem:s2+$0x20] =	vst v0  }
0x258: {  	[tilespmem:s2+$0x10] =	vst v0  }
0x259: {  	[tilespmem:s2+$0x0] =	vst v0  }
0x25a: {  	[tilespmem:s2+$0xFFFFFFF0] =	vst v0  }
0x25b: {  	s3 =	simm.s32 $0x0;
	[tilespmem:s2+$0xFFFFFFE0] =	vst v0  }
.LBB2_48:
0x25c: {  	s3 =	sadd.s32 $0x8, s3;
	[tilespmem:s2+$0xFFFFFFD0] =	vst v0;
	s2 =	sadd.s32 $0x80, s2  }
0x25d: {  	[tilespmem:s2+$0xFFFFFFC0] =	vst v0;
	p1 =	slt.u32 s3, $0x9F8  }
0x25e: {  	[tilespmem:s2+$0x30] =	vst v0  }
.Ltmp23:
0x25f: {  	[tilespmem:s2+$0x20] =	vst v0;
	(pc) =	sbr.rel @p1 .LBB2_48-.Ltmp23, $4  }
0x260: {  	[tilespmem:s2+$0x10] =	vst v0  }
0x261: {  	[tilespmem:s2+$0x0] =	vst v0  }
0x262: {  	[tilespmem:s2+$0xFFFFFFF0] =	vst v0  }
0x263: {  	[tilespmem:s2+$0xFFFFFFE0] =	vst v0  }
0x264: {  	[tilespmem:s2+$0xFFFFFFD0] =	vst v0  }
0x265: {  	s3 =	simm.s32 $0x0;
	s2 =	rddreg [dreg:$0xe]  }
0x266: {  	[tilespmem:s21], [sflag:$0x1] =	stream.linear.gather [hbm4b:s2+s3], $0x7D0, $0x38;
	[tilespmem:$0x1ED00] =	vst v63  }
0x267: {  	s13 =	rddreg [dreg:$0x10]  }
0x268: {  	[tilespmem:s22], [sflag:$0x1] =	stream.linear.gather [hbm4b:s13+s3], $0x7D0, $0x38;
	[tilespmem:$0x1ED00] =	vst v63  }
0x269: {  	s14 =	rddreg [dreg:$0x11]  }
0x26a: {  	[tilespmem:s25], [sflag:$0x1] =	stream.linear.gather [hbm4b:s14+s3], $0x7D0, $0x38;
	[tilespmem:$0x1ED00] =	vst v63  }
.LBB2_50:
0x26b: {  	s4 =	smul.u32 $0xFA0, s3;
	_ =	sdelay $0x1  }
0x26c: {  	s2 =	sadd.s32 s4, s23  }
0x26d: {  	s2 =	sshrl.u32 s2, $0x3  }
0x26e: {  	s11 =	sadd.s32 s6, s2  }
0x26f: {  	[tilespmem:s29], [sflag:$0x2] =	stream.linear.gather [hbm4b:s11+s5], $0x7D0, $0x38;
	[tilespmem:$0x1ED00] =	vst v63  }
0x270: {  	s13 =	sadd.s32 s7, s2  }
0x271: {  	[tilespmem:s15], [sflag:$0x2] =	stream.linear.gather [hbm4b:s13+s5], $0x7D0, $0x38;
	[tilespmem:$0x1ED00] =	vst v63  }
0x272: {  	s2 =	sadd.s32 s8, s2  }
0x273: {  	[tilespmem:s18], [sflag:$0x2] =	stream.linear.gather [hbm4b:s2+s5], $0x7D0, $0x38;
	[tilespmem:$0x1ED00] =	vst v63  }
0x274: {  	_ =	swait.ge [sflag:s30], $0x7D0  }
0x275: {  	[sflag:s30] =	ssyncset.done $0x0  }
0x276: {  	[sflag:s30] =	ssyncadd.s32 $0xFFFFF830  }
0x277: {  	_ =	swait.ge [sflag:s30], $0x7D0  }
0x278: {  	[sflag:s30] =	ssyncset.done $0x0  }
0x279: {  	[sflag:s30] =	ssyncadd.s32 $0xFFFFF830  }
0x27a: {  	_ =	swait.ge [sflag:s30], $0x7D0  }
0x27b: {  	[sflag:s30] =	ssyncset.done $0x0  }
0x27c: {  	s14 =	simm.s32 $0x192A0;
	[sflag:s30] =	ssyncadd.s32 $0xFFFFF830  }
0x27d: {  	v5 =	vld [tilespmem:s14+$0x20]  }
0x27e: {  	v6 =	vld [tilespmem:s14+$0xFFFFFFF0]  }
0x27f: {  	v7 =	vld [tilespmem:s14+$0x0]  }
0x280: {  	v8 =	vld [tilespmem:s14+$0xFFFFFFE0]  }
0x281: {  	s11 =	simm.s32 $0x19AA0;
	v10 =	vld [tilespmem:s14+$0x10]  }
0x282: {  	s13 =	simm.s32 $0x1A2A0;
	v9 =	vld [tilespmem:s11+$0x20]  }
0x283: {  	v11 =	vld [tilespmem:s13+$0x20]  }
0x284: {  	v4 =	vld [tilespmem:s13+$0xFFFFFFE0]  }
0x285: {  	v1 =	vld.idx.msk [tilespmem:v5+s28+$0x0], $0xffff  }
0x286: {  	v17 =	vld [tilespmem:s11+$0xFFFFFFE0]  }
0x287: {  	v19 =	vld [tilespmem:s11+$0xFFFFFFF0]  }
0x288: {  	v21 =	vld [tilespmem:s11+$0x0];
	v2 =	vadd.s32 $0x2800, v5  }
0x289: {  	v22 =	vld [tilespmem:s11+$0x10]  }
0x28a: {  	v12 =	vld.idx.msk [tilespmem:v6+s28+$0x0], $0xffff;
	v3 =	vmul.f32 v1, v11  }
0x28b: {  	v14 =	vld.idx.msk [tilespmem:v8+s28+$0x0], $0xffff  }
0x28c: {  	[tilespmem:v9+s31+$0x0] =	vst.idx.add.f32.msk $0xffff, v3  }
0x28d: {  	v16 =	vld.idx.msk [tilespmem:v2+s28+$0x0], $0xffff  }
0x28e: {  	v1 =	vld [tilespmem:s13+$0xFFFFFFF0]  }
0x28f: {  	v18 =	vadd.s32 $0x2800, v9;
	v13 =	vld.idx.msk [tilespmem:v7+s28+$0x0], $0xffff  }
0x290: {  	v15 =	vld.idx.msk [tilespmem:v10+s28+$0x0], $0xffff;
	v14 =	vmul.f32 v14, v4  }
0x291: {  	v20 =	vadd.s32 $0x5000, v5;
	v3 =	vld [tilespmem:s13+$0x0]  }
0x292: {  	v23 =	vadd.s32 $0x2800, v8;
	[tilespmem:v17+s31+$0x0] =	vst.idx.add.f32.msk $0xffff, v14;
	v16 =	vmul.f32 v16, v11  }
0x293: {  	v2 =	vld [tilespmem:s13+$0x10];
	v12 =	vmul.f32 v12, v1  }
0x294: {  	[tilespmem:v18+s31+$0x0] =	vst.idx.add.f32.msk $0xffff, v16;
	v16 =	vadd.s32 $0x2800, v6  }
0x295: {  	[tilespmem:v19+s31+$0x0] =	vst.idx.add.f32.msk $0xffff, v12  }
0x296: {  	v13 =	vmul.f32 v13, v3;
	v12 =	vadd.s32 $0x2800, v10;
	v18 =	vld.idx.msk [tilespmem:v20+s28+$0x0], $0xffff  }
0x297: {  	v14 =	vadd.s32 $0x2800, v7;
	v57 =	vld.idx.msk [tilespmem:v23+s28+$0x0], $0xffff  }
0x298: {  	[tilespmem:v21+s31+$0x0] =	vst.idx.add.f32.msk $0xffff, v13;
	v13 =	vmul.f32 v15, v2;
	v15 =	vadd.s32 $0x5000, v9  }
0x299: {  	v5 =	vadd.s32 $0x7800, v5;
	v16 =	vld.idx.msk [tilespmem:v16+s28+$0x0], $0xffff  }
0x29a: {  	v58 =	vadd.s32 $0x2800, v17;
	[tilespmem:v22+s31+$0x0] =	vst.idx.add.f32.msk $0xffff, v13  }
0x29b: {  	v13 =	vadd.s32 $0x2800, v19;
	v12 =	vld.idx.msk [tilespmem:v12+s28+$0x0], $0xffff;
	v18 =	vmul.f32 v18, v11  }
0x29c: {  	v24 =	vadd.s32 $0x5000, v8;
	v14 =	vld.idx.msk [tilespmem:v14+s28+$0x0], $0xffff  }
0x29d: {  	[tilespmem:v15+s31+$0x0] =	vst.idx.add.f32.msk $0xffff, v18;
	v15 =	vmul.f32 v57, v4;
	v18 =	vadd.s32 $0x2800, v22  }
0x29e: {  	v59 =	vadd.s32 $0x5000, v6;
	v5 =	vld.idx.msk [tilespmem:v5+s28+$0x0], $0xffff;
	v16 =	vmul.f32 v16, v1  }
0x29f: {  	v25 =	vadd.s32 $0x2800, v21;
	[tilespmem:v58+s31+$0x0] =	vst.idx.add.f32.msk $0xffff, v15  }
0x2a0: {  	v12 =	vmul.f32 v12, v2;
	v15 =	vadd.s32 $0x5000, v7;
	[tilespmem:v13+s31+$0x0] =	vst.idx.add.f32.msk $0xffff, v16  }
0x2a1: {  	v13 =	vmul.f32 v14, v3;
	v14 =	vadd.s32 $0x5000, v10;
	v16 =	vld.idx.msk [tilespmem:v24+s28+$0x0], $0xffff  }
0x2a2: {  	[tilespmem:v18+s31+$0x0] =	vst.idx.add.f32.msk $0xffff, v12  }
0x2a3: {  	v12 =	vadd.s32 $0x5000, v17;
	v18 =	vld.idx.msk [tilespmem:v59+s28+$0x0], $0xffff  }
0x2a4: {  	v60 =	vadd.s32 $0x7800, v8;
	[tilespmem:v25+s31+$0x0] =	vst.idx.add.f32.msk $0xffff, v13  }
0x2a5: {  	v13 =	vadd.s32 $0x7800, v9;
	v61 =	vld.idx.msk [tilespmem:v15+s28+$0x0], $0xffff  }
0x2a6: {  	v62 =	vadd.s32 $0x5000, v19;
	v5 =	vmul.f32 v5, v11;
	v63 =	vld.idx.msk [tilespmem:v14+s28+$0x0], $0xffff;
	v11 =	vmul.f32 v16, v4;
	_ =	sdelay $0x1  }
0x2a7: {  	v8 =	vadd.s32 $0x7800, v6;
	v6 =	vadd.s32 $0x7800, v17;
	v10 =	vadd.s32 $0x7800, v10;
	[tilespmem:v12+s31+$0x0] =	vst.idx.add.f32.msk $0xffff, v11  }
0x2a8: {  	v9 =	vadd.s32 $0x7800, v7;
	v7 =	vadd.s32 $0x7800, v21;
	v16 =	vmul.f32 v18, v1;
	v12 =	vld.idx.msk [tilespmem:v60+s28+$0x0], $0xffff  }
0x2a9: {  	v15 =	vadd.s32 $0x5000, v22;
	v14 =	vadd.s32 $0x5000, v21;
	[tilespmem:v13+s31+$0x0] =	vst.idx.add.f32.msk $0xffff, v5;
	v5 =	vadd.s32 $0x7800, v19  }
0x2aa: {  	s12 =	simm.s32 $0x192F0;
	s14 =	simm.s32 $0x0;
	v11 =	vadd.s32 $0x7800, v22;
	v13 =	vmul.f32 v61, v3;
	[tilespmem:v62+s31+$0x0] =	vst.idx.add.f32.msk $0xffff, v16;
	v16 =	vmul.f32 v63, v2  }
.LBB2_51:
0x2ab: {  	v17 =	vld [tilespmem:s12+$0x20];
	s14 =	sadd.s32 $0x5, s14  }
0x2ac: {  	v18 =	vld [tilespmem:s12+$0xFFFFFFF0];
	p1 =	slt.u32 s14, $0x78  }
0x2ad: {  	v20 =	vmul.f32 v12, v4;
	v19 =	vld [tilespmem:s12+$0x0]  }
0x2ae: {  	v4 =	vld [tilespmem:s12+$0x10]  }
0x2af: {  	v21 =	vld [tilespmem:s12+$0xFFFFFFE0]  }
0x2b0: {  	[tilespmem:v14+s31+$0x0] =	vst.idx.add.f32.msk $0xffff, v13  }
0x2b1: {  	s11 =	sadd.s32 $0x50, s11;
	v22 =	vadd.s32 $0x2800, v18;
	v12 =	vadd.s32 $0x5000, v18;
	v14 =	vadd.s32 $0x7800, v18;
	[tilespmem:v15+s31+$0x0] =	vst.idx.add.f32.msk $0xffff, v16  }
0x2b2: {  	v16 =	vadd.s32 $0x2800, v19;
	v13 =	vadd.s32 $0x5000, v19;
	v15 =	vadd.s32 $0x7800, v19;
	v23 =	vld [tilespmem:s11+$0x20]  }
0x2b3: {  	s13 =	sadd.s32 $0x50, s13;
	v24 =	vadd.s32 $0x2800, v4;
	v25 =	vadd.s32 $0x5000, v4;
	v26 =	vadd.s32 $0x7800, v4;
	v27 =	vld.idx.msk [tilespmem:v17+s28+$0x0], $0xffff  }
0x2b4: {  	v28 =	vadd.s32 $0x2800, v21;
	v29 =	vadd.s32 $0x5000, v21;
	v30 =	vadd.s32 $0x7800, v21;
	v31 =	vld [tilespmem:s13+$0x20]  }
0x2b5: {  	v18 =	vld.idx.msk [tilespmem:v18+s28+$0x0], $0xffff  }
0x2b6: {  	v19 =	vld.idx.msk [tilespmem:v19+s28+$0x0], $0xffff  }
0x2b7: {  	v32 =	vadd.s32 $0x2800, v17;
	v21 =	vld.idx.msk [tilespmem:v21+s28+$0x0], $0xffff  }
0x2b8: {  	v33 =	vld.idx.msk [tilespmem:v4+s28+$0x0], $0xffff  }
0x2b9: {  	v4 =	vld [tilespmem:s13+$0xFFFFFFE0];
	v27 =	vmul.f32 v27, v31  }
0x2ba: {  	v34 =	vld [tilespmem:s13+$0xFFFFFFF0]  }
0x2bb: {  	[tilespmem:v23+s31+$0x0] =	vst.idx.add.f32.msk $0xffff, v27  }
0x2bc: {  	v27 =	vld.idx.msk [tilespmem:v32+s28+$0x0], $0xffff  }
0x2bd: {  	v32 =	vld [tilespmem:s13+$0x0]  }
0x2be: {  	v21 =	vmul.f32 v21, v4;
	v35 =	vld [tilespmem:s13+$0x10]  }
0x2bf: {  	v37 =	vadd.s32 $0x2800, v23;
	v36 =	vld [tilespmem:s11+$0xFFFFFFE0];
	v18 =	vmul.f32 v18, v34  }
0x2c0: {  	v39 =	vadd.s32 $0x5000, v17;
	v38 =	vld [tilespmem:s11+$0xFFFFFFF0]  }
0x2c1: {  	v40 =	vld [tilespmem:s11+$0x0]  }
0x2c2: {  	v27 =	vmul.f32 v27, v31;
	v19 =	vmul.f32 v19, v32;
	v41 =	vld [tilespmem:s11+$0x10]  }
0x2c3: {  	v33 =	vmul.f32 v33, v35;
	v42 =	vld.idx.msk [tilespmem:v8+s28+$0x0], $0xffff;
	v8 =	vmov v14  }
0x2c4: {  	v43 =	vadd.s32 $0x2800, v36;
	v44 =	vadd.s32 $0x5000, v36;
	v45 =	vadd.s32 $0x7800, v36;
	[tilespmem:v37+s31+$0x0] =	vst.idx.add.f32.msk $0xffff, v27  }
0x2c5: {  	v27 =	vadd.s32 $0x2800, v38;
	v37 =	vadd.s32 $0x5000, v38;
	v46 =	vadd.s32 $0x7800, v38;
	v39 =	vld.idx.msk [tilespmem:v39+s28+$0x0], $0xffff  }
0x2c6: {  	v47 =	vadd.s32 $0x2800, v40;
	v14 =	vadd.s32 $0x5000, v40;
	v48 =	vadd.s32 $0x7800, v40;
	v49 =	vld.idx.msk [tilespmem:v9+s28+$0x0], $0xffff;
	v9 =	vmovc v15  }
0x2c7: {  	[tilespmem:v36+s31+$0x0] =	vst.idx.add.f32.msk $0xffff, v21;
	v21 =	vadd.s32 $0x2800, v41;
	v15 =	vadd.s32 $0x5000, v41;
	v36 =	vadd.s32 $0x7800, v41  }
0x2c8: {  	[tilespmem:v38+s31+$0x0] =	vst.idx.add.f32.msk $0xffff, v18;
	v18 =	vadd.s32 $0x5000, v23  }
0x2c9: {  	v17 =	vadd.s32 $0x7800, v17;
	[tilespmem:v40+s31+$0x0] =	vst.idx.add.f32.msk $0xffff, v19;
	v19 =	vmul.f32 v42, v1;
	v1 =	vmov v34  }
0x2ca: {  	[tilespmem:v41+s31+$0x0] =	vst.idx.add.f32.msk $0xffff, v33  }
0x2cb: {  	v33 =	vmul.f32 v39, v31;
	v28 =	vld.idx.msk [tilespmem:v28+s28+$0x0], $0xffff  }
0x2cc: {  	v34 =	vmul.f32 v49, v3;
	v3 =	vmov v32;
	v22 =	vld.idx.msk [tilespmem:v22+s28+$0x0], $0xffff  }
0x2cd: {  	[tilespmem:v18+s31+$0x0] =	vst.idx.add.f32.msk $0xffff, v33  }
0x2ce: {  	v17 =	vld.idx.msk [tilespmem:v17+s28+$0x0], $0xffff  }
0x2cf: {  	v16 =	vld.idx.msk [tilespmem:v16+s28+$0x0], $0xffff  }
0x2d0: {  	v18 =	vld.idx.msk [tilespmem:v24+s28+$0x0], $0xffff  }
0x2d1: {  	v23 =	vadd.s32 $0x7800, v23;
	v24 =	vmul.f32 v28, v4;
	v28 =	vld.idx.msk [tilespmem:v10+s28+$0x0], $0xffff;
	v10 =	vmov v26  }
0x2d2: {  	v22 =	vmul.f32 v22, v1;
	[tilespmem:v6+s31+$0x0] =	vst.idx.add.f32.msk $0xffff, v20;
	v6 =	vmov v45  }
0x2d3: {  	[tilespmem:v43+s31+$0x0] =	vst.idx.add.f32.msk $0xffff, v24  }
0x2d4: {  	v17 =	vmul.f32 v17, v31;
	[tilespmem:v27+s31+$0x0] =	vst.idx.add.f32.msk $0xffff, v22  }
0x2d5: {  	v16 =	vmul.f32 v16, v3;
	v20 =	vld.idx.msk [tilespmem:v29+s28+$0x0], $0xffff  }
0x2d6: {  	v18 =	vmul.f32 v18, v35;
	[tilespmem:v23+s31+$0x0] =	vst.idx.add.f32.msk $0xffff, v17  }
0x2d7: {  	[tilespmem:v47+s31+$0x0] =	vst.idx.add.f32.msk $0xffff, v16;
	v16 =	vmul.f32 v28, v2;
	v2 =	vmov v35  }
0x2d8: {  	[tilespmem:v21+s31+$0x0] =	vst.idx.add.f32.msk $0xffff, v18  }
0x2d9: {  	v17 =	vld.idx.msk [tilespmem:v12+s28+$0x0], $0xffff  }
0x2da: {  	v13 =	vld.idx.msk [tilespmem:v13+s28+$0x0], $0xffff  }
0x2db: {  	v12 =	vmul.f32 v20, v4;
	v18 =	vld.idx.msk [tilespmem:v25+s28+$0x0], $0xffff  }
0x2dc: {  	[tilespmem:v5+s31+$0x0] =	vst.idx.add.f32.msk $0xffff, v19;
	v5 =	vmov v46  }
.Ltmp24:
0x2dd: {  	[tilespmem:v44+s31+$0x0] =	vst.idx.add.f32.msk $0xffff, v12;
	(pc) =	sbr.rel @p1 .LBB2_51-.Ltmp24, $4  }
0x2de: {  	v12 =	vld.idx.msk [tilespmem:v30+s28+$0x0], $0xffff  }
0x2df: {  	v17 =	vmul.f32 v17, v1;
	[tilespmem:v7+s31+$0x0] =	vst.idx.add.f32.msk $0xffff, v34;
	v7 =	vmov v48  }
0x2e0: {  	v13 =	vmul.f32 v13, v3;
	[tilespmem:v11+s31+$0x0] =	vst.idx.add.f32.msk $0xffff, v16;
	v11 =	vmov v36  }
0x2e1: {  	s12 =	sadd.s32 $0x50, s12;
	v16 =	vmul.f32 v18, v2;
	[tilespmem:v37+s31+$0x0] =	vst.idx.add.f32.msk $0xffff, v17  }
0x2e2: {  	_ =	sdelay $0x3  }
0x2e3: {  	[tilespmem:v14+s31+$0x0] =	vst.idx.add.f32.msk $0xffff, v13  }
0x2e4: {  	v8 =	vld.idx.msk [tilespmem:v8+s28+$0x0], $0xffff  }
0x2e5: {  	[tilespmem:v15+s31+$0x0] =	vst.idx.add.f32.msk $0xffff, v16  }
0x2e6: {  	v9 =	vld.idx.msk [tilespmem:v9+s28+$0x0], $0xffff  }
0x2e7: {  	v10 =	vld.idx.msk [tilespmem:v10+s28+$0x0], $0xffff;
	_ =	sdelay $0x1  }
0x2e8: {  	v4 =	vmul.f32 v12, v4  }
0x2e9: {  	v1 =	vmul.f32 v8, v1  }
0x2ea: {  	p1 =	seq.s32 s3, $0x4F;
	[tilespmem:v6+s31+$0x0] =	vst.idx.add.f32.msk $0xffff, v4;
	v3 =	vmul.f32 v9, v3  }
0x2eb: {  	s2 =	sadd.s32 @!p1 s4, s24;
	v2 =	vmul.f32 v10, v2;
	[tilespmem:v5+s31+$0x0] =	vst.idx.add.f32.msk $0xffff, v1  }
0x2ec: {  	s2 =	sshrl.u32 @!p1 s2, $0x3;
	[tilespmem:v7+s31+$0x0] =	vst.idx.add.f32.msk $0xffff, v3  }
0x2ed: {  	s11 =	simm.s32 @!p1 $0x0;
	s12 =	simm.s32 @!p1 $0x19280;
	s4 =	sadd.s32 @!p1 s6, s2;
	[tilespmem:v11+s31+$0x0] =	vst.idx.add.f32.msk $0xffff, v2  }
0x2ee: {  	[tilespmem:s12], [sflag:$0x1] =	stream.linear.gather @!p1 [hbm4b:s4+s11], $0x7D0, $0x38;
	[tilespmem:$0x1ED00] =	vst v63  }
0x2ef: {  	s4 =	sadd.s32 @!p1 s7, s2;
	s12 =	simm.s32 @!p1 $0x19A80  }
0x2f0: {  	[tilespmem:s12], [sflag:$0x1] =	stream.linear.gather @!p1 [hbm4b:s4+s11], $0x7D0, $0x38;
	[tilespmem:$0x1ED00] =	vst v63  }
0x2f1: {  	s2 =	sadd.s32 @!p1 s8, s2;
	s4 =	simm.s32 @!p1 $0x1A280  }
0x2f2: {  	[tilespmem:s4], [sflag:$0x1] =	stream.linear.gather @!p1 [hbm4b:s2+s11], $0x7D0, $0x38;
	[tilespmem:$0x1ED00] =	vst v63  }
0x2f3: {  	_ =	swait.ge [sflag:s0], $0x7D0  }
0x2f4: {  	[sflag:s0] =	ssyncset.done $0x0  }
0x2f5: {  	[sflag:s0] =	ssyncadd.s32 $0xFFFFF830  }
0x2f6: {  	_ =	swait.ge [sflag:s0], $0x7D0  }
0x2f7: {  	[sflag:s0] =	ssyncset.done $0x0  }
0x2f8: {  	[sflag:s0] =	ssyncadd.s32 $0xFFFFF830  }
0x2f9: {  	_ =	swait.ge [sflag:s0], $0x7D0  }
0x2fa: {  	[sflag:s0] =	ssyncset.done $0x0  }
0x2fb: {  	s14 =	simm.s32 $0x1AAA0;
	[sflag:s0] =	ssyncadd.s32 $0xFFFFF830  }
0x2fc: {  	v5 =	vld [tilespmem:s14+$0x20]  }
0x2fd: {  	v6 =	vld [tilespmem:s14+$0xFFFFFFF0]  }
0x2fe: {  	v7 =	vld [tilespmem:s14+$0x0]  }
0x2ff: {  	v8 =	vld [tilespmem:s14+$0xFFFFFFE0]  }
0x300: {  	s4 =	simm.s32 $0x1B2A0;
	v10 =	vld [tilespmem:s14+$0x10]  }
0x301: {  	s11 =	simm.s32 $0x1BAA0;
	v9 =	vld [tilespmem:s4+$0x20]  }
0x302: {  	v11 =	vld [tilespmem:s11+$0x20]  }
0x303: {  	v4 =	vld [tilespmem:s11+$0xFFFFFFE0]  }
0x304: {  	v1 =	vld.idx.msk [tilespmem:v5+s28+$0x0], $0xffff  }
0x305: {  	v17 =	vld [tilespmem:s4+$0xFFFFFFE0]  }
0x306: {  	v19 =	vld [tilespmem:s4+$0xFFFFFFF0]  }
0x307: {  	v21 =	vld [tilespmem:s4+$0x0];
	v2 =	vadd.s32 $0x2800, v5  }
0x308: {  	v22 =	vld [tilespmem:s4+$0x10]  }
0x309: {  	v12 =	vld.idx.msk [tilespmem:v6+s28+$0x0], $0xffff;
	v3 =	vmul.f32 v1, v11  }
0x30a: {  	v14 =	vld.idx.msk [tilespmem:v8+s28+$0x0], $0xffff  }
0x30b: {  	[tilespmem:v9+s31+$0x0] =	vst.idx.add.f32.msk $0xffff, v3  }
0x30c: {  	v16 =	vld.idx.msk [tilespmem:v2+s28+$0x0], $0xffff  }
0x30d: {  	v1 =	vld [tilespmem:s11+$0xFFFFFFF0]  }
0x30e: {  	v18 =	vadd.s32 $0x2800, v9;
	v13 =	vld.idx.msk [tilespmem:v7+s28+$0x0], $0xffff  }
0x30f: {  	v15 =	vld.idx.msk [tilespmem:v10+s28+$0x0], $0xffff;
	v14 =	vmul.f32 v14, v4  }
0x310: {  	v20 =	vadd.s32 $0x5000, v5;
	v3 =	vld [tilespmem:s11+$0x0]  }
0x311: {  	v23 =	vadd.s32 $0x2800, v8;
	[tilespmem:v17+s31+$0x0] =	vst.idx.add.f32.msk $0xffff, v14;
	v16 =	vmul.f32 v16, v11  }
0x312: {  	v2 =	vld [tilespmem:s11+$0x10];
	v12 =	vmul.f32 v12, v1  }
0x313: {  	[tilespmem:v18+s31+$0x0] =	vst.idx.add.f32.msk $0xffff, v16;
	v16 =	vadd.s32 $0x2800, v6  }
0x314: {  	[tilespmem:v19+s31+$0x0] =	vst.idx.add.f32.msk $0xffff, v12  }
0x315: {  	v13 =	vmul.f32 v13, v3;
	v12 =	vadd.s32 $0x2800, v10;
	v18 =	vld.idx.msk [tilespmem:v20+s28+$0x0], $0xffff  }
0x316: {  	v14 =	vadd.s32 $0x2800, v7;
	v57 =	vld.idx.msk [tilespmem:v23+s28+$0x0], $0xffff  }
0x317: {  	[tilespmem:v21+s31+$0x0] =	vst.idx.add.f32.msk $0xffff, v13;
	v13 =	vmul.f32 v15, v2;
	v15 =	vadd.s32 $0x5000, v9  }
0x318: {  	v5 =	vadd.s32 $0x7800, v5;
	v16 =	vld.idx.msk [tilespmem:v16+s28+$0x0], $0xffff  }
0x319: {  	v58 =	vadd.s32 $0x2800, v17;
	[tilespmem:v22+s31+$0x0] =	vst.idx.add.f32.msk $0xffff, v13  }
0x31a: {  	v13 =	vadd.s32 $0x2800, v19;
	v12 =	vld.idx.msk [tilespmem:v12+s28+$0x0], $0xffff;
	v18 =	vmul.f32 v18, v11  }
0x31b: {  	v24 =	vadd.s32 $0x5000, v8;
	v14 =	vld.idx.msk [tilespmem:v14+s28+$0x0], $0xffff  }
0x31c: {  	[tilespmem:v15+s31+$0x0] =	vst.idx.add.f32.msk $0xffff, v18;
	v15 =	vmul.f32 v57, v4;
	v18 =	vadd.s32 $0x2800, v22  }
0x31d: {  	v59 =	vadd.s32 $0x5000, v6;
	v5 =	vld.idx.msk [tilespmem:v5+s28+$0x0], $0xffff;
	v16 =	vmul.f32 v16, v1  }
0x31e: {  	v25 =	vadd.s32 $0x2800, v21;
	[tilespmem:v58+s31+$0x0] =	vst.idx.add.f32.msk $0xffff, v15  }
0x31f: {  	v12 =	vmul.f32 v12, v2;
	v15 =	vadd.s32 $0x5000, v7;
	[tilespmem:v13+s31+$0x0] =	vst.idx.add.f32.msk $0xffff, v16  }
0x320: {  	v13 =	vmul.f32 v14, v3;
	v14 =	vadd.s32 $0x5000, v10;
	v16 =	vld.idx.msk [tilespmem:v24+s28+$0x0], $0xffff  }
0x321: {  	[tilespmem:v18+s31+$0x0] =	vst.idx.add.f32.msk $0xffff, v12  }
0x322: {  	v12 =	vadd.s32 $0x5000, v17;
	v18 =	vld.idx.msk [tilespmem:v59+s28+$0x0], $0xffff  }
0x323: {  	v60 =	vadd.s32 $0x7800, v8;
	[tilespmem:v25+s31+$0x0] =	vst.idx.add.f32.msk $0xffff, v13  }
0x324: {  	v13 =	vadd.s32 $0x7800, v9;
	v61 =	vld.idx.msk [tilespmem:v15+s28+$0x0], $0xffff  }
0x325: {  	v62 =	vadd.s32 $0x5000, v19;
	v5 =	vmul.f32 v5, v11;
	v63 =	vld.idx.msk [tilespmem:v14+s28+$0x0], $0xffff;
	v11 =	vmul.f32 v16, v4;
	_ =	sdelay $0x1  }
0x326: {  	v8 =	vadd.s32 $0x7800, v6;
	v6 =	vadd.s32 $0x7800, v17;
	v10 =	vadd.s32 $0x7800, v10;
	[tilespmem:v12+s31+$0x0] =	vst.idx.add.f32.msk $0xffff, v11  }
0x327: {  	v9 =	vadd.s32 $0x7800, v7;
	v7 =	vadd.s32 $0x7800, v21;
	v16 =	vmul.f32 v18, v1;
	v12 =	vld.idx.msk [tilespmem:v60+s28+$0x0], $0xffff  }
0x328: {  	v15 =	vadd.s32 $0x5000, v22;
	v14 =	vadd.s32 $0x5000, v21;
	[tilespmem:v13+s31+$0x0] =	vst.idx.add.f32.msk $0xffff, v5;
	v5 =	vadd.s32 $0x7800, v19  }
0x329: {  	s13 =	simm.s32 $0x0;
	s12 =	simm.s32 $0x1AAF0;
	v11 =	vadd.s32 $0x7800, v22;
	v13 =	vmul.f32 v61, v3;
	[tilespmem:v62+s31+$0x0] =	vst.idx.add.f32.msk $0xffff, v16;
	v16 =	vmul.f32 v63, v2  }
.LBB2_53:
0x32a: {  	v17 =	vld [tilespmem:s12+$0x20];
	s13 =	sadd.s32 $0x5, s13  }
0x32b: {  	v18 =	vld [tilespmem:s12+$0xFFFFFFF0];
	p1 =	slt.u32 s13, $0x78  }
0x32c: {  	v20 =	vmul.f32 v12, v4;
	v19 =	vld [tilespmem:s12+$0x0]  }
0x32d: {  	v4 =	vld [tilespmem:s12+$0x10]  }
0x32e: {  	v21 =	vld [tilespmem:s12+$0xFFFFFFE0]  }
0x32f: {  	[tilespmem:v14+s31+$0x0] =	vst.idx.add.f32.msk $0xffff, v13  }
0x330: {  	s4 =	sadd.s32 $0x50, s4;
	v22 =	vadd.s32 $0x2800, v18;
	v12 =	vadd.s32 $0x5000, v18;
	v14 =	vadd.s32 $0x7800, v18;
	[tilespmem:v15+s31+$0x0] =	vst.idx.add.f32.msk $0xffff, v16  }
0x331: {  	v16 =	vadd.s32 $0x2800, v19;
	v13 =	vadd.s32 $0x5000, v19;
	v15 =	vadd.s32 $0x7800, v19;
	v23 =	vld [tilespmem:s4+$0x20]  }
0x332: {  	s11 =	sadd.s32 $0x50, s11;
	v24 =	vadd.s32 $0x2800, v4;
	v25 =	vadd.s32 $0x5000, v4;
	v26 =	vadd.s32 $0x7800, v4;
	v27 =	vld.idx.msk [tilespmem:v17+s28+$0x0], $0xffff  }
0x333: {  	v28 =	vadd.s32 $0x2800, v21;
	v29 =	vadd.s32 $0x5000, v21;
	v30 =	vadd.s32 $0x7800, v21;
	v31 =	vld [tilespmem:s11+$0x20]  }
0x334: {  	v18 =	vld.idx.msk [tilespmem:v18+s28+$0x0], $0xffff  }
0x335: {  	v19 =	vld.idx.msk [tilespmem:v19+s28+$0x0], $0xffff  }
0x336: {  	v32 =	vadd.s32 $0x2800, v17;
	v21 =	vld.idx.msk [tilespmem:v21+s28+$0x0], $0xffff  }
0x337: {  	v33 =	vld.idx.msk [tilespmem:v4+s28+$0x0], $0xffff  }
0x338: {  	v4 =	vld [tilespmem:s11+$0xFFFFFFE0];
	v27 =	vmul.f32 v27, v31  }
0x339: {  	v34 =	vld [tilespmem:s11+$0xFFFFFFF0]  }
0x33a: {  	[tilespmem:v23+s31+$0x0] =	vst.idx.add.f32.msk $0xffff, v27  }
0x33b: {  	v27 =	vld.idx.msk [tilespmem:v32+s28+$0x0], $0xffff  }
0x33c: {  	v32 =	vld [tilespmem:s11+$0x0]  }
0x33d: {  	v21 =	vmul.f32 v21, v4;
	v35 =	vld [tilespmem:s11+$0x10]  }
0x33e: {  	v37 =	vadd.s32 $0x2800, v23;
	v36 =	vld [tilespmem:s4+$0xFFFFFFE0];
	v18 =	vmul.f32 v18, v34  }
0x33f: {  	v39 =	vadd.s32 $0x5000, v17;
	v38 =	vld [tilespmem:s4+$0xFFFFFFF0]  }
0x340: {  	v40 =	vld [tilespmem:s4+$0x0]  }
0x341: {  	v27 =	vmul.f32 v27, v31;
	v19 =	vmul.f32 v19, v32;
	v41 =	vld [tilespmem:s4+$0x10]  }
0x342: {  	v33 =	vmul.f32 v33, v35;
	v42 =	vld.idx.msk [tilespmem:v8+s28+$0x0], $0xffff;
	v8 =	vmov v14  }
0x343: {  	v43 =	vadd.s32 $0x2800, v36;
	v44 =	vadd.s32 $0x5000, v36;
	v45 =	vadd.s32 $0x7800, v36;
	[tilespmem:v37+s31+$0x0] =	vst.idx.add.f32.msk $0xffff, v27  }
0x344: {  	v27 =	vadd.s32 $0x2800, v38;
	v37 =	vadd.s32 $0x5000, v38;
	v46 =	vadd.s32 $0x7800, v38;
	v39 =	vld.idx.msk [tilespmem:v39+s28+$0x0], $0xffff  }
0x345: {  	v47 =	vadd.s32 $0x2800, v40;
	v14 =	vadd.s32 $0x5000, v40;
	v48 =	vadd.s32 $0x7800, v40;
	v49 =	vld.idx.msk [tilespmem:v9+s28+$0x0], $0xffff;
	v9 =	vmovc v15  }
0x346: {  	[tilespmem:v36+s31+$0x0] =	vst.idx.add.f32.msk $0xffff, v21;
	v21 =	vadd.s32 $0x2800, v41;
	v15 =	vadd.s32 $0x5000, v41;
	v36 =	vadd.s32 $0x7800, v41  }
0x347: {  	[tilespmem:v38+s31+$0x0] =	vst.idx.add.f32.msk $0xffff, v18;
	v18 =	vadd.s32 $0x5000, v23  }
0x348: {  	v17 =	vadd.s32 $0x7800, v17;
	[tilespmem:v40+s31+$0x0] =	vst.idx.add.f32.msk $0xffff, v19;
	v19 =	vmul.f32 v42, v1;
	v1 =	vmov v34  }
0x349: {  	[tilespmem:v41+s31+$0x0] =	vst.idx.add.f32.msk $0xffff, v33  }
0x34a: {  	v33 =	vmul.f32 v39, v31;
	v28 =	vld.idx.msk [tilespmem:v28+s28+$0x0], $0xffff  }
0x34b: {  	v34 =	vmul.f32 v49, v3;
	v3 =	vmov v32;
	v22 =	vld.idx.msk [tilespmem:v22+s28+$0x0], $0xffff  }
0x34c: {  	[tilespmem:v18+s31+$0x0] =	vst.idx.add.f32.msk $0xffff, v33  }
0x34d: {  	v17 =	vld.idx.msk [tilespmem:v17+s28+$0x0], $0xffff  }
0x34e: {  	v16 =	vld.idx.msk [tilespmem:v16+s28+$0x0], $0xffff  }
0x34f: {  	v18 =	vld.idx.msk [tilespmem:v24+s28+$0x0], $0xffff  }
0x350: {  	v23 =	vadd.s32 $0x7800, v23;
	v24 =	vmul.f32 v28, v4;
	v28 =	vld.idx.msk [tilespmem:v10+s28+$0x0], $0xffff;
	v10 =	vmov v26  }
0x351: {  	v22 =	vmul.f32 v22, v1;
	[tilespmem:v6+s31+$0x0] =	vst.idx.add.f32.msk $0xffff, v20;
	v6 =	vmov v45  }
0x352: {  	[tilespmem:v43+s31+$0x0] =	vst.idx.add.f32.msk $0xffff, v24  }
0x353: {  	v17 =	vmul.f32 v17, v31;
	[tilespmem:v27+s31+$0x0] =	vst.idx.add.f32.msk $0xffff, v22  }
0x354: {  	v16 =	vmul.f32 v16, v3;
	v20 =	vld.idx.msk [tilespmem:v29+s28+$0x0], $0xffff  }
0x355: {  	v18 =	vmul.f32 v18, v35;
	[tilespmem:v23+s31+$0x0] =	vst.idx.add.f32.msk $0xffff, v17  }
0x356: {  	[tilespmem:v47+s31+$0x0] =	vst.idx.add.f32.msk $0xffff, v16;
	v16 =	vmul.f32 v28, v2;
	v2 =	vmov v35  }
0x357: {  	[tilespmem:v21+s31+$0x0] =	vst.idx.add.f32.msk $0xffff, v18  }
0x358: {  	v17 =	vld.idx.msk [tilespmem:v12+s28+$0x0], $0xffff  }
0x359: {  	v13 =	vld.idx.msk [tilespmem:v13+s28+$0x0], $0xffff  }
0x35a: {  	v12 =	vmul.f32 v20, v4;
	v18 =	vld.idx.msk [tilespmem:v25+s28+$0x0], $0xffff  }
0x35b: {  	[tilespmem:v5+s31+$0x0] =	vst.idx.add.f32.msk $0xffff, v19;
	v5 =	vmov v46  }
.Ltmp25:
0x35c: {  	[tilespmem:v44+s31+$0x0] =	vst.idx.add.f32.msk $0xffff, v12;
	(pc) =	sbr.rel @p1 .LBB2_53-.Ltmp25, $4  }
0x35d: {  	v12 =	vld.idx.msk [tilespmem:v30+s28+$0x0], $0xffff  }
0x35e: {  	v17 =	vmul.f32 v17, v1;
	[tilespmem:v7+s31+$0x0] =	vst.idx.add.f32.msk $0xffff, v34;
	v7 =	vmov v48  }
0x35f: {  	v13 =	vmul.f32 v13, v3;
	[tilespmem:v11+s31+$0x0] =	vst.idx.add.f32.msk $0xffff, v16;
	v11 =	vmov v36  }
0x360: {  	s12 =	sadd.s32 $0x50, s12;
	v16 =	vmul.f32 v18, v2;
	[tilespmem:v37+s31+$0x0] =	vst.idx.add.f32.msk $0xffff, v17  }
0x361: {  	_ =	sdelay $0x3  }
0x362: {  	[tilespmem:v14+s31+$0x0] =	vst.idx.add.f32.msk $0xffff, v13  }
0x363: {  	v8 =	vld.idx.msk [tilespmem:v8+s28+$0x0], $0xffff  }
0x364: {  	[tilespmem:v15+s31+$0x0] =	vst.idx.add.f32.msk $0xffff, v16  }
0x365: {  	v9 =	vld.idx.msk [tilespmem:v9+s28+$0x0], $0xffff  }
0x366: {  	v10 =	vld.idx.msk [tilespmem:v10+s28+$0x0], $0xffff  }
0x367: {  	s3 =	sadd.s32 $0x1, s3  }
0x368: {  	v4 =	vmul.f32 v12, v4;
	p1 =	sne.s32 s3, $0x50  }
.Ltmp26:
0x369: {  	v1 =	vmul.f32 v8, v1;
	(pc) =	sbr.rel @p1 .LBB2_50-.Ltmp26, $4  }
0x36a: {  	[tilespmem:v6+s31+$0x0] =	vst.idx.add.f32.msk $0xffff, v4;
	v3 =	vmul.f32 v9, v3  }
0x36b: {  	v2 =	vmul.f32 v10, v2;
	[tilespmem:v5+s31+$0x0] =	vst.idx.add.f32.msk $0xffff, v1  }
0x36c: {  	[tilespmem:v7+s31+$0x0] =	vst.idx.add.f32.msk $0xffff, v3  }
0x36d: {  	[tilespmem:v11+s31+$0x0] =	vst.idx.add.f32.msk $0xffff, v2  }
0x36e: {  	s2 =	rddreg [dreg:$0xf]  }
0x36f: {  	[hbm4b:s2+s19] =	stream.strided.scatter [tilespmem:s31], [sflag:$0x3], $0xA000, s20, s19, $0x38;
	[tilespmem:$0x1ED00] =	vst v63  }
0x370: {  	_ =	swait.ge [sflag:s16], $0xA000  }
0x371: {  	s3 =	rddreg [dreg:$0x1f]  }
0x372: {  	s14 =	rddreg [dreg:$0x12];
	s3 =	sadd.s32 $0x1, s3  }
0x373: {  	p1 =	sne.s32 s3, s14  }
.Ltmp27:
0x374: {  	_ = 	snop;
	(pc) =	sbr.rel @p1 .LBB2_1-.Ltmp27, $3  }
0x375: {  	_ =	sdelay $0x1  }
0x376: {  	[sflag:s16] =	ssyncset.done $0x0  }
0x377: {  	[sflag:s16] =	ssyncadd.s32 $0xFFFF6000  }
0x378: {  	_ =	sfence.sel $0x180000  }
0x379: {  	[bflag:$0x0] =	sbarrier.arrive $0xFFFF  }
0x37a: {  	_ =	strace $0x90000047  }
0x37b: {  	s0 =	stileid.u32;
	[bflag:$0x2] =	sbarrier.arrive $0xFFFF  }
0x37c: {  	p0 =	sne.s32 s0, $0x0;
	s0 =	rddreg [dreg:$0x6]  }
0x37d: {  	s0 =	sadd.s32 @!p0 $0x100000, s0  }
0x37e: {  	[sflag:s0] =	ssyncadd.tile.s32 @!p0 $0x1;
	_ =	shalt  }
.Lfunc_end2:
_tile_overlayer_lowered:
.L_overlay_start_2:
0x37f: {  	(tag) =	ssettag $0x2  }
0x380: {  	s0 =	rddreg [dreg:$0x0];
	s2 =	stileid.u32  }
0x381: {  	s1 =	rddreg [dreg:$0x1];
	p0 =	sne.s32 s2, $0x0  }
0x382: {  	s3 =	rddreg [dreg:$0x2];
	[bflag:$0x3] =	sbarrier.arrive $0xFFFF;
	s2 =	simm.s32 @!p0 $0x1C03  }
0x383: {  	[timem:s3], [sflag:s2] =	dma.local @!p0 [hbm:s0], s1  }
0x384: {  	s0 =	simm.s32 @!p0 $0x3  }
0x385: {  	_ =	swait.ge @!p0 [sflag:s0], s1  }
0x386: {  	s1 =	ssub.s32 @!p0 $0x0, s1;
	[sflag:s0] =	ssyncset.done @!p0 $0x0  }
0x387: {  	[sflag:s0] =	ssyncadd.s32 @!p0 s1  }
0x388: {  	[bflag:$0x3] =	sbarrier.arrive $0xFFFF  }
0x389: {  	_ =	shalt  }

</sc_bundles>
